<compile_context>
chip_gen: v7x
topology: tpu7x:2x2x1
jax: 0.10.2.dev20260603
libtpu: 0.0.44.dev20260713+nightly
codegen_flags: <defaults>
</compile_context>

<pallas_src>
import functools
import jax
import jax.numpy as jnp
from jax import lax
from jax.experimental import pallas as pl
from jax.experimental.pallas import tpu as pltpu
from jax.experimental.pallas import tpu_sc as plsc

NC = 2
NS = 16
NW = NC * NS
WIN = 256
BLK = 256

@functools.cache
def _mesh():
  return plsc.VectorSubcoreMesh(core_axis_name="c", subcore_axis_name="s",
                                num_cores=NC, num_subcores=NS)



def _sc_degree(n_pad, steps):

  @functools.partial(
      pl.kernel,
      out_type=jax.ShapeDtypeStruct((NW, n_pad), jnp.float32),
      mesh=_mesh(),
      compiler_params=pltpu.CompilerParams(needs_layout_passes=False),
      scratch_types=[
          pltpu.VMEM((n_pad,), jnp.float32),
          pltpu.VMEM((steps, 2, WIN), jnp.int32),
      ],
  )
  def k(sd_hbm, out_hbm, deg_v, dbuf):
    cid = lax.axis_index("c")
    sid = lax.axis_index("s")
    w = cid * NS + sid
    zeros = jnp.zeros((16,), jnp.float32)
    ones = jnp.ones((16,), jnp.float32)

    @pl.loop(0, n_pad, step=16)
    def _(i):
      deg_v[pl.ds(i, 16)] = zeros

    pltpu.sync_copy(sd_hbm.at[w, pl.ds(0, steps)], dbuf)

    @pl.loop(0, steps)
    def _(s):
      for j in range(WIN // 16):
        idx = dbuf[s, 1, pl.ds(j * 16, 16)]
        plsc.addupdate_scatter(deg_v, [idx], ones)

    pltpu.sync_copy(deg_v, out_hbm.at[w])

  return k


def _rd_chunks(rows_per_sub):
  out, off = [], 0
  while off < rows_per_sub:
    c = min(WIN, rows_per_sub - off)
    out.append((off, c))
    off += c
  return out


def _sc_scatter_rows(n_pad, steps, h):
  rows_per_sub = n_pad // NS

  @functools.partial(
      pl.kernel,
      out_type=jax.ShapeDtypeStruct((NC, n_pad, h), jnp.float32),
      mesh=_mesh(),
      scratch_types=[
          pltpu.VMEM_SHARED((n_pad, h), jnp.float32),
          pltpu.VMEM((WIN, h), jnp.float32),
          pltpu.VMEM((WIN,), jnp.int32),
          pltpu.VMEM((WIN,), jnp.int32),
      ],
  )
  def k(g_hbm, sd_hbm, zeros_hbm, out_hbm, accum, rows, sbuf, dbuf):
    cid = lax.axis_index("c")
    sid = lax.axis_index("s")
    w = cid * NS + sid
    base = sid * rows_per_sub

    pltpu.sync_copy(zeros_hbm, rows)
    for off, cc in _rd_chunks(rows_per_sub):
      pltpu.sync_copy(rows.at[pl.ds(0, cc)], accum.at[pl.ds(base + off, cc)])
    plsc.subcore_barrier()

    @pl.loop(0, steps)
    def _(s):
      pltpu.sync_copy(sd_hbm.at[w, s, 0], sbuf)
      pltpu.sync_copy(sd_hbm.at[w, s, 1], dbuf)
      pltpu.sync_copy(g_hbm.at[sbuf], rows)
      pltpu.sync_copy(rows, accum.at[dbuf], add=True)

    plsc.subcore_barrier()
    for off, cc in _rd_chunks(rows_per_sub):
      pltpu.sync_copy(accum.at[pl.ds(base + off, cc)], rows.at[pl.ds(0, cc)])
      pltpu.sync_copy(rows.at[pl.ds(0, cc)],
                      out_hbm.at[cid, pl.ds(base + off, cc)])

  return k



def _elu(x):
  return jnp.where(x > 0, x, jnp.exp(jnp.minimum(x, 0.0)) - 1.0)


def _tc_prep(deg_ref, x_ref, w_ref, g_ref, dinv_ref):
  deg = jnp.sum(deg_ref[...], axis=0)[:, None] + 1.0
  dinv = lax.rsqrt(deg)
  g_ref[...] = jnp.dot(x_ref[...], w_ref[...],
                       preferred_element_type=jnp.float32) * dinv
  dinv_ref[...] = dinv


def _tc_mid(s0_ref, s1_ref, g_ref, dinv_ref, b_ref, w_ref, out_ref):
  dinv = dinv_ref[...]
  a = _elu(dinv * (s0_ref[...] + s1_ref[...] + g_ref[...]) + b_ref[...])
  out_ref[...] = jnp.dot(a, w_ref[...],
                         preferred_element_type=jnp.float32) * dinv


def _tc_final(s0_ref, s1_ref, g_ref, dinv_ref, b_ref, wfc_ref, bfc_ref,
              out_ref):
  dinv = dinv_ref[...]
  a = _elu(dinv * (s0_ref[...] + s1_ref[...] + g_ref[...]) + b_ref[...])
  z = jnp.dot(a, wfc_ref[...], preferred_element_type=jnp.float32) \
      + bfc_ref[...]
  m = jnp.max(z, axis=-1, keepdims=True)
  lse = m + jnp.log(jnp.sum(jnp.exp(z - m), axis=-1, keepdims=True))
  out_ref[...] = z - lse


def _row_spec(h):
  return pl.BlockSpec((BLK, h), lambda i: (i, 0))


def _full_spec(shape):
  return pl.BlockSpec(shape, lambda i: tuple(0 for _ in shape))



@jax.jit
def kernel(x, edge_index, W1, b1, W2, b2, W3, b3, Wfc, bfc):
  n, f_in = x.shape
  h = W1.shape[1]
  c = Wfc.shape[1]
  e = edge_index.shape[1]

  n_pad = ((n + BLK - 1) // BLK) * BLK
  steps = (e + NW * WIN - 1) // (NW * WIN)
  e_pad = steps * WIN * NW

  x_pad = jnp.zeros((n_pad, f_in), x.dtype).at[:n].set(x)
  pad_idx = jnp.full((e_pad - e,), n, jnp.int32)
  sd = jnp.stack(
      [jnp.concatenate([edge_index[0], pad_idx]).reshape(NW, steps, WIN),
       jnp.concatenate([edge_index[1], pad_idx]).reshape(NW, steps, WIN)],
      axis=2)

  zeros_h = jnp.zeros((WIN, h), jnp.float32)

  grid = n_pad // BLK

  deg = _sc_degree(n_pad, steps)(sd)

  g1, dinv = pl.pallas_call(
      _tc_prep,
      grid=(grid,),
      in_specs=[pl.BlockSpec((NW, BLK), lambda i: (0, i)), _row_spec(f_in),
                _full_spec((f_in, h))],
      out_specs=[_row_spec(h), pl.BlockSpec((BLK, 1), lambda i: (i, 0))],
      out_shape=[jax.ShapeDtypeStruct((n_pad, h), jnp.float32),
                 jax.ShapeDtypeStruct((n_pad, 1), jnp.float32)],
  )(deg, x_pad, W1)

  scat = _sc_scatter_rows(n_pad, steps, h)

  def mid(g_prev, b_prev, w_next):
    s = scat(g_prev, sd, zeros_h)
    return pl.pallas_call(
        _tc_mid,
        grid=(grid,),
        in_specs=[_row_spec(h), _row_spec(h), _row_spec(h),
                  pl.BlockSpec((BLK, 1), lambda i: (i, 0)),
                  _full_spec((1, h)), _full_spec((h, h))],
        out_specs=_row_spec(h),
        out_shape=jax.ShapeDtypeStruct((n_pad, h), jnp.float32),
    )(s[0], s[1], g_prev, dinv, b_prev.reshape(1, h), w_next)

  g2 = mid(g1, b1, W2)
  g3 = mid(g2, b2, W3)

  s3 = scat(g3, sd, zeros_h)
  out = pl.pallas_call(
      _tc_final,
      grid=(grid,),
      in_specs=[_row_spec(h), _row_spec(h), _row_spec(h),
                pl.BlockSpec((BLK, 1), lambda i: (i, 0)),
                _full_spec((1, h)), _full_spec((h, c)), _full_spec((1, c))],
      out_specs=_row_spec(c),
      out_shape=jax.ShapeDtypeStruct((n_pad, c), jnp.float32),
  )(s3[0], s3[1], g3, dinv, b3.reshape(1, h), Wfc, bfc.reshape(1, c))

  return out[:n]

# --- scband reference (transcript-rebuilt; emitter-appended) ---
"""Pipeline reference for scband-gcn-30794915512600 (READ-ONLY COPY).

The authoritative reference and input builder live on the scoring server;
editing this copy changes nothing except your own understanding.
"""

import jax, jax.numpy as jnp
import numpy as np

N = 10000
E = 320000
F_IN = 128
H = 128
C = 16


def gcn_conv(x, edge_index, W, b):
    n = x.shape[0]
    loops = jnp.arange(n, dtype=edge_index.dtype)
    src = jnp.concatenate([edge_index[0], loops])
    dst = jnp.concatenate([edge_index[1], loops])
    deg = jax.ops.segment_sum(jnp.ones_like(src, dtype=x.dtype), dst, num_segments=n)
    dinv = jnp.where(deg > 0, jax.lax.rsqrt(jnp.maximum(deg, 1e-12)), 0.0)
    norm = dinv[src] * dinv[dst]
    h = x @ W
    msg = h[src] * norm[:, None]
    out = jax.ops.segment_sum(msg, dst, num_segments=n)
    return out + b


def setup_inputs(seed: int = 0) -> dict:
    key = jax.random.key(seed)
    ks = jax.random.split(key, 12)
    x = jax.random.normal(ks[0], (N, F_IN), dtype=jnp.float32)
    edge_index = jax.random.randint(ks[1], (2, E), 0, N, dtype=jnp.int32)
    W1 = jax.random.normal(ks[2], (F_IN, H), dtype=jnp.float32) * (1.0 / np.sqrt(F_IN))
    b1 = jnp.zeros((H,), dtype=jnp.float32)
    W2 = jax.random.normal(ks[3], (H, H), dtype=jnp.float32) * (1.0 / np.sqrt(H))
    b2 = jnp.zeros((H,), dtype=jnp.float32)
    W3 = jax.random.normal(ks[4], (H, H), dtype=jnp.float32) * (1.0 / np.sqrt(H))
    b3 = jnp.zeros((H,), dtype=jnp.float32)
    Wfc = jax.random.normal(ks[5], (H, C), dtype=jnp.float32) * (1.0 / np.sqrt(H))
    bfc = jnp.zeros((C,), dtype=jnp.float32)
    return {"x": x, "edge_index": edge_index, "W1": W1, "b1": b1, "W2": W2, "b2": b2, "W3": W3, "b3": b3, "Wfc": Wfc, "bfc": bfc}


def reference(x, edge_index, W1, b1, W2, b2, W3, b3, Wfc, bfc):
    h = gcn_conv(x, edge_index, W1, b1)
    h = jax.nn.elu(h)
    # dropout is identity in eval mode
    h = gcn_conv(h, edge_index, W2, b2)
    h = jax.nn.elu(h)
    h = gcn_conv(h, edge_index, W3, b3)
    h = jax.nn.elu(h)
    logits = h @ Wfc + bfc
    return jax.nn.log_softmax(logits, axis=-1)

if __name__ == "__main__":
    import jax
    _d = setup_inputs()
    print(jax.jit(kernel)(*tuple(_d.values())))

</pallas_src>

<mosaic_0001>
#map = affine_map<(d0, d1) -> (0, 0)>
#map1 = affine_map<(d0, d1) -> (0, 0, 0, 0)>
#map2 = affine_map<(d0, d1) -> (0, 0, 0)>
module attributes {stable_mosaic.version = 14 : i64} {
  func.func @k(%arg0: i32, %arg1: i32, %arg2: memref<10240x128xf32, #tpu.memory_space<hbm>>, %arg3: memref<32x40x2x256xi32, #tpu.memory_space<hbm>>, %arg4: memref<256x128xf32, #tpu.memory_space<hbm>>, %arg5: memref<2x10240x128xf32, #tpu.memory_space<hbm>>, %arg6: memref<10240x128xf32, #tpu.memory_space<vmem_shared>>, %arg7: memref<256x128xf32, #tpu.memory_space<vmem>>, %arg8: memref<256xi32, #tpu.memory_space<vmem>>, %arg9: memref<256xi32, #tpu.memory_space<vmem>>) attributes {dimension_semantics = [#tpu.dimension_semantics<core_parallel>, #tpu.dimension_semantics<subcore_parallel>], iteration_bounds = array<i64: 2, 16>, scalar_prefetch = 0 : i64, scratch_operands = 4 : i64, tpu.core_type = #tpu.core_type<sc_vector_subcore>, window_params = [{transform_indices = #map}, {transform_indices = #map1}, {transform_indices = #map}, {transform_indices = #map2}]} {
    %mul3A = arith.constant 16 : i32
    %mul3A_0 = arith.muli %arg0, %mul3A : i32
    %add3A = arith.addi %mul3A_0, %arg1 : i32
    %mul3A_1 = arith.constant 640 : i32
    %mul3A_2 = arith.muli %arg1, %mul3A_1 : i32
    "tpu.region"() ({
      %run_scoped3A = tpu.sem_alloc : memref<!tpu.dma_semaphore, #tpu.memory_space<semaphore_mem>>
      tpu.enqueue_dma source(%arg4 : memref<256x128xf32, #tpu.memory_space<hbm>>) target(%arg7 : memref<256x128xf32, #tpu.memory_space<vmem>>) target_semaphore(%run_scoped3A : memref<!tpu.dma_semaphore, #tpu.memory_space<semaphore_mem>>)
      tpu.wait_dma2 semaphore(%run_scoped3A : memref<!tpu.dma_semaphore, #tpu.memory_space<semaphore_mem>>) src(%arg4 : memref<256x128xf32, #tpu.memory_space<hbm>>) dst(%arg7 : memref<256x128xf32, #tpu.memory_space<vmem>>)
      tpu.yield
    }) : () -> ()
    %add3A_3 = arith.constant 0 : i32
    %add3A_4 = arith.addi %mul3A_2, %add3A_3 : i32
    "tpu.region"() ({
      %run_scoped3A = tpu.sem_alloc : memref<!tpu.dma_semaphore, #tpu.memory_space<semaphore_mem>>
      %dma_start3A = arith.constant 0 : i32
      %dma_start3A_26 = arith.constant 0 : i32
      %dma_start3A_27 = tpu.memref_slice %arg7[%dma_start3A, %dma_start3A_26] : memref<256x128xf32, #tpu.memory_space<vmem>> -> memref<256x128xf32, #tpu.memory_space<vmem>>
      %dma_start3A_28 = arith.constant 0 : i32
      %dma_start3A_29 = tpu.memref_slice %arg6[%add3A_4, %dma_start3A_28] : memref<10240x128xf32, #tpu.memory_space<vmem_shared>> -> memref<256x128xf32, #tpu.memory_space<vmem_shared>>
      %dma_start3A_30 = arith.constant 0 : i32
      %dma_start3A_31 = tpu.memref_slice %arg6[%add3A_4, %dma_start3A_30] : memref<10240x128xf32, #tpu.memory_space<vmem_shared>> -> memref<256x128xf32, #tpu.memory_space<vmem_shared>>
      %dma_start3A_32 = arith.constant 0 : i32
      %dma_start3A_33 = arith.constant 0 : i32
      %dma_start3A_34 = tpu.memref_slice %arg7[%dma_start3A_32, %dma_start3A_33] : memref<256x128xf32, #tpu.memory_space<vmem>> -> memref<256x128xf32, #tpu.memory_space<vmem>>
      tpu.enqueue_dma source(%dma_start3A_34 : memref<256x128xf32, #tpu.memory_space<vmem>>) target(%dma_start3A_31 : memref<256x128xf32, #tpu.memory_space<vmem_shared>>) target_semaphore(%run_scoped3A : memref<!tpu.dma_semaphore, #tpu.memory_space<semaphore_mem>>)
      %dma_wait3A = arith.constant 0 : i32
      %dma_wait3A_35 = arith.constant 0 : i32
      %dma_wait3A_36 = tpu.memref_slice %arg7[%dma_wait3A, %dma_wait3A_35] : memref<256x128xf32, #tpu.memory_space<vmem>> -> memref<256x128xf32, #tpu.memory_space<vmem>>
      %dma_wait3A_37 = arith.constant 0 : i32
      %dma_wait3A_38 = tpu.memref_slice %arg6[%add3A_4, %dma_wait3A_37] : memref<10240x128xf32, #tpu.memory_space<vmem_shared>> -> memref<256x128xf32, #tpu.memory_space<vmem_shared>>
      %dma_wait3A_39 = arith.constant 0 : i32
      %dma_wait3A_40 = tpu.memref_slice %arg6[%add3A_4, %dma_wait3A_39] : memref<10240x128xf32, #tpu.memory_space<vmem_shared>> -> memref<256x128xf32, #tpu.memory_space<vmem_shared>>
      %dma_wait3A_41 = arith.constant 0 : i32
      %dma_wait3A_42 = arith.constant 0 : i32
      %dma_wait3A_43 = tpu.memref_slice %arg7[%dma_wait3A_41, %dma_wait3A_42] : memref<256x128xf32, #tpu.memory_space<vmem>> -> memref<256x128xf32, #tpu.memory_space<vmem>>
      tpu.wait_dma2 semaphore(%run_scoped3A : memref<!tpu.dma_semaphore, #tpu.memory_space<semaphore_mem>>) src(%dma_wait3A_43 : memref<256x128xf32, #tpu.memory_space<vmem>>) dst(%dma_wait3A_40 : memref<256x128xf32, #tpu.memory_space<vmem_shared>>)
      tpu.yield
    }) : () -> ()
    %add3A_5 = arith.constant 256 : i32
    %add3A_6 = arith.addi %mul3A_2, %add3A_5 : i32
    "tpu.region"() ({
      %run_scoped3A = tpu.sem_alloc : memref<!tpu.dma_semaphore, #tpu.memory_space<semaphore_mem>>
      %dma_start3A = arith.constant 0 : i32
      %dma_start3A_26 = arith.constant 0 : i32
      %dma_start3A_27 = tpu.memref_slice %arg7[%dma_start3A, %dma_start3A_26] : memref<256x128xf32, #tpu.memory_space<vmem>> -> memref<256x128xf32, #tpu.memory_space<vmem>>
      %dma_start3A_28 = arith.constant 0 : i32
      %dma_start3A_29 = tpu.memref_slice %arg6[%add3A_6, %dma_start3A_28] : memref<10240x128xf32, #tpu.memory_space<vmem_shared>> -> memref<256x128xf32, #tpu.memory_space<vmem_shared>>
      %dma_start3A_30 = arith.constant 0 : i32
      %dma_start3A_31 = tpu.memref_slice %arg6[%add3A_6, %dma_start3A_30] : memref<10240x128xf32, #tpu.memory_space<vmem_shared>> -> memref<256x128xf32, #tpu.memory_space<vmem_shared>>
      %dma_start3A_32 = arith.constant 0 : i32
      %dma_start3A_33 = arith.constant 0 : i32
      %dma_start3A_34 = tpu.memref_slice %arg7[%dma_start3A_32, %dma_start3A_33] : memref<256x128xf32, #tpu.memory_space<vmem>> -> memref<256x128xf32, #tpu.memory_space<vmem>>
      tpu.enqueue_dma source(%dma_start3A_34 : memref<256x128xf32, #tpu.memory_space<vmem>>) target(%dma_start3A_31 : memref<256x128xf32, #tpu.memory_space<vmem_shared>>) target_semaphore(%run_scoped3A : memref<!tpu.dma_semaphore, #tpu.memory_space<semaphore_mem>>)
      %dma_wait3A = arith.constant 0 : i32
      %dma_wait3A_35 = arith.constant 0 : i32
      %dma_wait3A_36 = tpu.memref_slice %arg7[%dma_wait3A, %dma_wait3A_35] : memref<256x128xf32, #tpu.memory_space<vmem>> -> memref<256x128xf32, #tpu.memory_space<vmem>>
      %dma_wait3A_37 = arith.constant 0 : i32
      %dma_wait3A_38 = tpu.memref_slice %arg6[%add3A_6, %dma_wait3A_37] : memref<10240x128xf32, #tpu.memory_space<vmem_shared>> -> memref<256x128xf32, #tpu.memory_space<vmem_shared>>
      %dma_wait3A_39 = arith.constant 0 : i32
      %dma_wait3A_40 = tpu.memref_slice %arg6[%add3A_6, %dma_wait3A_39] : memref<10240x128xf32, #tpu.memory_space<vmem_shared>> -> memref<256x128xf32, #tpu.memory_space<vmem_shared>>
      %dma_wait3A_41 = arith.constant 0 : i32
      %dma_wait3A_42 = arith.constant 0 : i32
      %dma_wait3A_43 = tpu.memref_slice %arg7[%dma_wait3A_41, %dma_wait3A_42] : memref<256x128xf32, #tpu.memory_space<vmem>> -> memref<256x128xf32, #tpu.memory_space<vmem>>
      tpu.wait_dma2 semaphore(%run_scoped3A : memref<!tpu.dma_semaphore, #tpu.memory_space<semaphore_mem>>) src(%dma_wait3A_43 : memref<256x128xf32, #tpu.memory_space<vmem>>) dst(%dma_wait3A_40 : memref<256x128xf32, #tpu.memory_space<vmem_shared>>)
      tpu.yield
    }) : () -> ()
    %add3A_7 = arith.constant 512 : i32
    %add3A_8 = arith.addi %mul3A_2, %add3A_7 : i32
    "tpu.region"() ({
      %run_scoped3A = tpu.sem_alloc : memref<!tpu.dma_semaphore, #tpu.memory_space<semaphore_mem>>
      %dma_start3A = arith.constant 0 : i32
      %dma_start3A_26 = arith.constant 0 : i32
      %dma_start3A_27 = tpu.memref_slice %arg7[%dma_start3A, %dma_start3A_26] : memref<256x128xf32, #tpu.memory_space<vmem>> -> memref<128x128xf32, #tpu.memory_space<vmem>>
      %dma_start3A_28 = arith.constant 0 : i32
      %dma_start3A_29 = tpu.memref_slice %arg6[%add3A_8, %dma_start3A_28] : memref<10240x128xf32, #tpu.memory_space<vmem_shared>> -> memref<128x128xf32, #tpu.memory_space<vmem_shared>>
      %dma_start3A_30 = arith.constant 0 : i32
      %dma_start3A_31 = tpu.memref_slice %arg6[%add3A_8, %dma_start3A_30] : memref<10240x128xf32, #tpu.memory_space<vmem_shared>> -> memref<128x128xf32, #tpu.memory_space<vmem_shared>>
      %dma_start3A_32 = arith.constant 0 : i32
      %dma_start3A_33 = arith.constant 0 : i32
      %dma_start3A_34 = tpu.memref_slice %arg7[%dma_start3A_32, %dma_start3A_33] : memref<256x128xf32, #tpu.memory_space<vmem>> -> memref<128x128xf32, #tpu.memory_space<vmem>>
      tpu.enqueue_dma source(%dma_start3A_34 : memref<128x128xf32, #tpu.memory_space<vmem>>) target(%dma_start3A_31 : memref<128x128xf32, #tpu.memory_space<vmem_shared>>) target_semaphore(%run_scoped3A : memref<!tpu.dma_semaphore, #tpu.memory_space<semaphore_mem>>)
      %dma_wait3A = arith.constant 0 : i32
      %dma_wait3A_35 = arith.constant 0 : i32
      %dma_wait3A_36 = tpu.memref_slice %arg7[%dma_wait3A, %dma_wait3A_35] : memref<256x128xf32, #tpu.memory_space<vmem>> -> memref<128x128xf32, #tpu.memory_space<vmem>>
      %dma_wait3A_37 = arith.constant 0 : i32
      %dma_wait3A_38 = tpu.memref_slice %arg6[%add3A_8, %dma_wait3A_37] : memref<10240x128xf32, #tpu.memory_space<vmem_shared>> -> memref<128x128xf32, #tpu.memory_space<vmem_shared>>
      %dma_wait3A_39 = arith.constant 0 : i32
      %dma_wait3A_40 = tpu.memref_slice %arg6[%add3A_8, %dma_wait3A_39] : memref<10240x128xf32, #tpu.memory_space<vmem_shared>> -> memref<128x128xf32, #tpu.memory_space<vmem_shared>>
      %dma_wait3A_41 = arith.constant 0 : i32
      %dma_wait3A_42 = arith.constant 0 : i32
      %dma_wait3A_43 = tpu.memref_slice %arg7[%dma_wait3A_41, %dma_wait3A_42] : memref<256x128xf32, #tpu.memory_space<vmem>> -> memref<128x128xf32, #tpu.memory_space<vmem>>
      tpu.wait_dma2 semaphore(%run_scoped3A : memref<!tpu.dma_semaphore, #tpu.memory_space<semaphore_mem>>) src(%dma_wait3A_43 : memref<128x128xf32, #tpu.memory_space<vmem>>) dst(%dma_wait3A_40 : memref<128x128xf32, #tpu.memory_space<vmem_shared>>)
      tpu.yield
    }) : () -> ()
    %barrier3A = arith.constant 0 : index
    tpu.barrier barrier_id(%barrier3A)
    %scan3A = arith.constant 0 : i32
    %scan3A_9 = arith.constant 40 : i32
    %scan3A_10 = arith.addi %scan3A, %scan3A_9 : i32
    %scan3A_11 = arith.constant 1 : i32
    scf.for %scan3A_26 = %scan3A to %scan3A_10 step %scan3A_11  : i32 {
      %mul3A_27 = arith.constant 1 : i32
      %mul3A_28 = arith.muli %scan3A_26, %mul3A_27 : i32
      %add3A_29 = arith.constant 0 : i32
      %add3A_30 = arith.addi %add3A_29, %mul3A_28 : i32
      %run_scoped3A = arith.constant 0 : i32
      "tpu.region"() ({
        %run_scoped3A_32 = tpu.sem_alloc : memref<!tpu.dma_semaphore, #tpu.memory_space<semaphore_mem>>
        %dma_start3A = arith.constant 0 : i32
        %dma_start3A_33 = tpu.memref_slice %arg3[%add3A, %add3A_30, %run_scoped3A, %dma_start3A] : memref<32x40x2x256xi32, #tpu.memory_space<hbm>> -> memref<1x1x1x256xi32, #tpu.memory_space<hbm>>
        %dma_start3A_34 = tpu.memref_squeeze %dma_start3A_33 : memref<1x1x1x256xi32, #tpu.memory_space<hbm>> -> memref<256xi32, #tpu.memory_space<hbm>>
        %dma_start3A_35 = arith.constant 0 : i32
        %dma_start3A_36 = tpu.memref_slice %arg3[%add3A, %add3A_30, %run_scoped3A, %dma_start3A_35] : memref<32x40x2x256xi32, #tpu.memory_space<hbm>> -> memref<1x1x1x256xi32, #tpu.memory_space<hbm>>
        %dma_start3A_37 = tpu.memref_squeeze %dma_start3A_36 : memref<1x1x1x256xi32, #tpu.memory_space<hbm>> -> memref<256xi32, #tpu.memory_space<hbm>>
        tpu.enqueue_dma source(%dma_start3A_37 : memref<256xi32, #tpu.memory_space<hbm>>) target(%arg8 : memref<256xi32, #tpu.memory_space<vmem>>) target_semaphore(%run_scoped3A_32 : memref<!tpu.dma_semaphore, #tpu.memory_space<semaphore_mem>>)
        %dma_wait3A = arith.constant 0 : i32
        %dma_wait3A_38 = tpu.memref_slice %arg3[%add3A, %add3A_30, %run_scoped3A, %dma_wait3A] : memref<32x40x2x256xi32, #tpu.memory_space<hbm>> -> memref<1x1x1x256xi32, #tpu.memory_space<hbm>>
        %dma_wait3A_39 = tpu.memref_squeeze %dma_wait3A_38 : memref<1x1x1x256xi32, #tpu.memory_space<hbm>> -> memref<256xi32, #tpu.memory_space<hbm>>
        %dma_wait3A_40 = arith.constant 0 : i32
        %dma_wait3A_41 = tpu.memref_slice %arg3[%add3A, %add3A_30, %run_scoped3A, %dma_wait3A_40] : memref<32x40x2x256xi32, #tpu.memory_space<hbm>> -> memref<1x1x1x256xi32, #tpu.memory_space<hbm>>
        %dma_wait3A_42 = tpu.memref_squeeze %dma_wait3A_41 : memref<1x1x1x256xi32, #tpu.memory_space<hbm>> -> memref<256xi32, #tpu.memory_space<hbm>>
        tpu.wait_dma2 semaphore(%run_scoped3A_32 : memref<!tpu.dma_semaphore, #tpu.memory_space<semaphore_mem>>) src(%dma_wait3A_42 : memref<256xi32, #tpu.memory_space<hbm>>) dst(%arg8 : memref<256xi32, #tpu.memory_space<vmem>>)
        tpu.yield
      }) : () -> ()
      %run_scoped3A_31 = arith.constant 1 : i32
      "tpu.region"() ({
        %run_scoped3A_32 = tpu.sem_alloc : memref<!tpu.dma_semaphore, #tpu.memory_space<semaphore_mem>>
        %dma_start3A = arith.constant 0 : i32
        %dma_start3A_33 = tpu.memref_slice %arg3[%add3A, %add3A_30, %run_scoped3A_31, %dma_start3A] : memref<32x40x2x256xi32, #tpu.memory_space<hbm>> -> memref<1x1x1x256xi32, #tpu.memory_space<hbm>>
        %dma_start3A_34 = tpu.memref_squeeze %dma_start3A_33 : memref<1x1x1x256xi32, #tpu.memory_space<hbm>> -> memref<256xi32, #tpu.memory_space<hbm>>
        %dma_start3A_35 = arith.constant 0 : i32
        %dma_start3A_36 = tpu.memref_slice %arg3[%add3A, %add3A_30, %run_scoped3A_31, %dma_start3A_35] : memref<32x40x2x256xi32, #tpu.memory_space<hbm>> -> memref<1x1x1x256xi32, #tpu.memory_space<hbm>>
        %dma_start3A_37 = tpu.memref_squeeze %dma_start3A_36 : memref<1x1x1x256xi32, #tpu.memory_space<hbm>> -> memref<256xi32, #tpu.memory_space<hbm>>
        tpu.enqueue_dma source(%dma_start3A_37 : memref<256xi32, #tpu.memory_space<hbm>>) target(%arg9 : memref<256xi32, #tpu.memory_space<vmem>>) target_semaphore(%run_scoped3A_32 : memref<!tpu.dma_semaphore, #tpu.memory_space<semaphore_mem>>)
        %dma_wait3A = arith.constant 0 : i32
        %dma_wait3A_38 = tpu.memref_slice %arg3[%add3A, %add3A_30, %run_scoped3A_31, %dma_wait3A] : memref<32x40x2x256xi32, #tpu.memory_space<hbm>> -> memref<1x1x1x256xi32, #tpu.memory_space<hbm>>
        %dma_wait3A_39 = tpu.memref_squeeze %dma_wait3A_38 : memref<1x1x1x256xi32, #tpu.memory_space<hbm>> -> memref<256xi32, #tpu.memory_space<hbm>>
        %dma_wait3A_40 = arith.constant 0 : i32
        %dma_wait3A_41 = tpu.memref_slice %arg3[%add3A, %add3A_30, %run_scoped3A_31, %dma_wait3A_40] : memref<32x40x2x256xi32, #tpu.memory_space<hbm>> -> memref<1x1x1x256xi32, #tpu.memory_space<hbm>>
        %dma_wait3A_42 = tpu.memref_squeeze %dma_wait3A_41 : memref<1x1x1x256xi32, #tpu.memory_space<hbm>> -> memref<256xi32, #tpu.memory_space<hbm>>
        tpu.wait_dma2 semaphore(%run_scoped3A_32 : memref<!tpu.dma_semaphore, #tpu.memory_space<semaphore_mem>>) src(%dma_wait3A_42 : memref<256xi32, #tpu.memory_space<hbm>>) dst(%arg9 : memref<256xi32, #tpu.memory_space<vmem>>)
        tpu.yield
      }) : () -> ()
      "tpu.region"() ({
        %run_scoped3A_32 = tpu.sem_alloc : memref<!tpu.dma_semaphore, #tpu.memory_space<semaphore_mem>>
        %dma_start3A = arith.constant 0 : i32
        %dma_start3A_33 = arith.constant 0 : i32
        %dma_start3A_34 = tpu.memref_slice %arg2[%dma_start3A, %dma_start3A_33] : memref<10240x128xf32, #tpu.memory_space<hbm>> -> memref<10240x128xf32, #tpu.memory_space<hbm>>
        tpu.enqueue_indirect_dma source(%dma_start3A_34 : memref<10240x128xf32, #tpu.memory_space<hbm>>) target(%arg7 : memref<256x128xf32, #tpu.memory_space<vmem>>) offsets(%arg8 : memref<256xi32, #tpu.memory_space<vmem>>) semaphore(%run_scoped3A_32 : memref<!tpu.dma_semaphore, #tpu.memory_space<semaphore_mem>>)
        %dma_wait3A = arith.constant 0 : i32
        %dma_wait3A_35 = arith.constant 0 : i32
        %dma_wait3A_36 = tpu.memref_slice %arg2[%dma_wait3A, %dma_wait3A_35] : memref<10240x128xf32, #tpu.memory_space<hbm>> -> memref<10240x128xf32, #tpu.memory_space<hbm>>
        tpu.wait_indirect_dma semaphore(%run_scoped3A_32 : memref<!tpu.dma_semaphore, #tpu.memory_space<semaphore_mem>>) src(%dma_wait3A_36 : memref<10240x128xf32, #tpu.memory_space<hbm>>) dst(%arg7 : memref<256x128xf32, #tpu.memory_space<vmem>>)
        tpu.yield
      }) : () -> ()
      "tpu.region"() ({
        %run_scoped3A_32 = tpu.sem_alloc : memref<!tpu.dma_semaphore, #tpu.memory_space<semaphore_mem>>
        %dma_start3A = arith.constant 0 : i32
        %dma_start3A_33 = arith.constant 0 : i32
        %dma_start3A_34 = tpu.memref_slice %arg6[%dma_start3A, %dma_start3A_33] : memref<10240x128xf32, #tpu.memory_space<vmem_shared>> -> memref<10240x128xf32, #tpu.memory_space<vmem_shared>>
        tpu.enqueue_indirect_dma source(%arg7 : memref<256x128xf32, #tpu.memory_space<vmem>>) target(%dma_start3A_34 : memref<10240x128xf32, #tpu.memory_space<vmem_shared>>) offsets(%arg9 : memref<256xi32, #tpu.memory_space<vmem>>) semaphore(%run_scoped3A_32 : memref<!tpu.dma_semaphore, #tpu.memory_space<semaphore_mem>>) {add = true}
        %dma_wait3A = arith.constant 0 : i32
        %dma_wait3A_35 = arith.constant 0 : i32
        %dma_wait3A_36 = tpu.memref_slice %arg6[%dma_wait3A, %dma_wait3A_35] : memref<10240x128xf32, #tpu.memory_space<vmem_shared>> -> memref<10240x128xf32, #tpu.memory_space<vmem_shared>>
        tpu.wait_indirect_dma semaphore(%run_scoped3A_32 : memref<!tpu.dma_semaphore, #tpu.memory_space<semaphore_mem>>) src(%arg7 : memref<256x128xf32, #tpu.memory_space<vmem>>) dst(%dma_wait3A_36 : memref<10240x128xf32, #tpu.memory_space<vmem_shared>>)
        tpu.yield
      }) : () -> ()
    }
    %scan3A_12 = arith.constant 40 : i32
    %barrier3A_13 = arith.constant 0 : index
    tpu.barrier barrier_id(%barrier3A_13)
    %add3A_14 = arith.constant 0 : i32
    %add3A_15 = arith.addi %mul3A_2, %add3A_14 : i32
    "tpu.region"() ({
      %run_scoped3A = tpu.sem_alloc : memref<!tpu.dma_semaphore, #tpu.memory_space<semaphore_mem>>
      %dma_start3A = arith.constant 0 : i32
      %dma_start3A_26 = arith.constant 0 : i32
      %dma_start3A_27 = tpu.memref_slice %arg7[%dma_start3A, %dma_start3A_26] : memref<256x128xf32, #tpu.memory_space<vmem>> -> memref<256x128xf32, #tpu.memory_space<vmem>>
      %dma_start3A_28 = arith.constant 0 : i32
      %dma_start3A_29 = tpu.memref_slice %arg6[%add3A_15, %dma_start3A_28] : memref<10240x128xf32, #tpu.memory_space<vmem_shared>> -> memref<256x128xf32, #tpu.memory_space<vmem_shared>>
      %dma_start3A_30 = arith.constant 0 : i32
      %dma_start3A_31 = arith.constant 0 : i32
      %dma_start3A_32 = tpu.memref_slice %arg7[%dma_start3A_30, %dma_start3A_31] : memref<256x128xf32, #tpu.memory_space<vmem>> -> memref<256x128xf32, #tpu.memory_space<vmem>>
      %dma_start3A_33 = arith.constant 0 : i32
      %dma_start3A_34 = tpu.memref_slice %arg6[%add3A_15, %dma_start3A_33] : memref<10240x128xf32, #tpu.memory_space<vmem_shared>> -> memref<256x128xf32, #tpu.memory_space<vmem_shared>>
      tpu.enqueue_dma source(%dma_start3A_34 : memref<256x128xf32, #tpu.memory_space<vmem_shared>>) target(%dma_start3A_32 : memref<256x128xf32, #tpu.memory_space<vmem>>) target_semaphore(%run_scoped3A : memref<!tpu.dma_semaphore, #tpu.memory_space<semaphore_mem>>)
      %dma_wait3A = arith.constant 0 : i32
      %dma_wait3A_35 = arith.constant 0 : i32
      %dma_wait3A_36 = tpu.memref_slice %arg7[%dma_wait3A, %dma_wait3A_35] : memref<256x128xf32, #tpu.memory_space<vmem>> -> memref<256x128xf32, #tpu.memory_space<vmem>>
      %dma_wait3A_37 = arith.constant 0 : i32
      %dma_wait3A_38 = tpu.memref_slice %arg6[%add3A_15, %dma_wait3A_37] : memref<10240x128xf32, #tpu.memory_space<vmem_shared>> -> memref<256x128xf32, #tpu.memory_space<vmem_shared>>
      %dma_wait3A_39 = arith.constant 0 : i32
      %dma_wait3A_40 = arith.constant 0 : i32
      %dma_wait3A_41 = tpu.memref_slice %arg7[%dma_wait3A_39, %dma_wait3A_40] : memref<256x128xf32, #tpu.memory_space<vmem>> -> memref<256x128xf32, #tpu.memory_space<vmem>>
      %dma_wait3A_42 = arith.constant 0 : i32
      %dma_wait3A_43 = tpu.memref_slice %arg6[%add3A_15, %dma_wait3A_42] : memref<10240x128xf32, #tpu.memory_space<vmem_shared>> -> memref<256x128xf32, #tpu.memory_space<vmem_shared>>
      tpu.wait_dma2 semaphore(%run_scoped3A : memref<!tpu.dma_semaphore, #tpu.memory_space<semaphore_mem>>) src(%dma_wait3A_43 : memref<256x128xf32, #tpu.memory_space<vmem_shared>>) dst(%dma_wait3A_41 : memref<256x128xf32, #tpu.memory_space<vmem>>)
      tpu.yield
    }) : () -> ()
    %add3A_16 = arith.constant 0 : i32
    %add3A_17 = arith.addi %mul3A_2, %add3A_16 : i32
    "tpu.region"() ({
      %run_scoped3A = tpu.sem_alloc : memref<!tpu.dma_semaphore, #tpu.memory_space<semaphore_mem>>
      %dma_start3A = arith.constant 0 : i32
      %dma_start3A_26 = arith.constant 0 : i32
      %dma_start3A_27 = tpu.memref_slice %arg7[%dma_start3A, %dma_start3A_26] : memref<256x128xf32, #tpu.memory_space<vmem>> -> memref<256x128xf32, #tpu.memory_space<vmem>>
      %dma_start3A_28 = arith.constant 0 : i32
      %dma_start3A_29 = tpu.memref_slice %arg5[%arg0, %add3A_17, %dma_start3A_28] : memref<2x10240x128xf32, #tpu.memory_space<hbm>> -> memref<1x256x128xf32, #tpu.memory_space<hbm>>
      %dma_start3A_30 = tpu.memref_squeeze %dma_start3A_29 : memref<1x256x128xf32, #tpu.memory_space<hbm>> -> memref<256x128xf32, #tpu.memory_space<hbm>>
      %dma_start3A_31 = arith.constant 0 : i32
      %dma_start3A_32 = tpu.memref_slice %arg5[%arg0, %add3A_17, %dma_start3A_31] : memref<2x10240x128xf32, #tpu.memory_space<hbm>> -> memref<1x256x128xf32, #tpu.memory_space<hbm>>
      %dma_start3A_33 = tpu.memref_squeeze %dma_start3A_32 : memref<1x256x128xf32, #tpu.memory_space<hbm>> -> memref<256x128xf32, #tpu.memory_space<hbm>>
      %dma_start3A_34 = arith.constant 0 : i32
      %dma_start3A_35 = arith.constant 0 : i32
      %dma_start3A_36 = tpu.memref_slice %arg7[%dma_start3A_34, %dma_start3A_35] : memref<256x128xf32, #tpu.memory_space<vmem>> -> memref<256x128xf32, #tpu.memory_space<vmem>>
      tpu.enqueue_dma source(%dma_start3A_36 : memref<256x128xf32, #tpu.memory_space<vmem>>) target(%dma_start3A_33 : memref<256x128xf32, #tpu.memory_space<hbm>>) target_semaphore(%run_scoped3A : memref<!tpu.dma_semaphore, #tpu.memory_space<semaphore_mem>>)
      %dma_wait3A = arith.constant 0 : i32
      %dma_wait3A_37 = arith.constant 0 : i32
      %dma_wait3A_38 = tpu.memref_slice %arg7[%dma_wait3A, %dma_wait3A_37] : memref<256x128xf32, #tpu.memory_space<vmem>> -> memref<256x128xf32, #tpu.memory_space<vmem>>
      %dma_wait3A_39 = arith.constant 0 : i32
      %dma_wait3A_40 = tpu.memref_slice %arg5[%arg0, %add3A_17, %dma_wait3A_39] : memref<2x10240x128xf32, #tpu.memory_space<hbm>> -> memref<1x256x128xf32, #tpu.memory_space<hbm>>
      %dma_wait3A_41 = tpu.memref_squeeze %dma_wait3A_40 : memref<1x256x128xf32, #tpu.memory_space<hbm>> -> memref<256x128xf32, #tpu.memory_space<hbm>>
      %dma_wait3A_42 = arith.constant 0 : i32
      %dma_wait3A_43 = tpu.memref_slice %arg5[%arg0, %add3A_17, %dma_wait3A_42] : memref<2x10240x128xf32, #tpu.memory_space<hbm>> -> memref<1x256x128xf32, #tpu.memory_space<hbm>>
      %dma_wait3A_44 = tpu.memref_squeeze %dma_wait3A_43 : memref<1x256x128xf32, #tpu.memory_space<hbm>> -> memref<256x128xf32, #tpu.memory_space<hbm>>
      %dma_wait3A_45 = arith.constant 0 : i32
      %dma_wait3A_46 = arith.constant 0 : i32
      %dma_wait3A_47 = tpu.memref_slice %arg7[%dma_wait3A_45, %dma_wait3A_46] : memref<256x128xf32, #tpu.memory_space<vmem>> -> memref<256x128xf32, #tpu.memory_space<vmem>>
      tpu.wait_dma2 semaphore(%run_scoped3A : memref<!tpu.dma_semaphore, #tpu.memory_space<semaphore_mem>>) src(%dma_wait3A_47 : memref<256x128xf32, #tpu.memory_space<vmem>>) dst(%dma_wait3A_44 : memref<256x128xf32, #tpu.memory_space<hbm>>)
      tpu.yield
    }) : () -> ()
    %add3A_18 = arith.constant 256 : i32
    %add3A_19 = arith.addi %mul3A_2, %add3A_18 : i32
    "tpu.region"() ({
      %run_scoped3A = tpu.sem_alloc : memref<!tpu.dma_semaphore, #tpu.memory_space<semaphore_mem>>
      %dma_start3A = arith.constant 0 : i32
      %dma_start3A_26 = arith.constant 0 : i32
      %dma_start3A_27 = tpu.memref_slice %arg7[%dma_start3A, %dma_start3A_26] : memref<256x128xf32, #tpu.memory_space<vmem>> -> memref<256x128xf32, #tpu.memory_space<vmem>>
      %dma_start3A_28 = arith.constant 0 : i32
      %dma_start3A_29 = tpu.memref_slice %arg6[%add3A_19, %dma_start3A_28] : memref<10240x128xf32, #tpu.memory_space<vmem_shared>> -> memref<256x128xf32, #tpu.memory_space<vmem_shared>>
      %dma_start3A_30 = arith.constant 0 : i32
      %dma_start3A_31 = arith.constant 0 : i32
      %dma_start3A_32 = tpu.memref_slice %arg7[%dma_start3A_30, %dma_start3A_31] : memref<256x128xf32, #tpu.memory_space<vmem>> -> memref<256x128xf32, #tpu.memory_space<vmem>>
      %dma_start3A_33 = arith.constant 0 : i32
      %dma_start3A_34 = tpu.memref_slice %arg6[%add3A_19, %dma_start3A_33] : memref<10240x128xf32, #tpu.memory_space<vmem_shared>> -> memref<256x128xf32, #tpu.memory_space<vmem_shared>>
      tpu.enqueue_dma source(%dma_start3A_34 : memref<256x128xf32, #tpu.memory_space<vmem_shared>>) target(%dma_start3A_32 : memref<256x128xf32, #tpu.memory_space<vmem>>) target_semaphore(%run_scoped3A : memref<!tpu.dma_semaphore, #tpu.memory_space<semaphore_mem>>)
      %dma_wait3A = arith.constant 0 : i32
      %dma_wait3A_35 = arith.constant 0 : i32
      %dma_wait3A_36 = tpu.memref_slice %arg7[%dma_wait3A, %dma_wait3A_35] : memref<256x128xf32, #tpu.memory_space<vmem>> -> memref<256x128xf32, #tpu.memory_space<vmem>>
      %dma_wait3A_37 = arith.constant 0 : i32
      %dma_wait3A_38 = tpu.memref_slice %arg6[%add3A_19, %dma_wait3A_37] : memref<10240x128xf32, #tpu.memory_space<vmem_shared>> -> memref<256x128xf32, #tpu.memory_space<vmem_shared>>
      %dma_wait3A_39 = arith.constant 0 : i32
      %dma_wait3A_40 = arith.constant 0 : i32
      %dma_wait3A_41 = tpu.memref_slice %arg7[%dma_wait3A_39, %dma_wait3A_40] : memref<256x128xf32, #tpu.memory_space<vmem>> -> memref<256x128xf32, #tpu.memory_space<vmem>>
      %dma_wait3A_42 = arith.constant 0 : i32
      %dma_wait3A_43 = tpu.memref_slice %arg6[%add3A_19, %dma_wait3A_42] : memref<10240x128xf32, #tpu.memory_space<vmem_shared>> -> memref<256x128xf32, #tpu.memory_space<vmem_shared>>
      tpu.wait_dma2 semaphore(%run_scoped3A : memref<!tpu.dma_semaphore, #tpu.memory_space<semaphore_mem>>) src(%dma_wait3A_43 : memref<256x128xf32, #tpu.memory_space<vmem_shared>>) dst(%dma_wait3A_41 : memref<256x128xf32, #tpu.memory_space<vmem>>)
      tpu.yield
    }) : () -> ()
    %add3A_20 = arith.constant 256 : i32
    %add3A_21 = arith.addi %mul3A_2, %add3A_20 : i32
    "tpu.region"() ({
      %run_scoped3A = tpu.sem_alloc : memref<!tpu.dma_semaphore, #tpu.memory_space<semaphore_mem>>
      %dma_start3A = arith.constant 0 : i32
      %dma_start3A_26 = arith.constant 0 : i32
      %dma_start3A_27 = tpu.memref_slice %arg7[%dma_start3A, %dma_start3A_26] : memref<256x128xf32, #tpu.memory_space<vmem>> -> memref<256x128xf32, #tpu.memory_space<vmem>>
      %dma_start3A_28 = arith.constant 0 : i32
      %dma_start3A_29 = tpu.memref_slice %arg5[%arg0, %add3A_21, %dma_start3A_28] : memref<2x10240x128xf32, #tpu.memory_space<hbm>> -> memref<1x256x128xf32, #tpu.memory_space<hbm>>
      %dma_start3A_30 = tpu.memref_squeeze %dma_start3A_29 : memref<1x256x128xf32, #tpu.memory_space<hbm>> -> memref<256x128xf32, #tpu.memory_space<hbm>>
      %dma_start3A_31 = arith.constant 0 : i32
      %dma_start3A_32 = tpu.memref_slice %arg5[%arg0, %add3A_21, %dma_start3A_31] : memref<2x10240x128xf32, #tpu.memory_space<hbm>> -> memref<1x256x128xf32, #tpu.memory_space<hbm>>
      %dma_start3A_33 = tpu.memref_squeeze %dma_start3A_32 : memref<1x256x128xf32, #tpu.memory_space<hbm>> -> memref<256x128xf32, #tpu.memory_space<hbm>>
      %dma_start3A_34 = arith.constant 0 : i32
      %dma_start3A_35 = arith.constant 0 : i32
      %dma_start3A_36 = tpu.memref_slice %arg7[%dma_start3A_34, %dma_start3A_35] : memref<256x128xf32, #tpu.memory_space<vmem>> -> memref<256x128xf32, #tpu.memory_space<vmem>>
      tpu.enqueue_dma source(%dma_start3A_36 : memref<256x128xf32, #tpu.memory_space<vmem>>) target(%dma_start3A_33 : memref<256x128xf32, #tpu.memory_space<hbm>>) target_semaphore(%run_scoped3A : memref<!tpu.dma_semaphore, #tpu.memory_space<semaphore_mem>>)
      %dma_wait3A = arith.constant 0 : i32
      %dma_wait3A_37 = arith.constant 0 : i32
      %dma_wait3A_38 = tpu.memref_slice %arg7[%dma_wait3A, %dma_wait3A_37] : memref<256x128xf32, #tpu.memory_space<vmem>> -> memref<256x128xf32, #tpu.memory_space<vmem>>
      %dma_wait3A_39 = arith.constant 0 : i32
      %dma_wait3A_40 = tpu.memref_slice %arg5[%arg0, %add3A_21, %dma_wait3A_39] : memref<2x10240x128xf32, #tpu.memory_space<hbm>> -> memref<1x256x128xf32, #tpu.memory_space<hbm>>
      %dma_wait3A_41 = tpu.memref_squeeze %dma_wait3A_40 : memref<1x256x128xf32, #tpu.memory_space<hbm>> -> memref<256x128xf32, #tpu.memory_space<hbm>>
      %dma_wait3A_42 = arith.constant 0 : i32
      %dma_wait3A_43 = tpu.memref_slice %arg5[%arg0, %add3A_21, %dma_wait3A_42] : memref<2x10240x128xf32, #tpu.memory_space<hbm>> -> memref<1x256x128xf32, #tpu.memory_space<hbm>>
      %dma_wait3A_44 = tpu.memref_squeeze %dma_wait3A_43 : memref<1x256x128xf32, #tpu.memory_space<hbm>> -> memref<256x128xf32, #tpu.memory_space<hbm>>
      %dma_wait3A_45 = arith.constant 0 : i32
      %dma_wait3A_46 = arith.constant 0 : i32
      %dma_wait3A_47 = tpu.memref_slice %arg7[%dma_wait3A_45, %dma_wait3A_46] : memref<256x128xf32, #tpu.memory_space<vmem>> -> memref<256x128xf32, #tpu.memory_space<vmem>>
      tpu.wait_dma2 semaphore(%run_scoped3A : memref<!tpu.dma_semaphore, #tpu.memory_space<semaphore_mem>>) src(%dma_wait3A_47 : memref<256x128xf32, #tpu.memory_space<vmem>>) dst(%dma_wait3A_44 : memref<256x128xf32, #tpu.memory_space<hbm>>)
      tpu.yield
    }) : () -> ()
    %add3A_22 = arith.constant 512 : i32
    %add3A_23 = arith.addi %mul3A_2, %add3A_22 : i32
    "tpu.region"() ({
      %run_scoped3A = tpu.sem_alloc : memref<!tpu.dma_semaphore, #tpu.memory_space<semaphore_mem>>
      %dma_start3A = arith.constant 0 : i32
      %dma_start3A_26 = arith.constant 0 : i32
      %dma_start3A_27 = tpu.memref_slice %arg7[%dma_start3A, %dma_start3A_26] : memref<256x128xf32, #tpu.memory_space<vmem>> -> memref<128x128xf32, #tpu.memory_space<vmem>>
      %dma_start3A_28 = arith.constant 0 : i32
      %dma_start3A_29 = tpu.memref_slice %arg6[%add3A_23, %dma_start3A_28] : memref<10240x128xf32, #tpu.memory_space<vmem_shared>> -> memref<128x128xf32, #tpu.memory_space<vmem_shared>>
      %dma_start3A_30 = arith.constant 0 : i32
      %dma_start3A_31 = arith.constant 0 : i32
      %dma_start3A_32 = tpu.memref_slice %arg7[%dma_start3A_30, %dma_start3A_31] : memref<256x128xf32, #tpu.memory_space<vmem>> -> memref<128x128xf32, #tpu.memory_space<vmem>>
      %dma_start3A_33 = arith.constant 0 : i32
      %dma_start3A_34 = tpu.memref_slice %arg6[%add3A_23, %dma_start3A_33] : memref<10240x128xf32, #tpu.memory_space<vmem_shared>> -> memref<128x128xf32, #tpu.memory_space<vmem_shared>>
      tpu.enqueue_dma source(%dma_start3A_34 : memref<128x128xf32, #tpu.memory_space<vmem_shared>>) target(%dma_start3A_32 : memref<128x128xf32, #tpu.memory_space<vmem>>) target_semaphore(%run_scoped3A : memref<!tpu.dma_semaphore, #tpu.memory_space<semaphore_mem>>)
      %dma_wait3A = arith.constant 0 : i32
      %dma_wait3A_35 = arith.constant 0 : i32
      %dma_wait3A_36 = tpu.memref_slice %arg7[%dma_wait3A, %dma_wait3A_35] : memref<256x128xf32, #tpu.memory_space<vmem>> -> memref<128x128xf32, #tpu.memory_space<vmem>>
      %dma_wait3A_37 = arith.constant 0 : i32
      %dma_wait3A_38 = tpu.memref_slice %arg6[%add3A_23, %dma_wait3A_37] : memref<10240x128xf32, #tpu.memory_space<vmem_shared>> -> memref<128x128xf32, #tpu.memory_space<vmem_shared>>
      %dma_wait3A_39 = arith.constant 0 : i32
      %dma_wait3A_40 = arith.constant 0 : i32
      %dma_wait3A_41 = tpu.memref_slice %arg7[%dma_wait3A_39, %dma_wait3A_40] : memref<256x128xf32, #tpu.memory_space<vmem>> -> memref<128x128xf32, #tpu.memory_space<vmem>>
      %dma_wait3A_42 = arith.constant 0 : i32
      %dma_wait3A_43 = tpu.memref_slice %arg6[%add3A_23, %dma_wait3A_42] : memref<10240x128xf32, #tpu.memory_space<vmem_shared>> -> memref<128x128xf32, #tpu.memory_space<vmem_shared>>
      tpu.wait_dma2 semaphore(%run_scoped3A : memref<!tpu.dma_semaphore, #tpu.memory_space<semaphore_mem>>) src(%dma_wait3A_43 : memref<128x128xf32, #tpu.memory_space<vmem_shared>>) dst(%dma_wait3A_41 : memref<128x128xf32, #tpu.memory_space<vmem>>)
      tpu.yield
    }) : () -> ()
    %add3A_24 = arith.constant 512 : i32
    %add3A_25 = arith.addi %mul3A_2, %add3A_24 : i32
    "tpu.region"() ({
      %run_scoped3A = tpu.sem_alloc : memref<!tpu.dma_semaphore, #tpu.memory_space<semaphore_mem>>
      %dma_start3A = arith.constant 0 : i32
      %dma_start3A_26 = arith.constant 0 : i32
      %dma_start3A_27 = tpu.memref_slice %arg7[%dma_start3A, %dma_start3A_26] : memref<256x128xf32, #tpu.memory_space<vmem>> -> memref<128x128xf32, #tpu.memory_space<vmem>>
      %dma_start3A_28 = arith.constant 0 : i32
      %dma_start3A_29 = tpu.memref_slice %arg5[%arg0, %add3A_25, %dma_start3A_28] : memref<2x10240x128xf32, #tpu.memory_space<hbm>> -> memref<1x128x128xf32, #tpu.memory_space<hbm>>
      %dma_start3A_30 = tpu.memref_squeeze %dma_start3A_29 : memref<1x128x128xf32, #tpu.memory_space<hbm>> -> memref<128x128xf32, #tpu.memory_space<hbm>>
      %dma_start3A_31 = arith.constant 0 : i32
      %dma_start3A_32 = tpu.memref_slice %arg5[%arg0, %add3A_25, %dma_start3A_31] : memref<2x10240x128xf32, #tpu.memory_space<hbm>> -> memref<1x128x128xf32, #tpu.memory_space<hbm>>
      %dma_start3A_33 = tpu.memref_squeeze %dma_start3A_32 : memref<1x128x128xf32, #tpu.memory_space<hbm>> -> memref<128x128xf32, #tpu.memory_space<hbm>>
      %dma_start3A_34 = arith.constant 0 : i32
      %dma_start3A_35 = arith.constant 0 : i32
      %dma_start3A_36 = tpu.memref_slice %arg7[%dma_start3A_34, %dma_start3A_35] : memref<256x128xf32, #tpu.memory_space<vmem>> -> memref<128x128xf32, #tpu.memory_space<vmem>>
      tpu.enqueue_dma source(%dma_start3A_36 : memref<128x128xf32, #tpu.memory_space<vmem>>) target(%dma_start3A_33 : memref<128x128xf32, #tpu.memory_space<hbm>>) target_semaphore(%run_scoped3A : memref<!tpu.dma_semaphore, #tpu.memory_space<semaphore_mem>>)
      %dma_wait3A = arith.constant 0 : i32
      %dma_wait3A_37 = arith.constant 0 : i32
      %dma_wait3A_38 = tpu.memref_slice %arg7[%dma_wait3A, %dma_wait3A_37] : memref<256x128xf32, #tpu.memory_space<vmem>> -> memref<128x128xf32, #tpu.memory_space<vmem>>
      %dma_wait3A_39 = arith.constant 0 : i32
      %dma_wait3A_40 = tpu.memref_slice %arg5[%arg0, %add3A_25, %dma_wait3A_39] : memref<2x10240x128xf32, #tpu.memory_space<hbm>> -> memref<1x128x128xf32, #tpu.memory_space<hbm>>
      %dma_wait3A_41 = tpu.memref_squeeze %dma_wait3A_40 : memref<1x128x128xf32, #tpu.memory_space<hbm>> -> memref<128x128xf32, #tpu.memory_space<hbm>>
      %dma_wait3A_42 = arith.constant 0 : i32
      %dma_wait3A_43 = tpu.memref_slice %arg5[%arg0, %add3A_25, %dma_wait3A_42] : memref<2x10240x128xf32, #tpu.memory_space<hbm>> -> memref<1x128x128xf32, #tpu.memory_space<hbm>>
      %dma_wait3A_44 = tpu.memref_squeeze %dma_wait3A_43 : memref<1x128x128xf32, #tpu.memory_space<hbm>> -> memref<128x128xf32, #tpu.memory_space<hbm>>
      %dma_wait3A_45 = arith.constant 0 : i32
      %dma_wait3A_46 = arith.constant 0 : i32
      %dma_wait3A_47 = tpu.memref_slice %arg7[%dma_wait3A_45, %dma_wait3A_46] : memref<256x128xf32, #tpu.memory_space<vmem>> -> memref<128x128xf32, #tpu.memory_space<vmem>>
      tpu.wait_dma2 semaphore(%run_scoped3A : memref<!tpu.dma_semaphore, #tpu.memory_space<semaphore_mem>>) src(%dma_wait3A_47 : memref<128x128xf32, #tpu.memory_space<vmem>>) dst(%dma_wait3A_44 : memref<128x128xf32, #tpu.memory_space<hbm>>)
      tpu.yield
    }) : () -> ()
    return
  }
}

#map = affine_map<(d0, d1) -> (0, 0)>
#map1 = affine_map<(d0, d1) -> (0, 0, 0, 0)>
#map2 = affine_map<(d0, d1) -> (0, 0, 0)>
module attributes {stable_mosaic.version = 14 : i64} {
  func.func @k(%arg0: i32, %arg1: i32, %arg2: memref<10240x128xf32, #tpu.memory_space<hbm>>, %arg3: memref<32x40x2x256xi32, #tpu.memory_space<hbm>>, %arg4: memref<256x128xf32, #tpu.memory_space<hbm>>, %arg5: memref<2x10240x128xf32, #tpu.memory_space<hbm>>, %arg6: memref<10240x128xf32, #tpu.memory_space<vmem_shared>>, %arg7: memref<256x128xf32, #tpu.memory_space<vmem>>, %arg8: memref<256xi32, #tpu.memory_space<vmem>>, %arg9: memref<256xi32, #tpu.memory_space<vmem>>) attributes {dimension_semantics = [#tpu.dimension_semantics<core_parallel>, #tpu.dimension_semantics<subcore_parallel>], iteration_bounds = array<i64: 2, 16>, scalar_prefetch = 0 : i64, scratch_operands = 4 : i64, tpu.core_type = #tpu.core_type<sc_vector_subcore>, window_params = [{transform_indices = #map}, {transform_indices = #map1}, {transform_indices = #map}, {transform_indices = #map2}]} {
    %mul3A = arith.constant 16 : i32
    %mul3A_0 = arith.muli %arg0, %mul3A : i32
    %add3A = arith.addi %mul3A_0, %arg1 : i32
    %mul3A_1 = arith.constant 640 : i32
    %mul3A_2 = arith.muli %arg1, %mul3A_1 : i32
    "tpu.region"() ({
      %run_scoped3A = tpu.sem_alloc : memref<!tpu.dma_semaphore, #tpu.memory_space<semaphore_mem>>
      tpu.enqueue_dma source(%arg4 : memref<256x128xf32, #tpu.memory_space<hbm>>) target(%arg7 : memref<256x128xf32, #tpu.memory_space<vmem>>) target_semaphore(%run_scoped3A : memref<!tpu.dma_semaphore, #tpu.memory_space<semaphore_mem>>)
      tpu.wait_dma2 semaphore(%run_scoped3A : memref<!tpu.dma_semaphore, #tpu.memory_space<semaphore_mem>>) src(%arg4 : memref<256x128xf32, #tpu.memory_space<hbm>>) dst(%arg7 : memref<256x128xf32, #tpu.memory_space<vmem>>)
      tpu.yield
    }) : () -> ()
    %add3A_3 = arith.constant 0 : i32
    %add3A_4 = arith.addi %mul3A_2, %add3A_3 : i32
    "tpu.region"() ({
      %run_scoped3A = tpu.sem_alloc : memref<!tpu.dma_semaphore, #tpu.memory_space<semaphore_mem>>
      %dma_start3A = arith.constant 0 : i32
      %dma_start3A_26 = arith.constant 0 : i32
      %dma_start3A_27 = tpu.memref_slice %arg7[%dma_start3A, %dma_start3A_26] : memref<256x128xf32, #tpu.memory_space<vmem>> -> memref<256x128xf32, #tpu.memory_space<vmem>>
      %dma_start3A_28 = arith.constant 0 : i32
      %dma_start3A_29 = tpu.memref_slice %arg6[%add3A_4, %dma_start3A_28] : memref<10240x128xf32, #tpu.memory_space<vmem_shared>> -> memref<256x128xf32, #tpu.memory_space<vmem_shared>>
      %dma_start3A_30 = arith.constant 0 : i32
      %dma_start3A_31 = tpu.memref_slice %arg6[%add3A_4, %dma_start3A_30] : memref<10240x128xf32, #tpu.memory_space<vmem_shared>> -> memref<256x128xf32, #tpu.memory_space<vmem_shared>>
      %dma_start3A_32 = arith.constant 0 : i32
      %dma_start3A_33 = arith.constant 0 : i32
      %dma_start3A_34 = tpu.memref_slice %arg7[%dma_start3A_32, %dma_start3A_33] : memref<256x128xf32, #tpu.memory_space<vmem>> -> memref<256x128xf32, #tpu.memory_space<vmem>>
      tpu.enqueue_dma source(%dma_start3A_34 : memref<256x128xf32, #tpu.memory_space<vmem>>) target(%dma_start3A_31 : memref<256x128xf32, #tpu.memory_space<vmem_shared>>) target_semaphore(%run_scoped3A : memref<!tpu.dma_semaphore, #tpu.memory_space<semaphore_mem>>)
      %dma_wait3A = arith.constant 0 : i32
      %dma_wait3A_35 = arith.constant 0 : i32
      %dma_wait3A_36 = tpu.memref_slice %arg7[%dma_wait3A, %dma_wait3A_35] : memref<256x128xf32, #tpu.memory_space<vmem>> -> memref<256x128xf32, #tpu.memory_space<vmem>>
      %dma_wait3A_37 = arith.constant 0 : i32
      %dma_wait3A_38 = tpu.memref_slice %arg6[%add3A_4, %dma_wait3A_37] : memref<10240x128xf32, #tpu.memory_space<vmem_shared>> -> memref<256x128xf32, #tpu.memory_space<vmem_shared>>
      %dma_wait3A_39 = arith.constant 0 : i32
      %dma_wait3A_40 = tpu.memref_slice %arg6[%add3A_4, %dma_wait3A_39] : memref<10240x128xf32, #tpu.memory_space<vmem_shared>> -> memref<256x128xf32, #tpu.memory_space<vmem_shared>>
      %dma_wait3A_41 = arith.constant 0 : i32
      %dma_wait3A_42 = arith.constant 0 : i32
      %dma_wait3A_43 = tpu.memref_slice %arg7[%dma_wait3A_41, %dma_wait3A_42] : memref<256x128xf32, #tpu.memory_space<vmem>> -> memref<256x128xf32, #tpu.memory_space<vmem>>
      tpu.wait_dma2 semaphore(%run_scoped3A : memref<!tpu.dma_semaphore, #tpu.memory_space<semaphore_mem>>) src(%dma_wait3A_43 : memref<256x128xf32, #tpu.memory_space<vmem>>) dst(%dma_wait3A_40 : memref<256x128xf32, #tpu.memory_space<vmem_shared>>)
      tpu.yield
    }) : () -> ()
    %add3A_5 = arith.constant 256 : i32
    %add3A_6 = arith.addi %mul3A_2, %add3A_5 : i32
    "tpu.region"() ({
      %run_scoped3A = tpu.sem_alloc : memref<!tpu.dma_semaphore, #tpu.memory_space<semaphore_mem>>
      %dma_start3A = arith.constant 0 : i32
      %dma_start3A_26 = arith.constant 0 : i32
      %dma_start3A_27 = tpu.memref_slice %arg7[%dma_start3A, %dma_start3A_26] : memref<256x128xf32, #tpu.memory_space<vmem>> -> memref<256x128xf32, #tpu.memory_space<vmem>>
      %dma_start3A_28 = arith.constant 0 : i32
      %dma_start3A_29 = tpu.memref_slice %arg6[%add3A_6, %dma_start3A_28] : memref<10240x128xf32, #tpu.memory_space<vmem_shared>> -> memref<256x128xf32, #tpu.memory_space<vmem_shared>>
      %dma_start3A_30 = arith.constant 0 : i32
      %dma_start3A_31 = tpu.memref_slice %arg6[%add3A_6, %dma_start3A_30] : memref<10240x128xf32, #tpu.memory_space<vmem_shared>> -> memref<256x128xf32, #tpu.memory_space<vmem_shared>>
      %dma_start3A_32 = arith.constant 0 : i32
      %dma_start3A_33 = arith.constant 0 : i32
      %dma_start3A_34 = tpu.memref_slice %arg7[%dma_start3A_32, %dma_start3A_33] : memref<256x128xf32, #tpu.memory_space<vmem>> -> memref<256x128xf32, #tpu.memory_space<vmem>>
      tpu.enqueue_dma source(%dma_start3A_34 : memref<256x128xf32, #tpu.memory_space<vmem>>) target(%dma_start3A_31 : memref<256x128xf32, #tpu.memory_space<vmem_shared>>) target_semaphore(%run_scoped3A : memref<!tpu.dma_semaphore, #tpu.memory_space<semaphore_mem>>)
      %dma_wait3A = arith.constant 0 : i32
      %dma_wait3A_35 = arith.constant 0 : i32
      %dma_wait3A_36 = tpu.memref_slice %arg7[%dma_wait3A, %dma_wait3A_35] : memref<256x128xf32, #tpu.memory_space<vmem>> -> memref<256x128xf32, #tpu.memory_space<vmem>>
      %dma_wait3A_37 = arith.constant 0 : i32
      %dma_wait3A_38 = tpu.memref_slice %arg6[%add3A_6, %dma_wait3A_37] : memref<10240x128xf32, #tpu.memory_space<vmem_shared>> -> memref<256x128xf32, #tpu.memory_space<vmem_shared>>
      %dma_wait3A_39 = arith.constant 0 : i32
      %dma_wait3A_40 = tpu.memref_slice %arg6[%add3A_6, %dma_wait3A_39] : memref<10240x128xf32, #tpu.memory_space<vmem_shared>> -> memref<256x128xf32, #tpu.memory_space<vmem_shared>>
      %dma_wait3A_41 = arith.constant 0 : i32
      %dma_wait3A_42 = arith.constant 0 : i32
      %dma_wait3A_43 = tpu.memref_slice %arg7[%dma_wait3A_41, %dma_wait3A_42] : memref<256x128xf32, #tpu.memory_space<vmem>> -> memref<256x128xf32, #tpu.memory_space<vmem>>
      tpu.wait_dma2 semaphore(%run_scoped3A : memref<!tpu.dma_semaphore, #tpu.memory_space<semaphore_mem>>) src(%dma_wait3A_43 : memref<256x128xf32, #tpu.memory_space<vmem>>) dst(%dma_wait3A_40 : memref<256x128xf32, #tpu.memory_space<vmem_shared>>)
      tpu.yield
    }) : () -> ()
    %add3A_7 = arith.constant 512 : i32
    %add3A_8 = arith.addi %mul3A_2, %add3A_7 : i32
    "tpu.region"() ({
      %run_scoped3A = tpu.sem_alloc : memref<!tpu.dma_semaphore, #tpu.memory_space<semaphore_mem>>
      %dma_start3A = arith.constant 0 : i32
      %dma_start3A_26 = arith.constant 0 : i32
      %dma_start3A_27 = tpu.memref_slice %arg7[%dma_start3A, %dma_start3A_26] : memref<256x128xf32, #tpu.memory_space<vmem>> -> memref<128x128xf32, #tpu.memory_space<vmem>>
      %dma_start3A_28 = arith.constant 0 : i32
      %dma_start3A_29 = tpu.memref_slice %arg6[%add3A_8, %dma_start3A_28] : memref<10240x128xf32, #tpu.memory_space<vmem_shared>> -> memref<128x128xf32, #tpu.memory_space<vmem_shared>>
      %dma_start3A_30 = arith.constant 0 : i32
      %dma_start3A_31 = tpu.memref_slice %arg6[%add3A_8, %dma_start3A_30] : memref<10240x128xf32, #tpu.memory_space<vmem_shared>> -> memref<128x128xf32, #tpu.memory_space<vmem_shared>>
      %dma_start3A_32 = arith.constant 0 : i32
      %dma_start3A_33 = arith.constant 0 : i32
      %dma_start3A_34 = tpu.memref_slice %arg7[%dma_start3A_32, %dma_start3A_33] : memref<256x128xf32, #tpu.memory_space<vmem>> -> memref<128x128xf32, #tpu.memory_space<vmem>>
      tpu.enqueue_dma source(%dma_start3A_34 : memref<128x128xf32, #tpu.memory_space<vmem>>) target(%dma_start3A_31 : memref<128x128xf32, #tpu.memory_space<vmem_shared>>) target_semaphore(%run_scoped3A : memref<!tpu.dma_semaphore, #tpu.memory_space<semaphore_mem>>)
      %dma_wait3A = arith.constant 0 : i32
      %dma_wait3A_35 = arith.constant 0 : i32
      %dma_wait3A_36 = tpu.memref_slice %arg7[%dma_wait3A, %dma_wait3A_35] : memref<256x128xf32, #tpu.memory_space<vmem>> -> memref<128x128xf32, #tpu.memory_space<vmem>>
      %dma_wait3A_37 = arith.constant 0 : i32
      %dma_wait3A_38 = tpu.memref_slice %arg6[%add3A_8, %dma_wait3A_37] : memref<10240x128xf32, #tpu.memory_space<vmem_shared>> -> memref<128x128xf32, #tpu.memory_space<vmem_shared>>
      %dma_wait3A_39 = arith.constant 0 : i32
      %dma_wait3A_40 = tpu.memref_slice %arg6[%add3A_8, %dma_wait3A_39] : memref<10240x128xf32, #tpu.memory_space<vmem_shared>> -> memref<128x128xf32, #tpu.memory_space<vmem_shared>>
      %dma_wait3A_41 = arith.constant 0 : i32
      %dma_wait3A_42 = arith.constant 0 : i32
      %dma_wait3A_43 = tpu.memref_slice %arg7[%dma_wait3A_41, %dma_wait3A_42] : memref<256x128xf32, #tpu.memory_space<vmem>> -> memref<128x128xf32, #tpu.memory_space<vmem>>
      tpu.wait_dma2 semaphore(%run_scoped3A : memref<!tpu.dma_semaphore, #tpu.memory_space<semaphore_mem>>) src(%dma_wait3A_43 : memref<128x128xf32, #tpu.memory_space<vmem>>) dst(%dma_wait3A_40 : memref<128x128xf32, #tpu.memory_space<vmem_shared>>)
      tpu.yield
    }) : () -> ()
    %barrier3A = arith.constant 0 : index
    tpu.barrier barrier_id(%barrier3A)
    %scan3A = arith.constant 0 : i32
    %scan3A_9 = arith.constant 40 : i32
    %scan3A_10 = arith.addi %scan3A, %scan3A_9 : i32
    %scan3A_11 = arith.constant 1 : i32
    scf.for %scan3A_26 = %scan3A to %scan3A_10 step %scan3A_11  : i32 {
      %mul3A_27 = arith.constant 1 : i32
      %mul3A_28 = arith.muli %scan3A_26, %mul3A_27 : i32
      %add3A_29 = arith.constant 0 : i32
      %add3A_30 = arith.addi %add3A_29, %mul3A_28 : i32
      %run_scoped3A = arith.constant 0 : i32
      "tpu.region"() ({
        %run_scoped3A_32 = tpu.sem_alloc : memref<!tpu.dma_semaphore, #tpu.memory_space<semaphore_mem>>
        %dma_start3A = arith.constant 0 : i32
        %dma_start3A_33 = tpu.memref_slice %arg3[%add3A, %add3A_30, %run_scoped3A, %dma_start3A] : memref<32x40x2x256xi32, #tpu.memory_space<hbm>> -> memref<1x1x1x256xi32, #tpu.memory_space<hbm>>
        %dma_start3A_34 = tpu.memref_squeeze %dma_start3A_33 : memref<1x1x1x256xi32, #tpu.memory_space<hbm>> -> memref<256xi32, #tpu.memory_space<hbm>>
        %dma_start3A_35 = arith.constant 0 : i32
        %dma_start3A_36 = tpu.memref_slice %arg3[%add3A, %add3A_30, %run_scoped3A, %dma_start3A_35] : memref<32x40x2x256xi32, #tpu.memory_space<hbm>> -> memref<1x1x1x256xi32, #tpu.memory_space<hbm>>
        %dma_start3A_37 = tpu.memref_squeeze %dma_start3A_36 : memref<1x1x1x256xi32, #tpu.memory_space<hbm>> -> memref<256xi32, #tpu.memory_space<hbm>>
        tpu.enqueue_dma source(%dma_start3A_37 : memref<256xi32, #tpu.memory_space<hbm>>) target(%arg8 : memref<256xi32, #tpu.memory_space<vmem>>) target_semaphore(%run_scoped3A_32 : memref<!tpu.dma_semaphore, #tpu.memory_space<semaphore_mem>>)
        %dma_wait3A = arith.constant 0 : i32
        %dma_wait3A_38 = tpu.memref_slice %arg3[%add3A, %add3A_30, %run_scoped3A, %dma_wait3A] : memref<32x40x2x256xi32, #tpu.memory_space<hbm>> -> memref<1x1x1x256xi32, #tpu.memory_space<hbm>>
        %dma_wait3A_39 = tpu.memref_squeeze %dma_wait3A_38 : memref<1x1x1x256xi32, #tpu.memory_space<hbm>> -> memref<256xi32, #tpu.memory_space<hbm>>
        %dma_wait3A_40 = arith.constant 0 : i32
        %dma_wait3A_41 = tpu.memref_slice %arg3[%add3A, %add3A_30, %run_scoped3A, %dma_wait3A_40] : memref<32x40x2x256xi32, #tpu.memory_space<hbm>> -> memref<1x1x1x256xi32, #tpu.memory_space<hbm>>
        %dma_wait3A_42 = tpu.memref_squeeze %dma_wait3A_41 : memref<1x1x1x256xi32, #tpu.memory_space<hbm>> -> memref<256xi32, #tpu.memory_space<hbm>>
        tpu.wait_dma2 semaphore(%run_scoped3A_32 : memref<!tpu.dma_semaphore, #tpu.memory_space<semaphore_mem>>) src(%dma_wait3A_42 : memref<256xi32, #tpu.memory_space<hbm>>) dst(%arg8 : memref<256xi32, #tpu.memory_space<vmem>>)
        tpu.yield
      }) : () -> ()
      %run_scoped3A_31 = arith.constant 1 : i32
      "tpu.region"() ({
        %run_scoped3A_32 = tpu.sem_alloc : memref<!tpu.dma_semaphore, #tpu.memory_space<semaphore_mem>>
        %dma_start3A = arith.constant 0 : i32
        %dma_start3A_33 = tpu.memref_slice %arg3[%add3A, %add3A_30, %run_scoped3A_31, %dma_start3A] : memref<32x40x2x256xi32, #tpu.memory_space<hbm>> -> memref<1x1x1x256xi32, #tpu.memory_space<hbm>>
        %dma_start3A_34 = tpu.memref_squeeze %dma_start3A_33 : memref<1x1x1x256xi32, #tpu.memory_space<hbm>> -> memref<256xi32, #tpu.memory_space<hbm>>
        %dma_start3A_35 = arith.constant 0 : i32
        %dma_start3A_36 = tpu.memref_slice %arg3[%add3A, %add3A_30, %run_scoped3A_31, %dma_start3A_35] : memref<32x40x2x256xi32, #tpu.memory_space<hbm>> -> memref<1x1x1x256xi32, #tpu.memory_space<hbm>>
        %dma_start3A_37 = tpu.memref_squeeze %dma_start3A_36 : memref<1x1x1x256xi32, #tpu.memory_space<hbm>> -> memref<256xi32, #tpu.memory_space<hbm>>
        tpu.enqueue_dma source(%dma_start3A_37 : memref<256xi32, #tpu.memory_space<hbm>>) target(%arg9 : memref<256xi32, #tpu.memory_space<vmem>>) target_semaphore(%run_scoped3A_32 : memref<!tpu.dma_semaphore, #tpu.memory_space<semaphore_mem>>)
        %dma_wait3A = arith.constant 0 : i32
        %dma_wait3A_38 = tpu.memref_slice %arg3[%add3A, %add3A_30, %run_scoped3A_31, %dma_wait3A] : memref<32x40x2x256xi32, #tpu.memory_space<hbm>> -> memref<1x1x1x256xi32, #tpu.memory_space<hbm>>
        %dma_wait3A_39 = tpu.memref_squeeze %dma_wait3A_38 : memref<1x1x1x256xi32, #tpu.memory_space<hbm>> -> memref<256xi32, #tpu.memory_space<hbm>>
        %dma_wait3A_40 = arith.constant 0 : i32
        %dma_wait3A_41 = tpu.memref_slice %arg3[%add3A, %add3A_30, %run_scoped3A_31, %dma_wait3A_40] : memref<32x40x2x256xi32, #tpu.memory_space<hbm>> -> memref<1x1x1x256xi32, #tpu.memory_space<hbm>>
        %dma_wait3A_42 = tpu.memref_squeeze %dma_wait3A_41 : memref<1x1x1x256xi32, #tpu.memory_space<hbm>> -> memref<256xi32, #tpu.memory_space<hbm>>
        tpu.wait_dma2 semaphore(%run_scoped3A_32 : memref<!tpu.dma_semaphore, #tpu.memory_space<semaphore_mem>>) src(%dma_wait3A_42 : memref<256xi32, #tpu.memory_space<hbm>>) dst(%arg9 : memref<256xi32, #tpu.memory_space<vmem>>)
        tpu.yield
      }) : () -> ()
      "tpu.region"() ({
        %run_scoped3A_32 = tpu.sem_alloc : memref<!tpu.dma_semaphore, #tpu.memory_space<semaphore_mem>>
        %dma_start3A = arith.constant 0 : i32
        %dma_start3A_33 = arith.constant 0 : i32
        %dma_start3A_34 = tpu.memref_slice %arg2[%dma_start3A, %dma_start3A_33] : memref<10240x128xf32, #tpu.memory_space<hbm>> -> memref<10240x128xf32, #tpu.memory_space<hbm>>
        tpu.enqueue_indirect_dma source(%dma_start3A_34 : memref<10240x128xf32, #tpu.memory_space<hbm>>) target(%arg7 : memref<256x128xf32, #tpu.memory_space<vmem>>) offsets(%arg8 : memref<256xi32, #tpu.memory_space<vmem>>) semaphore(%run_scoped3A_32 : memref<!tpu.dma_semaphore, #tpu.memory_space<semaphore_mem>>)
        %dma_wait3A = arith.constant 0 : i32
        %dma_wait3A_35 = arith.constant 0 : i32
        %dma_wait3A_36 = tpu.memref_slice %arg2[%dma_wait3A, %dma_wait3A_35] : memref<10240x128xf32, #tpu.memory_space<hbm>> -> memref<10240x128xf32, #tpu.memory_space<hbm>>
        tpu.wait_indirect_dma semaphore(%run_scoped3A_32 : memref<!tpu.dma_semaphore, #tpu.memory_space<semaphore_mem>>) src(%dma_wait3A_36 : memref<10240x128xf32, #tpu.memory_space<hbm>>) dst(%arg7 : memref<256x128xf32, #tpu.memory_space<vmem>>)
        tpu.yield
      }) : () -> ()
      "tpu.region"() ({
        %run_scoped3A_32 = tpu.sem_alloc : memref<!tpu.dma_semaphore, #tpu.memory_space<semaphore_mem>>
        %dma_start3A = arith.constant 0 : i32
        %dma_start3A_33 = arith.constant 0 : i32
        %dma_start3A_34 = tpu.memref_slice %arg6[%dma_start3A, %dma_start3A_33] : memref<10240x128xf32, #tpu.memory_space<vmem_shared>> -> memref<10240x128xf32, #tpu.memory_space<vmem_shared>>
        tpu.enqueue_indirect_dma source(%arg7 : memref<256x128xf32, #tpu.memory_space<vmem>>) target(%dma_start3A_34 : memref<10240x128xf32, #tpu.memory_space<vmem_shared>>) offsets(%arg9 : memref<256xi32, #tpu.memory_space<vmem>>) semaphore(%run_scoped3A_32 : memref<!tpu.dma_semaphore, #tpu.memory_space<semaphore_mem>>) {add = true}
        %dma_wait3A = arith.constant 0 : i32
        %dma_wait3A_35 = arith.constant 0 : i32
        %dma_wait3A_36 = tpu.memref_slice %arg6[%dma_wait3A, %dma_wait3A_35] : memref<10240x128xf32, #tpu.memory_space<vmem_shared>> -> memref<10240x128xf32, #tpu.memory_space<vmem_shared>>
        tpu.wait_indirect_dma semaphore(%run_scoped3A_32 : memref<!tpu.dma_semaphore, #tpu.memory_space<semaphore_mem>>) src(%arg7 : memref<256x128xf32, #tpu.memory_space<vmem>>) dst(%dma_wait3A_36 : memref<10240x128xf32, #tpu.memory_space<vmem_shared>>)
        tpu.yield
      }) : () -> ()
    }
    %scan3A_12 = arith.constant 40 : i32
    %barrier3A_13 = arith.constant 0 : index
    tpu.barrier barrier_id(%barrier3A_13)
    %add3A_14 = arith.constant 0 : i32
    %add3A_15 = arith.addi %mul3A_2, %add3A_14 : i32
    "tpu.region"() ({
      %run_scoped3A = tpu.sem_alloc : memref<!tpu.dma_semaphore, #tpu.memory_space<semaphore_mem>>
      %dma_start3A = arith.constant 0 : i32
      %dma_start3A_26 = arith.constant 0 : i32
      %dma_start3A_27 = tpu.memref_slice %arg7[%dma_start3A, %dma_start3A_26] : memref<256x128xf32, #tpu.memory_space<vmem>> -> memref<256x128xf32, #tpu.memory_space<vmem>>
      %dma_start3A_28 = arith.constant 0 : i32
      %dma_start3A_29 = tpu.memref_slice %arg6[%add3A_15, %dma_start3A_28] : memref<10240x128xf32, #tpu.memory_space<vmem_shared>> -> memref<256x128xf32, #tpu.memory_space<vmem_shared>>
      %dma_start3A_30 = arith.constant 0 : i32
      %dma_start3A_31 = arith.constant 0 : i32
      %dma_start3A_32 = tpu.memref_slice %arg7[%dma_start3A_30, %dma_start3A_31] : memref<256x128xf32, #tpu.memory_space<vmem>> -> memref<256x128xf32, #tpu.memory_space<vmem>>
      %dma_start3A_33 = arith.constant 0 : i32
      %dma_start3A_34 = tpu.memref_slice %arg6[%add3A_15, %dma_start3A_33] : memref<10240x128xf32, #tpu.memory_space<vmem_shared>> -> memref<256x128xf32, #tpu.memory_space<vmem_shared>>
      tpu.enqueue_dma source(%dma_start3A_34 : memref<256x128xf32, #tpu.memory_space<vmem_shared>>) target(%dma_start3A_32 : memref<256x128xf32, #tpu.memory_space<vmem>>) target_semaphore(%run_scoped3A : memref<!tpu.dma_semaphore, #tpu.memory_space<semaphore_mem>>)
      %dma_wait3A = arith.constant 0 : i32
      %dma_wait3A_35 = arith.constant 0 : i32
      %dma_wait3A_36 = tpu.memref_slice %arg7[%dma_wait3A, %dma_wait3A_35] : memref<256x128xf32, #tpu.memory_space<vmem>> -> memref<256x128xf32, #tpu.memory_space<vmem>>
      %dma_wait3A_37 = arith.constant 0 : i32
      %dma_wait3A_38 = tpu.memref_slice %arg6[%add3A_15, %dma_wait3A_37] : memref<10240x128xf32, #tpu.memory_space<vmem_shared>> -> memref<256x128xf32, #tpu.memory_space<vmem_shared>>
      %dma_wait3A_39 = arith.constant 0 : i32
      %dma_wait3A_40 = arith.constant 0 : i32
      %dma_wait3A_41 = tpu.memref_slice %arg7[%dma_wait3A_39, %dma_wait3A_40] : memref<256x128xf32, #tpu.memory_space<vmem>> -> memref<256x128xf32, #tpu.memory_space<vmem>>
      %dma_wait3A_42 = arith.constant 0 : i32
      %dma_wait3A_43 = tpu.memref_slice %arg6[%add3A_15, %dma_wait3A_42] : memref<10240x128xf32, #tpu.memory_space<vmem_shared>> -> memref<256x128xf32, #tpu.memory_space<vmem_shared>>
      tpu.wait_dma2 semaphore(%run_scoped3A : memref<!tpu.dma_semaphore, #tpu.memory_space<semaphore_mem>>) src(%dma_wait3A_43 : memref<256x128xf32, #tpu.memory_space<vmem_shared>>) dst(%dma_wait3A_41 : memref<256x128xf32, #tpu.memory_space<vmem>>)
      tpu.yield
    }) : () -> ()
    %add3A_16 = arith.constant 0 : i32
    %add3A_17 = arith.addi %mul3A_2, %add3A_16 : i32
    "tpu.region"() ({
      %run_scoped3A = tpu.sem_alloc : memref<!tpu.dma_semaphore, #tpu.memory_space<semaphore_mem>>
      %dma_start3A = arith.constant 0 : i32
      %dma_start3A_26 = arith.constant 0 : i32
      %dma_start3A_27 = tpu.memref_slice %arg7[%dma_start3A, %dma_start3A_26] : memref<256x128xf32, #tpu.memory_space<vmem>> -> memref<256x128xf32, #tpu.memory_space<vmem>>
      %dma_start3A_28 = arith.constant 0 : i32
      %dma_start3A_29 = tpu.memref_slice %arg5[%arg0, %add3A_17, %dma_start3A_28] : memref<2x10240x128xf32, #tpu.memory_space<hbm>> -> memref<1x256x128xf32, #tpu.memory_space<hbm>>
      %dma_start3A_30 = tpu.memref_squeeze %dma_start3A_29 : memref<1x256x128xf32, #tpu.memory_space<hbm>> -> memref<256x128xf32, #tpu.memory_space<hbm>>
      %dma_start3A_31 = arith.constant 0 : i32
      %dma_start3A_32 = tpu.memref_slice %arg5[%arg0, %add3A_17, %dma_start3A_31] : memref<2x10240x128xf32, #tpu.memory_space<hbm>> -> memref<1x256x128xf32, #tpu.memory_space<hbm>>
      %dma_start3A_33 = tpu.memref_squeeze %dma_start3A_32 : memref<1x256x128xf32, #tpu.memory_space<hbm>> -> memref<256x128xf32, #tpu.memory_space<hbm>>
      %dma_start3A_34 = arith.constant 0 : i32
      %dma_start3A_35 = arith.constant 0 : i32
      %dma_start3A_36 = tpu.memref_slice %arg7[%dma_start3A_34, %dma_start3A_35] : memref<256x128xf32, #tpu.memory_space<vmem>> -> memref<256x128xf32, #tpu.memory_space<vmem>>
      tpu.enqueue_dma source(%dma_start3A_36 : memref<256x128xf32, #tpu.memory_space<vmem>>) target(%dma_start3A_33 : memref<256x128xf32, #tpu.memory_space<hbm>>) target_semaphore(%run_scoped3A : memref<!tpu.dma_semaphore, #tpu.memory_space<semaphore_mem>>)
      %dma_wait3A = arith.constant 0 : i32
      %dma_wait3A_37 = arith.constant 0 : i32
      %dma_wait3A_38 = tpu.memref_slice %arg7[%dma_wait3A, %dma_wait3A_37] : memref<256x128xf32, #tpu.memory_space<vmem>> -> memref<256x128xf32, #tpu.memory_space<vmem>>
      %dma_wait3A_39 = arith.constant 0 : i32
      %dma_wait3A_40 = tpu.memref_slice %arg5[%arg0, %add3A_17, %dma_wait3A_39] : memref<2x10240x128xf32, #tpu.memory_space<hbm>> -> memref<1x256x128xf32, #tpu.memory_space<hbm>>
      %dma_wait3A_41 = tpu.memref_squeeze %dma_wait3A_40 : memref<1x256x128xf32, #tpu.memory_space<hbm>> -> memref<256x128xf32, #tpu.memory_space<hbm>>
      %dma_wait3A_42 = arith.constant 0 : i32
      %dma_wait3A_43 = tpu.memref_slice %arg5[%arg0, %add3A_17, %dma_wait3A_42] : memref<2x10240x128xf32, #tpu.memory_space<hbm>> -> memref<1x256x128xf32, #tpu.memory_space<hbm>>
      %dma_wait3A_44 = tpu.memref_squeeze %dma_wait3A_43 : memref<1x256x128xf32, #tpu.memory_space<hbm>> -> memref<256x128xf32, #tpu.memory_space<hbm>>
      %dma_wait3A_45 = arith.constant 0 : i32
      %dma_wait3A_46 = arith.constant 0 : i32
      %dma_wait3A_47 = tpu.memref_slice %arg7[%dma_wait3A_45, %dma_wait3A_46] : memref<256x128xf32, #tpu.memory_space<vmem>> -> memref<256x128xf32, #tpu.memory_space<vmem>>
      tpu.wait_dma2 semaphore(%run_scoped3A : memref<!tpu.dma_semaphore, #tpu.memory_space<semaphore_mem>>) src(%dma_wait3A_47 : memref<256x128xf32, #tpu.memory_space<vmem>>) dst(%dma_wait3A_44 : memref<256x128xf32, #tpu.memory_space<hbm>>)
      tpu.yield
    }) : () -> ()
    %add3A_18 = arith.constant 256 : i32
    %add3A_19 = arith.addi %mul3A_2, %add3A_18 : i32
    "tpu.region"() ({
      %run_scoped3A = tpu.sem_alloc : memref<!tpu.dma_semaphore, #tpu.memory_space<semaphore_mem>>
      %dma_start3A = arith.constant 0 : i32
      %dma_start3A_26 = arith.constant 0 : i32
      %dma_start3A_27 = tpu.memref_slice %arg7[%dma_start3A, %dma_start3A_26] : memref<256x128xf32, #tpu.memory_space<vmem>> -> memref<256x128xf32, #tpu.memory_space<vmem>>
      %dma_start3A_28 = arith.constant 0 : i32
      %dma_start3A_29 = tpu.memref_slice %arg6[%add3A_19, %dma_start3A_28] : memref<10240x128xf32, #tpu.memory_space<vmem_shared>> -> memref<256x128xf32, #tpu.memory_space<vmem_shared>>
      %dma_start3A_30 = arith.constant 0 : i32
      %dma_start3A_31 = arith.constant 0 : i32
      %dma_start3A_32 = tpu.memref_slice %arg7[%dma_start3A_30, %dma_start3A_31] : memref<256x128xf32, #tpu.memory_space<vmem>> -> memref<256x128xf32, #tpu.memory_space<vmem>>
      %dma_start3A_33 = arith.constant 0 : i32
      %dma_start3A_34 = tpu.memref_slice %arg6[%add3A_19, %dma_start3A_33] : memref<10240x128xf32, #tpu.memory_space<vmem_shared>> -> memref<256x128xf32, #tpu.memory_space<vmem_shared>>
      tpu.enqueue_dma source(%dma_start3A_34 : memref<256x128xf32, #tpu.memory_space<vmem_shared>>) target(%dma_start3A_32 : memref<256x128xf32, #tpu.memory_space<vmem>>) target_semaphore(%run_scoped3A : memref<!tpu.dma_semaphore, #tpu.memory_space<semaphore_mem>>)
      %dma_wait3A = arith.constant 0 : i32
      %dma_wait3A_35 = arith.constant 0 : i32
      %dma_wait3A_36 = tpu.memref_slice %arg7[%dma_wait3A, %dma_wait3A_35] : memref<256x128xf32, #tpu.memory_space<vmem>> -> memref<256x128xf32, #tpu.memory_space<vmem>>
      %dma_wait3A_37 = arith.constant 0 : i32
      %dma_wait3A_38 = tpu.memref_slice %arg6[%add3A_19, %dma_wait3A_37] : memref<10240x128xf32, #tpu.memory_space<vmem_shared>> -> memref<256x128xf32, #tpu.memory_space<vmem_shared>>
      %dma_wait3A_39 = arith.constant 0 : i32
      %dma_wait3A_40 = arith.constant 0 : i32
      %dma_wait3A_41 = tpu.memref_slice %arg7[%dma_wait3A_39, %dma_wait3A_40] : memref<256x128xf32, #tpu.memory_space<vmem>> -> memref<256x128xf32, #tpu.memory_space<vmem>>
      %dma_wait3A_42 = arith.constant 0 : i32
      %dma_wait3A_43 = tpu.memref_slice %arg6[%add3A_19, %dma_wait3A_42] : memref<10240x128xf32, #tpu.memory_space<vmem_shared>> -> memref<256x128xf32, #tpu.memory_space<vmem_shared>>
      tpu.wait_dma2 semaphore(%run_scoped3A : memref<!tpu.dma_semaphore, #tpu.memory_space<semaphore_mem>>) src(%dma_wait3A_43 : memref<256x128xf32, #tpu.memory_space<vmem_shared>>) dst(%dma_wait3A_41 : memref<256x128xf32, #tpu.memory_space<vmem>>)
      tpu.yield
    }) : () -> ()
    %add3A_20 = arith.constant 256 : i32
    %add3A_21 = arith.addi %mul3A_2, %add3A_20 : i32
    "tpu.region"() ({
      %run_scoped3A = tpu.sem_alloc : memref<!tpu.dma_semaphore, #tpu.memory_space<semaphore_mem>>
      %dma_start3A = arith.constant 0 : i32
      %dma_start3A_26 = arith.constant 0 : i32
      %dma_start3A_27 = tpu.memref_slice %arg7[%dma_start3A, %dma_start3A_26] : memref<256x128xf32, #tpu.memory_space<vmem>> -> memref<256x128xf32, #tpu.memory_space<vmem>>
      %dma_start3A_28 = arith.constant 0 : i32
      %dma_start3A_29 = tpu.memref_slice %arg5[%arg0, %add3A_21, %dma_start3A_28] : memref<2x10240x128xf32, #tpu.memory_space<hbm>> -> memref<1x256x128xf32, #tpu.memory_space<hbm>>
      %dma_start3A_30 = tpu.memref_squeeze %dma_start3A_29 : memref<1x256x128xf32, #tpu.memory_space<hbm>> -> memref<256x128xf32, #tpu.memory_space<hbm>>
      %dma_start3A_31 = arith.constant 0 : i32
      %dma_start3A_32 = tpu.memref_slice %arg5[%arg0, %add3A_21, %dma_start3A_31] : memref<2x10240x128xf32, #tpu.memory_space<hbm>> -> memref<1x256x128xf32, #tpu.memory_space<hbm>>
      %dma_start3A_33 = tpu.memref_squeeze %dma_start3A_32 : memref<1x256x128xf32, #tpu.memory_space<hbm>> -> memref<256x128xf32, #tpu.memory_space<hbm>>
      %dma_start3A_34 = arith.constant 0 : i32
      %dma_start3A_35 = arith.constant 0 : i32
      %dma_start3A_36 = tpu.memref_slice %arg7[%dma_start3A_34, %dma_start3A_35] : memref<256x128xf32, #tpu.memory_space<vmem>> -> memref<256x128xf32, #tpu.memory_space<vmem>>
      tpu.enqueue_dma source(%dma_start3A_36 : memref<256x128xf32, #tpu.memory_space<vmem>>) target(%dma_start3A_33 : memref<256x128xf32, #tpu.memory_space<hbm>>) target_semaphore(%run_scoped3A : memref<!tpu.dma_semaphore, #tpu.memory_space<semaphore_mem>>)
      %dma_wait3A = arith.constant 0 : i32
      %dma_wait3A_37 = arith.constant 0 : i32
      %dma_wait3A_38 = tpu.memref_slice %arg7[%dma_wait3A, %dma_wait3A_37] : memref<256x128xf32, #tpu.memory_space<vmem>> -> memref<256x128xf32, #tpu.memory_space<vmem>>
      %dma_wait3A_39 = arith.constant 0 : i32
      %dma_wait3A_40 = tpu.memref_slice %arg5[%arg0, %add3A_21, %dma_wait3A_39] : memref<2x10240x128xf32, #tpu.memory_space<hbm>> -> memref<1x256x128xf32, #tpu.memory_space<hbm>>
      %dma_wait3A_41 = tpu.memref_squeeze %dma_wait3A_40 : memref<1x256x128xf32, #tpu.memory_space<hbm>> -> memref<256x128xf32, #tpu.memory_space<hbm>>
      %dma_wait3A_42 = arith.constant 0 : i32
      %dma_wait3A_43 = tpu.memref_slice %arg5[%arg0, %add3A_21, %dma_wait3A_42] : memref<2x10240x128xf32, #tpu.memory_space<hbm>> -> memref<1x256x128xf32, #tpu.memory_space<hbm>>
      %dma_wait3A_44 = tpu.memref_squeeze %dma_wait3A_43 : memref<1x256x128xf32, #tpu.memory_space<hbm>> -> memref<256x128xf32, #tpu.memory_space<hbm>>
      %dma_wait3A_45 = arith.constant 0 : i32
      %dma_wait3A_46 = arith.constant 0 : i32
      %dma_wait3A_47 = tpu.memref_slice %arg7[%dma_wait3A_45, %dma_wait3A_46] : memref<256x128xf32, #tpu.memory_space<vmem>> -> memref<256x128xf32, #tpu.memory_space<vmem>>
      tpu.wait_dma2 semaphore(%run_scoped3A : memref<!tpu.dma_semaphore, #tpu.memory_space<semaphore_mem>>) src(%dma_wait3A_47 : memref<256x128xf32, #tpu.memory_space<vmem>>) dst(%dma_wait3A_44 : memref<256x128xf32, #tpu.memory_space<hbm>>)
      tpu.yield
    }) : () -> ()
    %add3A_22 = arith.constant 512 : i32
    %add3A_23 = arith.addi %mul3A_2, %add3A_22 : i32
    "tpu.region"() ({
      %run_scoped3A = tpu.sem_alloc : memref<!tpu.dma_semaphore, #tpu.memory_space<semaphore_mem>>
      %dma_start3A = arith.constant 0 : i32
      %dma_start3A_26 = arith.constant 0 : i32
      %dma_start3A_27 = tpu.memref_slice %arg7[%dma_start3A, %dma_start3A_26] : memref<256x128xf32, #tpu.memory_space<vmem>> -> memref<128x128xf32, #tpu.memory_space<vmem>>
      %dma_start3A_28 = arith.constant 0 : i32
      %dma_start3A_29 = tpu.memref_slice %arg6[%add3A_23, %dma_start3A_28] : memref<10240x128xf32, #tpu.memory_space<vmem_shared>> -> memref<128x128xf32, #tpu.memory_space<vmem_shared>>
      %dma_start3A_30 = arith.constant 0 : i32
      %dma_start3A_31 = arith.constant 0 : i32
      %dma_start3A_32 = tpu.memref_slice %arg7[%dma_start3A_30, %dma_start3A_31] : memref<256x128xf32, #tpu.memory_space<vmem>> -> memref<128x128xf32, #tpu.memory_space<vmem>>
      %dma_start3A_33 = arith.constant 0 : i32
      %dma_start3A_34 = tpu.memref_slice %arg6[%add3A_23, %dma_start3A_33] : memref<10240x128xf32, #tpu.memory_space<vmem_shared>> -> memref<128x128xf32, #tpu.memory_space<vmem_shared>>
      tpu.enqueue_dma source(%dma_start3A_34 : memref<128x128xf32, #tpu.memory_space<vmem_shared>>) target(%dma_start3A_32 : memref<128x128xf32, #tpu.memory_space<vmem>>) target_semaphore(%run_scoped3A : memref<!tpu.dma_semaphore, #tpu.memory_space<semaphore_mem>>)
      %dma_wait3A = arith.constant 0 : i32
      %dma_wait3A_35 = arith.constant 0 : i32
      %dma_wait3A_36 = tpu.memref_slice %arg7[%dma_wait3A, %dma_wait3A_35] : memref<256x128xf32, #tpu.memory_space<vmem>> -> memref<128x128xf32, #tpu.memory_space<vmem>>
      %dma_wait3A_37 = arith.constant 0 : i32
      %dma_wait3A_38 = tpu.memref_slice %arg6[%add3A_23, %dma_wait3A_37] : memref<10240x128xf32, #tpu.memory_space<vmem_shared>> -> memref<128x128xf32, #tpu.memory_space<vmem_shared>>
      %dma_wait3A_39 = arith.constant 0 : i32
      %dma_wait3A_40 = arith.constant 0 : i32
      %dma_wait3A_41 = tpu.memref_slice %arg7[%dma_wait3A_39, %dma_wait3A_40] : memref<256x128xf32, #tpu.memory_space<vmem>> -> memref<128x128xf32, #tpu.memory_space<vmem>>
      %dma_wait3A_42 = arith.constant 0 : i32
      %dma_wait3A_43 = tpu.memref_slice %arg6[%add3A_23, %dma_wait3A_42] : memref<10240x128xf32, #tpu.memory_space<vmem_shared>> -> memref<128x128xf32, #tpu.memory_space<vmem_shared>>
      tpu.wait_dma2 semaphore(%run_scoped3A : memref<!tpu.dma_semaphore, #tpu.memory_space<semaphore_mem>>) src(%dma_wait3A_43 : memref<128x128xf32, #tpu.memory_space<vmem_shared>>) dst(%dma_wait3A_41 : memref<128x128xf32, #tpu.memory_space<vmem>>)
      tpu.yield
    }) : () -> ()
    %add3A_24 = arith.constant 512 : i32
    %add3A_25 = arith.addi %mul3A_2, %add3A_24 : i32
    "tpu.region"() ({
      %run_scoped3A = tpu.sem_alloc : memref<!tpu.dma_semaphore, #tpu.memory_space<semaphore_mem>>
      %dma_start3A = arith.constant 0 : i32
      %dma_start3A_26 = arith.constant 0 : i32
      %dma_start3A_27 = tpu.memref_slice %arg7[%dma_start3A, %dma_start3A_26] : memref<256x128xf32, #tpu.memory_space<vmem>> -> memref<128x128xf32, #tpu.memory_space<vmem>>
      %dma_start3A_28 = arith.constant 0 : i32
      %dma_start3A_29 = tpu.memref_slice %arg5[%arg0, %add3A_25, %dma_start3A_28] : memref<2x10240x128xf32, #tpu.memory_space<hbm>> -> memref<1x128x128xf32, #tpu.memory_space<hbm>>
      %dma_start3A_30 = tpu.memref_squeeze %dma_start3A_29 : memref<1x128x128xf32, #tpu.memory_space<hbm>> -> memref<128x128xf32, #tpu.memory_space<hbm>>
      %dma_start3A_31 = arith.constant 0 : i32
      %dma_start3A_32 = tpu.memref_slice %arg5[%arg0, %add3A_25, %dma_start3A_31] : memref<2x10240x128xf32, #tpu.memory_space<hbm>> -> memref<1x128x128xf32, #tpu.memory_space<hbm>>
      %dma_start3A_33 = tpu.memref_squeeze %dma_start3A_32 : memref<1x128x128xf32, #tpu.memory_space<hbm>> -> memref<128x128xf32, #tpu.memory_space<hbm>>
      %dma_start3A_34 = arith.constant 0 : i32
      %dma_start3A_35 = arith.constant 0 : i32
      %dma_start3A_36 = tpu.memref_slice %arg7[%dma_start3A_34, %dma_start3A_35] : memref<256x128xf32, #tpu.memory_space<vmem>> -> memref<128x128xf32, #tpu.memory_space<vmem>>
      tpu.enqueue_dma source(%dma_start3A_36 : memref<128x128xf32, #tpu.memory_space<vmem>>) target(%dma_start3A_33 : memref<128x128xf32, #tpu.memory_space<hbm>>) target_semaphore(%run_scoped3A : memref<!tpu.dma_semaphore, #tpu.memory_space<semaphore_mem>>)
      %dma_wait3A = arith.constant 0 : i32
      %dma_wait3A_37 = arith.constant 0 : i32
      %dma_wait3A_38 = tpu.memref_slice %arg7[%dma_wait3A, %dma_wait3A_37] : memref<256x128xf32, #tpu.memory_space<vmem>> -> memref<128x128xf32, #tpu.memory_space<vmem>>
      %dma_wait3A_39 = arith.constant 0 : i32
      %dma_wait3A_40 = tpu.memref_slice %arg5[%arg0, %add3A_25, %dma_wait3A_39] : memref<2x10240x128xf32, #tpu.memory_space<hbm>> -> memref<1x128x128xf32, #tpu.memory_space<hbm>>
      %dma_wait3A_41 = tpu.memref_squeeze %dma_wait3A_40 : memref<1x128x128xf32, #tpu.memory_space<hbm>> -> memref<128x128xf32, #tpu.memory_space<hbm>>
      %dma_wait3A_42 = arith.constant 0 : i32
      %dma_wait3A_43 = tpu.memref_slice %arg5[%arg0, %add3A_25, %dma_wait3A_42] : memref<2x10240x128xf32, #tpu.memory_space<hbm>> -> memref<1x128x128xf32, #tpu.memory_space<hbm>>
      %dma_wait3A_44 = tpu.memref_squeeze %dma_wait3A_43 : memref<1x128x128xf32, #tpu.memory_space<hbm>> -> memref<128x128xf32, #tpu.memory_space<hbm>>
      %dma_wait3A_45 = arith.constant 0 : i32
      %dma_wait3A_46 = arith.constant 0 : i32
      %dma_wait3A_47 = tpu.memref_slice %arg7[%dma_wait3A_45, %dma_wait3A_46] : memref<256x128xf32, #tpu.memory_space<vmem>> -> memref<128x128xf32, #tpu.memory_space<vmem>>
      tpu.wait_dma2 semaphore(%run_scoped3A : memref<!tpu.dma_semaphore, #tpu.memory_space<semaphore_mem>>) src(%dma_wait3A_47 : memref<128x128xf32, #tpu.memory_space<vmem>>) dst(%dma_wait3A_44 : memref<128x128xf32, #tpu.memory_space<hbm>>)
      tpu.yield
    }) : () -> ()
    return
  }
}

#map = affine_map<(d0, d1) -> (0, 0, 0, 0)>
#map1 = affine_map<(d0, d1) -> (0, 0)>
module attributes {stable_mosaic.version = 14 : i64} {
  func.func @k(%arg0: i32, %arg1: i32, %arg2: memref<32x40x2x256xi32, #tpu.memory_space<hbm>>, %arg3: memref<32x10240xf32, #tpu.memory_space<hbm>>, %arg4: memref<10240xf32, #tpu.memory_space<vmem>>, %arg5: memref<40x2x256xi32, #tpu.memory_space<vmem>>) attributes {dimension_semantics = [#tpu.dimension_semantics<core_parallel>, #tpu.dimension_semantics<subcore_parallel>], iteration_bounds = array<i64: 2, 16>, scalar_prefetch = 0 : i64, scratch_operands = 2 : i64, tpu.core_type = #tpu.core_type<sc_vector_subcore>, window_params = [{transform_indices = #map}, {transform_indices = #map1}]} {
    %mul3A = arith.constant 16 : i32
    %mul3A_0 = arith.muli %arg0, %mul3A : i32
    %add3A = arith.addi %mul3A_0, %arg1 : i32
    %broadcast_in_dim3A = arith.constant 0.000000e+00 : f32
    %broadcast_in_dim3A_1 = vector.broadcast %broadcast_in_dim3A : f32 to vector<16xf32>
    %broadcast_in_dim3A_2 = arith.constant 1.000000e+00 : f32
    %broadcast_in_dim3A_3 = vector.broadcast %broadcast_in_dim3A_2 : f32 to vector<16xf32>
    %scan3A = arith.constant 0 : i32
    %scan3A_4 = arith.constant 640 : i32
    %scan3A_5 = arith.addi %scan3A, %scan3A_4 : i32
    %scan3A_6 = arith.constant 1 : i32
    scf.for %scan3A_13 = %scan3A to %scan3A_5 step %scan3A_6  : i32 {
      %mul3A_14 = arith.constant 16 : i32
      %mul3A_15 = arith.muli %scan3A_13, %mul3A_14 : i32
      %add3A_16 = arith.constant 0 : i32
      %add3A_17 = arith.addi %add3A_16, %mul3A_15 : i32
      %swap3A = arith.index_cast %add3A_17 : i32 to index
      %swap3A_18 = tpu.vector_load %arg4[%swap3A] {strides = array<i32>} : memref<10240xf32, #tpu.memory_space<vmem>>, vector<16xf32>,
      tpu.vector_store %arg4[%swap3A], %broadcast_in_dim3A_1 {strides = array<i32>} : memref<10240xf32, #tpu.memory_space<vmem>>, vector<16xf32>,
    }
    %scan3A_7 = arith.constant 640 : i32
    "tpu.region"() ({
      %run_scoped3A = tpu.sem_alloc : memref<!tpu.dma_semaphore, #tpu.memory_space<semaphore_mem>>
      %dma_start3A = arith.constant 0 : i32
      %dma_start3A_13 = arith.constant 0 : i32
      %dma_start3A_14 = arith.constant 0 : i32
      %dma_start3A_15 = tpu.memref_slice %arg2[%add3A, %dma_start3A, %dma_start3A_13, %dma_start3A_14] : memref<32x40x2x256xi32, #tpu.memory_space<hbm>> -> memref<1x40x2x256xi32, #tpu.memory_space<hbm>>
      %dma_start3A_16 = tpu.memref_squeeze %dma_start3A_15 : memref<1x40x2x256xi32, #tpu.memory_space<hbm>> -> memref<40x2x256xi32, #tpu.memory_space<hbm>>
      %dma_start3A_17 = arith.constant 0 : i32
      %dma_start3A_18 = arith.constant 0 : i32
      %dma_start3A_19 = arith.constant 0 : i32
      %dma_start3A_20 = tpu.memref_slice %arg2[%add3A, %dma_start3A_17, %dma_start3A_18, %dma_start3A_19] : memref<32x40x2x256xi32, #tpu.memory_space<hbm>> -> memref<1x40x2x256xi32, #tpu.memory_space<hbm>>
      %dma_start3A_21 = tpu.memref_squeeze %dma_start3A_20 : memref<1x40x2x256xi32, #tpu.memory_space<hbm>> -> memref<40x2x256xi32, #tpu.memory_space<hbm>>
      tpu.enqueue_dma source(%dma_start3A_21 : memref<40x2x256xi32, #tpu.memory_space<hbm>>) target(%arg5 : memref<40x2x256xi32, #tpu.memory_space<vmem>>) target_semaphore(%run_scoped3A : memref<!tpu.dma_semaphore, #tpu.memory_space<semaphore_mem>>)
      %dma_wait3A = arith.constant 0 : i32
      %dma_wait3A_22 = arith.constant 0 : i32
      %dma_wait3A_23 = arith.constant 0 : i32
      %dma_wait3A_24 = tpu.memref_slice %arg2[%add3A, %dma_wait3A, %dma_wait3A_22, %dma_wait3A_23] : memref<32x40x2x256xi32, #tpu.memory_space<hbm>> -> memref<1x40x2x256xi32, #tpu.memory_space<hbm>>
      %dma_wait3A_25 = tpu.memref_squeeze %dma_wait3A_24 : memref<1x40x2x256xi32, #tpu.memory_space<hbm>> -> memref<40x2x256xi32, #tpu.memory_space<hbm>>
      %dma_wait3A_26 = arith.constant 0 : i32
      %dma_wait3A_27 = arith.constant 0 : i32
      %dma_wait3A_28 = arith.constant 0 : i32
      %dma_wait3A_29 = tpu.memref_slice %arg2[%add3A, %dma_wait3A_26, %dma_wait3A_27, %dma_wait3A_28] : memref<32x40x2x256xi32, #tpu.memory_space<hbm>> -> memref<1x40x2x256xi32, #tpu.memory_space<hbm>>
      %dma_wait3A_30 = tpu.memref_squeeze %dma_wait3A_29 : memref<1x40x2x256xi32, #tpu.memory_space<hbm>> -> memref<40x2x256xi32, #tpu.memory_space<hbm>>
      tpu.wait_dma2 semaphore(%run_scoped3A : memref<!tpu.dma_semaphore, #tpu.memory_space<semaphore_mem>>) src(%dma_wait3A_30 : memref<40x2x256xi32, #tpu.memory_space<hbm>>) dst(%arg5 : memref<40x2x256xi32, #tpu.memory_space<vmem>>)
      tpu.yield
    }) : () -> ()
    %scan3A_8 = arith.constant 0 : i32
    %scan3A_9 = arith.constant 40 : i32
    %scan3A_10 = arith.addi %scan3A_8, %scan3A_9 : i32
    %scan3A_11 = arith.constant 1 : i32
    scf.for %scan3A_13 = %scan3A_8 to %scan3A_10 step %scan3A_11  : i32 {
      %mul3A_14 = arith.constant 1 : i32
      %mul3A_15 = arith.muli %scan3A_13, %mul3A_14 : i32
      %add3A_16 = arith.constant 0 : i32
      %add3A_17 = arith.addi %add3A_16, %mul3A_15 : i32
      %get3A = arith.constant 1 : i32
      %get3A_18 = arith.index_cast %add3A_17 : i32 to index
      %get3A_19 = arith.index_cast %get3A : i32 to index
      %get3A_20 = arith.constant 0 : index
      %get3A_21 = tpu.vector_load %arg5[%get3A_18, %get3A_19, %get3A_20] {strides = array<i32>} : memref<40x2x256xi32, #tpu.memory_space<vmem>>, vector<16xi32>,
      tpu.vector_store_idx %arg4[%get3A_21], %broadcast_in_dim3A_3 {add = true} : memref<10240xf32, #tpu.memory_space<vmem>>[vector<16xi32>], vector<16xf32>,
      %get3A_22 = arith.constant 1 : i32
      %get3A_23 = arith.index_cast %add3A_17 : i32 to index
      %get3A_24 = arith.index_cast %get3A_22 : i32 to index
      %get3A_25 = arith.constant 16 : index
      %get3A_26 = tpu.vector_load %arg5[%get3A_23, %get3A_24, %get3A_25] {strides = array<i32>} : memref<40x2x256xi32, #tpu.memory_space<vmem>>, vector<16xi32>,
      tpu.vector_store_idx %arg4[%get3A_26], %broadcast_in_dim3A_3 {add = true} : memref<10240xf32, #tpu.memory_space<vmem>>[vector<16xi32>], vector<16xf32>,
      %get3A_27 = arith.constant 1 : i32
      %get3A_28 = arith.index_cast %add3A_17 : i32 to index
      %get3A_29 = arith.index_cast %get3A_27 : i32 to index
      %get3A_30 = arith.constant 32 : index
      %get3A_31 = tpu.vector_load %arg5[%get3A_28, %get3A_29, %get3A_30] {strides = array<i32>} : memref<40x2x256xi32, #tpu.memory_space<vmem>>, vector<16xi32>,
      tpu.vector_store_idx %arg4[%get3A_31], %broadcast_in_dim3A_3 {add = true} : memref<10240xf32, #tpu.memory_space<vmem>>[vector<16xi32>], vector<16xf32>,
      %get3A_32 = arith.constant 1 : i32
      %get3A_33 = arith.index_cast %add3A_17 : i32 to index
      %get3A_34 = arith.index_cast %get3A_32 : i32 to index
      %get3A_35 = arith.constant 48 : index
      %get3A_36 = tpu.vector_load %arg5[%get3A_33, %get3A_34, %get3A_35] {strides = array<i32>} : memref<40x2x256xi32, #tpu.memory_space<vmem>>, vector<16xi32>,
      tpu.vector_store_idx %arg4[%get3A_36], %broadcast_in_dim3A_3 {add = true} : memref<10240xf32, #tpu.memory_space<vmem>>[vector<16xi32>], vector<16xf32>,
      %get3A_37 = arith.constant 1 : i32
      %get3A_38 = arith.index_cast %add3A_17 : i32 to index
      %get3A_39 = arith.index_cast %get3A_37 : i32 to index
      %get3A_40 = arith.constant 64 : index
      %get3A_41 = tpu.vector_load %arg5[%get3A_38, %get3A_39, %get3A_40] {strides = array<i32>} : memref<40x2x256xi32, #tpu.memory_space<vmem>>, vector<16xi32>,
      tpu.vector_store_idx %arg4[%get3A_41], %broadcast_in_dim3A_3 {add = true} : memref<10240xf32, #tpu.memory_space<vmem>>[vector<16xi32>], vector<16xf32>,
      %get3A_42 = arith.constant 1 : i32
      %get3A_43 = arith.index_cast %add3A_17 : i32 to index
      %get3A_44 = arith.index_cast %get3A_42 : i32 to index
      %get3A_45 = arith.constant 80 : index
      %get3A_46 = tpu.vector_load %arg5[%get3A_43, %get3A_44, %get3A_45] {strides = array<i32>} : memref<40x2x256xi32, #tpu.memory_space<vmem>>, vector<16xi32>,
      tpu.vector_store_idx %arg4[%get3A_46], %broadcast_in_dim3A_3 {add = true} : memref<10240xf32, #tpu.memory_space<vmem>>[vector<16xi32>], vector<16xf32>,
      %get3A_47 = arith.constant 1 : i32
      %get3A_48 = arith.index_cast %add3A_17 : i32 to index
      %get3A_49 = arith.index_cast %get3A_47 : i32 to index
      %get3A_50 = arith.constant 96 : index
      %get3A_51 = tpu.vector_load %arg5[%get3A_48, %get3A_49, %get3A_50] {strides = array<i32>} : memref<40x2x256xi32, #tpu.memory_space<vmem>>, vector<16xi32>,
      tpu.vector_store_idx %arg4[%get3A_51], %broadcast_in_dim3A_3 {add = true} : memref<10240xf32, #tpu.memory_space<vmem>>[vector<16xi32>], vector<16xf32>,
      %get3A_52 = arith.constant 1 : i32
      %get3A_53 = arith.index_cast %add3A_17 : i32 to index
      %get3A_54 = arith.index_cast %get3A_52 : i32 to index
      %get3A_55 = arith.constant 112 : index
      %get3A_56 = tpu.vector_load %arg5[%get3A_53, %get3A_54, %get3A_55] {strides = array<i32>} : memref<40x2x256xi32, #tpu.memory_space<vmem>>, vector<16xi32>,
      tpu.vector_store_idx %arg4[%get3A_56], %broadcast_in_dim3A_3 {add = true} : memref<10240xf32, #tpu.memory_space<vmem>>[vector<16xi32>], vector<16xf32>,
      %get3A_57 = arith.constant 1 : i32
      %get3A_58 = arith.index_cast %add3A_17 : i32 to index
      %get3A_59 = arith.index_cast %get3A_57 : i32 to index
      %get3A_60 = arith.constant 128 : index
      %get3A_61 = tpu.vector_load %arg5[%get3A_58, %get3A_59, %get3A_60] {strides = array<i32>} : memref<40x2x256xi32, #tpu.memory_space<vmem>>, vector<16xi32>,
      tpu.vector_store_idx %arg4[%get3A_61], %broadcast_in_dim3A_3 {add = true} : memref<10240xf32, #tpu.memory_space<vmem>>[vector<16xi32>], vector<16xf32>,
      %get3A_62 = arith.constant 1 : i32
      %get3A_63 = arith.index_cast %add3A_17 : i32 to index
      %get3A_64 = arith.index_cast %get3A_62 : i32 to index
      %get3A_65 = arith.constant 144 : index
      %get3A_66 = tpu.vector_load %arg5[%get3A_63, %get3A_64, %get3A_65] {strides = array<i32>} : memref<40x2x256xi32, #tpu.memory_space<vmem>>, vector<16xi32>,
      tpu.vector_store_idx %arg4[%get3A_66], %broadcast_in_dim3A_3 {add = true} : memref<10240xf32, #tpu.memory_space<vmem>>[vector<16xi32>], vector<16xf32>,
      %get3A_67 = arith.constant 1 : i32
      %get3A_68 = arith.index_cast %add3A_17 : i32 to index
      %get3A_69 = arith.index_cast %get3A_67 : i32 to index
      %get3A_70 = arith.constant 160 : index
      %get3A_71 = tpu.vector_load %arg5[%get3A_68, %get3A_69, %get3A_70] {strides = array<i32>} : memref<40x2x256xi32, #tpu.memory_space<vmem>>, vector<16xi32>,
      tpu.vector_store_idx %arg4[%get3A_71], %broadcast_in_dim3A_3 {add = true} : memref<10240xf32, #tpu.memory_space<vmem>>[vector<16xi32>], vector<16xf32>,
      %get3A_72 = arith.constant 1 : i32
      %get3A_73 = arith.index_cast %add3A_17 : i32 to index
      %get3A_74 = arith.index_cast %get3A_72 : i32 to index
      %get3A_75 = arith.constant 176 : index
      %get3A_76 = tpu.vector_load %arg5[%get3A_73, %get3A_74, %get3A_75] {strides = array<i32>} : memref<40x2x256xi32, #tpu.memory_space<vmem>>, vector<16xi32>,
      tpu.vector_store_idx %arg4[%get3A_76], %broadcast_in_dim3A_3 {add = true} : memref<10240xf32, #tpu.memory_space<vmem>>[vector<16xi32>], vector<16xf32>,
      %get3A_77 = arith.constant 1 : i32
      %get3A_78 = arith.index_cast %add3A_17 : i32 to index
      %get3A_79 = arith.index_cast %get3A_77 : i32 to index
      %get3A_80 = arith.constant 192 : index
      %get3A_81 = tpu.vector_load %arg5[%get3A_78, %get3A_79, %get3A_80] {strides = array<i32>} : memref<40x2x256xi32, #tpu.memory_space<vmem>>, vector<16xi32>,
      tpu.vector_store_idx %arg4[%get3A_81], %broadcast_in_dim3A_3 {add = true} : memref<10240xf32, #tpu.memory_space<vmem>>[vector<16xi32>], vector<16xf32>,
      %get3A_82 = arith.constant 1 : i32
      %get3A_83 = arith.index_cast %add3A_17 : i32 to index
      %get3A_84 = arith.index_cast %get3A_82 : i32 to index
      %get3A_85 = arith.constant 208 : index
      %get3A_86 = tpu.vector_load %arg5[%get3A_83, %get3A_84, %get3A_85] {strides = array<i32>} : memref<40x2x256xi32, #tpu.memory_space<vmem>>, vector<16xi32>,
      tpu.vector_store_idx %arg4[%get3A_86], %broadcast_in_dim3A_3 {add = true} : memref<10240xf32, #tpu.memory_space<vmem>>[vector<16xi32>], vector<16xf32>,
      %get3A_87 = arith.constant 1 : i32
      %get3A_88 = arith.index_cast %add3A_17 : i32 to index
      %get3A_89 = arith.index_cast %get3A_87 : i32 to index
      %get3A_90 = arith.constant 224 : index
      %get3A_91 = tpu.vector_load %arg5[%get3A_88, %get3A_89, %get3A_90] {strides = array<i32>} : memref<40x2x256xi32, #tpu.memory_space<vmem>>, vector<16xi32>,
      tpu.vector_store_idx %arg4[%get3A_91], %broadcast_in_dim3A_3 {add = true} : memref<10240xf32, #tpu.memory_space<vmem>>[vector<16xi32>], vector<16xf32>,
      %get3A_92 = arith.constant 1 : i32
      %get3A_93 = arith.index_cast %add3A_17 : i32 to index
      %get3A_94 = arith.index_cast %get3A_92 : i32 to index
      %get3A_95 = arith.constant 240 : index
      %get3A_96 = tpu.vector_load %arg5[%get3A_93, %get3A_94, %get3A_95] {strides = array<i32>} : memref<40x2x256xi32, #tpu.memory_space<vmem>>, vector<16xi32>,
      tpu.vector_store_idx %arg4[%get3A_96], %broadcast_in_dim3A_3 {add = true} : memref<10240xf32, #tpu.memory_space<vmem>>[vector<16xi32>], vector<16xf32>,
    }
    %scan3A_12 = arith.constant 40 : i32
    "tpu.region"() ({
      %run_scoped3A = tpu.sem_alloc : memref<!tpu.dma_semaphore, #tpu.memory_space<semaphore_mem>>
      %dma_start3A = arith.constant 0 : i32
      %dma_start3A_13 = tpu.memref_slice %arg3[%add3A, %dma_start3A] : memref<32x10240xf32, #tpu.memory_space<hbm>> -> memref<1x10240xf32, #tpu.memory_space<hbm>>
      %dma_start3A_14 = tpu.memref_squeeze %dma_start3A_13 : memref<1x10240xf32, #tpu.memory_space<hbm>> -> memref<10240xf32, #tpu.memory_space<hbm>>
      %dma_start3A_15 = arith.constant 0 : i32
      %dma_start3A_16 = tpu.memref_slice %arg3[%add3A, %dma_start3A_15] : memref<32x10240xf32, #tpu.memory_space<hbm>> -> memref<1x10240xf32, #tpu.memory_space<hbm>>
      %dma_start3A_17 = tpu.memref_squeeze %dma_start3A_16 : memref<1x10240xf32, #tpu.memory_space<hbm>> -> memref<10240xf32, #tpu.memory_space<hbm>>
      tpu.enqueue_dma source(%arg4 : memref<10240xf32, #tpu.memory_space<vmem>>) target(%dma_start3A_17 : memref<10240xf32, #tpu.memory_space<hbm>>) target_semaphore(%run_scoped3A : memref<!tpu.dma_semaphore, #tpu.memory_space<semaphore_mem>>)
      %dma_wait3A = arith.constant 0 : i32
      %dma_wait3A_18 = tpu.memref_slice %arg3[%add3A, %dma_wait3A] : memref<32x10240xf32, #tpu.memory_space<hbm>> -> memref<1x10240xf32, #tpu.memory_space<hbm>>
      %dma_wait3A_19 = tpu.memref_squeeze %dma_wait3A_18 : memref<1x10240xf32, #tpu.memory_space<hbm>> -> memref<10240xf32, #tpu.memory_space<hbm>>
      %dma_wait3A_20 = arith.constant 0 : i32
      %dma_wait3A_21 = tpu.memref_slice %arg3[%add3A, %dma_wait3A_20] : memref<32x10240xf32, #tpu.memory_space<hbm>> -> memref<1x10240xf32, #tpu.memory_space<hbm>>
      %dma_wait3A_22 = tpu.memref_squeeze %dma_wait3A_21 : memref<1x10240xf32, #tpu.memory_space<hbm>> -> memref<10240xf32, #tpu.memory_space<hbm>>
      tpu.wait_dma2 semaphore(%run_scoped3A : memref<!tpu.dma_semaphore, #tpu.memory_space<semaphore_mem>>) src(%arg4 : memref<10240xf32, #tpu.memory_space<vmem>>) dst(%dma_wait3A_22 : memref<10240xf32, #tpu.memory_space<hbm>>)
      tpu.yield
    }) : () -> ()
    return
  }
}

#map = affine_map<(d0, d1) -> (0, 0)>
#map1 = affine_map<(d0, d1) -> (0, 0, 0, 0)>
#map2 = affine_map<(d0, d1) -> (0, 0, 0)>
module attributes {stable_mosaic.version = 14 : i64} {
  func.func @k(%arg0: i32, %arg1: i32, %arg2: memref<10240x128xf32, #tpu.memory_space<hbm>>, %arg3: memref<32x40x2x256xi32, #tpu.memory_space<hbm>>, %arg4: memref<256x128xf32, #tpu.memory_space<hbm>>, %arg5: memref<2x10240x128xf32, #tpu.memory_space<hbm>>, %arg6: memref<10240x128xf32, #tpu.memory_space<vmem_shared>>, %arg7: memref<256x128xf32, #tpu.memory_space<vmem>>, %arg8: memref<256xi32, #tpu.memory_space<vmem>>, %arg9: memref<256xi32, #tpu.memory_space<vmem>>) attributes {dimension_semantics = [#tpu.dimension_semantics<core_parallel>, #tpu.dimension_semantics<subcore_parallel>], iteration_bounds = array<i64: 2, 16>, scalar_prefetch = 0 : i64, scratch_operands = 4 : i64, tpu.core_type = #tpu.core_type<sc_vector_subcore>, window_params = [{transform_indices = #map}, {transform_indices = #map1}, {transform_indices = #map}, {transform_indices = #map2}]} {
    %mul3A = arith.constant 16 : i32
    %mul3A_0 = arith.muli %arg0, %mul3A : i32
    %add3A = arith.addi %mul3A_0, %arg1 : i32
    %mul3A_1 = arith.constant 640 : i32
    %mul3A_2 = arith.muli %arg1, %mul3A_1 : i32
    "tpu.region"() ({
      %run_scoped3A = tpu.sem_alloc : memref<!tpu.dma_semaphore, #tpu.memory_space<semaphore_mem>>
      tpu.enqueue_dma source(%arg4 : memref<256x128xf32, #tpu.memory_space<hbm>>) target(%arg7 : memref<256x128xf32, #tpu.memory_space<vmem>>) target_semaphore(%run_scoped3A : memref<!tpu.dma_semaphore, #tpu.memory_space<semaphore_mem>>)
      tpu.wait_dma2 semaphore(%run_scoped3A : memref<!tpu.dma_semaphore, #tpu.memory_space<semaphore_mem>>) src(%arg4 : memref<256x128xf32, #tpu.memory_space<hbm>>) dst(%arg7 : memref<256x128xf32, #tpu.memory_space<vmem>>)
      tpu.yield
    }) : () -> ()
    %add3A_3 = arith.constant 0 : i32
    %add3A_4 = arith.addi %mul3A_2, %add3A_3 : i32
    "tpu.region"() ({
      %run_scoped3A = tpu.sem_alloc : memref<!tpu.dma_semaphore, #tpu.memory_space<semaphore_mem>>
      %dma_start3A = arith.constant 0 : i32
      %dma_start3A_26 = arith.constant 0 : i32
      %dma_start3A_27 = tpu.memref_slice %arg7[%dma_start3A, %dma_start3A_26] : memref<256x128xf32, #tpu.memory_space<vmem>> -> memref<256x128xf32, #tpu.memory_space<vmem>>
      %dma_start3A_28 = arith.constant 0 : i32
      %dma_start3A_29 = tpu.memref_slice %arg6[%add3A_4, %dma_start3A_28] : memref<10240x128xf32, #tpu.memory_space<vmem_shared>> -> memref<256x128xf32, #tpu.memory_space<vmem_shared>>
      %dma_start3A_30 = arith.constant 0 : i32
      %dma_start3A_31 = tpu.memref_slice %arg6[%add3A_4, %dma_start3A_30] : memref<10240x128xf32, #tpu.memory_space<vmem_shared>> -> memref<256x128xf32, #tpu.memory_space<vmem_shared>>
      %dma_start3A_32 = arith.constant 0 : i32
      %dma_start3A_33 = arith.constant 0 : i32
      %dma_start3A_34 = tpu.memref_slice %arg7[%dma_start3A_32, %dma_start3A_33] : memref<256x128xf32, #tpu.memory_space<vmem>> -> memref<256x128xf32, #tpu.memory_space<vmem>>
      tpu.enqueue_dma source(%dma_start3A_34 : memref<256x128xf32, #tpu.memory_space<vmem>>) target(%dma_start3A_31 : memref<256x128xf32, #tpu.memory_space<vmem_shared>>) target_semaphore(%run_scoped3A : memref<!tpu.dma_semaphore, #tpu.memory_space<semaphore_mem>>)
      %dma_wait3A = arith.constant 0 : i32
      %dma_wait3A_35 = arith.constant 0 : i32
      %dma_wait3A_36 = tpu.memref_slice %arg7[%dma_wait3A, %dma_wait3A_35] : memref<256x128xf32, #tpu.memory_space<vmem>> -> memref<256x128xf32, #tpu.memory_space<vmem>>
      %dma_wait3A_37 = arith.constant 0 : i32
      %dma_wait3A_38 = tpu.memref_slice %arg6[%add3A_4, %dma_wait3A_37] : memref<10240x128xf32, #tpu.memory_space<vmem_shared>> -> memref<256x128xf32, #tpu.memory_space<vmem_shared>>
      %dma_wait3A_39 = arith.constant 0 : i32
      %dma_wait3A_40 = tpu.memref_slice %arg6[%add3A_4, %dma_wait3A_39] : memref<10240x128xf32, #tpu.memory_space<vmem_shared>> -> memref<256x128xf32, #tpu.memory_space<vmem_shared>>
      %dma_wait3A_41 = arith.constant 0 : i32
      %dma_wait3A_42 = arith.constant 0 : i32
      %dma_wait3A_43 = tpu.memref_slice %arg7[%dma_wait3A_41, %dma_wait3A_42] : memref<256x128xf32, #tpu.memory_space<vmem>> -> memref<256x128xf32, #tpu.memory_space<vmem>>
      tpu.wait_dma2 semaphore(%run_scoped3A : memref<!tpu.dma_semaphore, #tpu.memory_space<semaphore_mem>>) src(%dma_wait3A_43 : memref<256x128xf32, #tpu.memory_space<vmem>>) dst(%dma_wait3A_40 : memref<256x128xf32, #tpu.memory_space<vmem_shared>>)
      tpu.yield
    }) : () -> ()
    %add3A_5 = arith.constant 256 : i32
    %add3A_6 = arith.addi %mul3A_2, %add3A_5 : i32
    "tpu.region"() ({
      %run_scoped3A = tpu.sem_alloc : memref<!tpu.dma_semaphore, #tpu.memory_space<semaphore_mem>>
      %dma_start3A = arith.constant 0 : i32
      %dma_start3A_26 = arith.constant 0 : i32
      %dma_start3A_27 = tpu.memref_slice %arg7[%dma_start3A, %dma_start3A_26] : memref<256x128xf32, #tpu.memory_space<vmem>> -> memref<256x128xf32, #tpu.memory_space<vmem>>
      %dma_start3A_28 = arith.constant 0 : i32
      %dma_start3A_29 = tpu.memref_slice %arg6[%add3A_6, %dma_start3A_28] : memref<10240x128xf32, #tpu.memory_space<vmem_shared>> -> memref<256x128xf32, #tpu.memory_space<vmem_shared>>
      %dma_start3A_30 = arith.constant 0 : i32
      %dma_start3A_31 = tpu.memref_slice %arg6[%add3A_6, %dma_start3A_30] : memref<10240x128xf32, #tpu.memory_space<vmem_shared>> -> memref<256x128xf32, #tpu.memory_space<vmem_shared>>
      %dma_start3A_32 = arith.constant 0 : i32
      %dma_start3A_33 = arith.constant 0 : i32
      %dma_start3A_34 = tpu.memref_slice %arg7[%dma_start3A_32, %dma_start3A_33] : memref<256x128xf32, #tpu.memory_space<vmem>> -> memref<256x128xf32, #tpu.memory_space<vmem>>
      tpu.enqueue_dma source(%dma_start3A_34 : memref<256x128xf32, #tpu.memory_space<vmem>>) target(%dma_start3A_31 : memref<256x128xf32, #tpu.memory_space<vmem_shared>>) target_semaphore(%run_scoped3A : memref<!tpu.dma_semaphore, #tpu.memory_space<semaphore_mem>>)
      %dma_wait3A = arith.constant 0 : i32
      %dma_wait3A_35 = arith.constant 0 : i32
      %dma_wait3A_36 = tpu.memref_slice %arg7[%dma_wait3A, %dma_wait3A_35] : memref<256x128xf32, #tpu.memory_space<vmem>> -> memref<256x128xf32, #tpu.memory_space<vmem>>
      %dma_wait3A_37 = arith.constant 0 : i32
      %dma_wait3A_38 = tpu.memref_slice %arg6[%add3A_6, %dma_wait3A_37] : memref<10240x128xf32, #tpu.memory_space<vmem_shared>> -> memref<256x128xf32, #tpu.memory_space<vmem_shared>>
      %dma_wait3A_39 = arith.constant 0 : i32
      %dma_wait3A_40 = tpu.memref_slice %arg6[%add3A_6, %dma_wait3A_39] : memref<10240x128xf32, #tpu.memory_space<vmem_shared>> -> memref<256x128xf32, #tpu.memory_space<vmem_shared>>
      %dma_wait3A_41 = arith.constant 0 : i32
      %dma_wait3A_42 = arith.constant 0 : i32
      %dma_wait3A_43 = tpu.memref_slice %arg7[%dma_wait3A_41, %dma_wait3A_42] : memref<256x128xf32, #tpu.memory_space<vmem>> -> memref<256x128xf32, #tpu.memory_space<vmem>>
      tpu.wait_dma2 semaphore(%run_scoped3A : memref<!tpu.dma_semaphore, #tpu.memory_space<semaphore_mem>>) src(%dma_wait3A_43 : memref<256x128xf32, #tpu.memory_space<vmem>>) dst(%dma_wait3A_40 : memref<256x128xf32, #tpu.memory_space<vmem_shared>>)
      tpu.yield
    }) : () -> ()
    %add3A_7 = arith.constant 512 : i32
    %add3A_8 = arith.addi %mul3A_2, %add3A_7 : i32
    "tpu.region"() ({
      %run_scoped3A = tpu.sem_alloc : memref<!tpu.dma_semaphore, #tpu.memory_space<semaphore_mem>>
      %dma_start3A = arith.constant 0 : i32
      %dma_start3A_26 = arith.constant 0 : i32
      %dma_start3A_27 = tpu.memref_slice %arg7[%dma_start3A, %dma_start3A_26] : memref<256x128xf32, #tpu.memory_space<vmem>> -> memref<128x128xf32, #tpu.memory_space<vmem>>
      %dma_start3A_28 = arith.constant 0 : i32
      %dma_start3A_29 = tpu.memref_slice %arg6[%add3A_8, %dma_start3A_28] : memref<10240x128xf32, #tpu.memory_space<vmem_shared>> -> memref<128x128xf32, #tpu.memory_space<vmem_shared>>
      %dma_start3A_30 = arith.constant 0 : i32
      %dma_start3A_31 = tpu.memref_slice %arg6[%add3A_8, %dma_start3A_30] : memref<10240x128xf32, #tpu.memory_space<vmem_shared>> -> memref<128x128xf32, #tpu.memory_space<vmem_shared>>
      %dma_start3A_32 = arith.constant 0 : i32
      %dma_start3A_33 = arith.constant 0 : i32
      %dma_start3A_34 = tpu.memref_slice %arg7[%dma_start3A_32, %dma_start3A_33] : memref<256x128xf32, #tpu.memory_space<vmem>> -> memref<128x128xf32, #tpu.memory_space<vmem>>
      tpu.enqueue_dma source(%dma_start3A_34 : memref<128x128xf32, #tpu.memory_space<vmem>>) target(%dma_start3A_31 : memref<128x128xf32, #tpu.memory_space<vmem_shared>>) target_semaphore(%run_scoped3A : memref<!tpu.dma_semaphore, #tpu.memory_space<semaphore_mem>>)
      %dma_wait3A = arith.constant 0 : i32
      %dma_wait3A_35 = arith.constant 0 : i32
      %dma_wait3A_36 = tpu.memref_slice %arg7[%dma_wait3A, %dma_wait3A_35] : memref<256x128xf32, #tpu.memory_space<vmem>> -> memref<128x128xf32, #tpu.memory_space<vmem>>
      %dma_wait3A_37 = arith.constant 0 : i32
      %dma_wait3A_38 = tpu.memref_slice %arg6[%add3A_8, %dma_wait3A_37] : memref<10240x128xf32, #tpu.memory_space<vmem_shared>> -> memref<128x128xf32, #tpu.memory_space<vmem_shared>>
      %dma_wait3A_39 = arith.constant 0 : i32
      %dma_wait3A_40 = tpu.memref_slice %arg6[%add3A_8, %dma_wait3A_39] : memref<10240x128xf32, #tpu.memory_space<vmem_shared>> -> memref<128x128xf32, #tpu.memory_space<vmem_shared>>
      %dma_wait3A_41 = arith.constant 0 : i32
      %dma_wait3A_42 = arith.constant 0 : i32
      %dma_wait3A_43 = tpu.memref_slice %arg7[%dma_wait3A_41, %dma_wait3A_42] : memref<256x128xf32, #tpu.memory_space<vmem>> -> memref<128x128xf32, #tpu.memory_space<vmem>>
      tpu.wait_dma2 semaphore(%run_scoped3A : memref<!tpu.dma_semaphore, #tpu.memory_space<semaphore_mem>>) src(%dma_wait3A_43 : memref<128x128xf32, #tpu.memory_space<vmem>>) dst(%dma_wait3A_40 : memref<128x128xf32, #tpu.memory_space<vmem_shared>>)
      tpu.yield
    }) : () -> ()
    %barrier3A = arith.constant 0 : index
    tpu.barrier barrier_id(%barrier3A)
    %scan3A = arith.constant 0 : i32
    %scan3A_9 = arith.constant 40 : i32
    %scan3A_10 = arith.addi %scan3A, %scan3A_9 : i32
    %scan3A_11 = arith.constant 1 : i32
    scf.for %scan3A_26 = %scan3A to %scan3A_10 step %scan3A_11  : i32 {
      %mul3A_27 = arith.constant 1 : i32
      %mul3A_28 = arith.muli %scan3A_26, %mul3A_27 : i32
      %add3A_29 = arith.constant 0 : i32
      %add3A_30 = arith.addi %add3A_29, %mul3A_28 : i32
      %run_scoped3A = arith.constant 0 : i32
      "tpu.region"() ({
        %run_scoped3A_32 = tpu.sem_alloc : memref<!tpu.dma_semaphore, #tpu.memory_space<semaphore_mem>>
        %dma_start3A = arith.constant 0 : i32
        %dma_start3A_33 = tpu.memref_slice %arg3[%add3A, %add3A_30, %run_scoped3A, %dma_start3A] : memref<32x40x2x256xi32, #tpu.memory_space<hbm>> -> memref<1x1x1x256xi32, #tpu.memory_space<hbm>>
        %dma_start3A_34 = tpu.memref_squeeze %dma_start3A_33 : memref<1x1x1x256xi32, #tpu.memory_space<hbm>> -> memref<256xi32, #tpu.memory_space<hbm>>
        %dma_start3A_35 = arith.constant 0 : i32
        %dma_start3A_36 = tpu.memref_slice %arg3[%add3A, %add3A_30, %run_scoped3A, %dma_start3A_35] : memref<32x40x2x256xi32, #tpu.memory_space<hbm>> -> memref<1x1x1x256xi32, #tpu.memory_space<hbm>>
        %dma_start3A_37 = tpu.memref_squeeze %dma_start3A_36 : memref<1x1x1x256xi32, #tpu.memory_space<hbm>> -> memref<256xi32, #tpu.memory_space<hbm>>
        tpu.enqueue_dma source(%dma_start3A_37 : memref<256xi32, #tpu.memory_space<hbm>>) target(%arg8 : memref<256xi32, #tpu.memory_space<vmem>>) target_semaphore(%run_scoped3A_32 : memref<!tpu.dma_semaphore, #tpu.memory_space<semaphore_mem>>)
        %dma_wait3A = arith.constant 0 : i32
        %dma_wait3A_38 = tpu.memref_slice %arg3[%add3A, %add3A_30, %run_scoped3A, %dma_wait3A] : memref<32x40x2x256xi32, #tpu.memory_space<hbm>> -> memref<1x1x1x256xi32, #tpu.memory_space<hbm>>
        %dma_wait3A_39 = tpu.memref_squeeze %dma_wait3A_38 : memref<1x1x1x256xi32, #tpu.memory_space<hbm>> -> memref<256xi32, #tpu.memory_space<hbm>>
        %dma_wait3A_40 = arith.constant 0 : i32
        %dma_wait3A_41 = tpu.memref_slice %arg3[%add3A, %add3A_30, %run_scoped3A, %dma_wait3A_40] : memref<32x40x2x256xi32, #tpu.memory_space<hbm>> -> memref<1x1x1x256xi32, #tpu.memory_space<hbm>>
        %dma_wait3A_42 = tpu.memref_squeeze %dma_wait3A_41 : memref<1x1x1x256xi32, #tpu.memory_space<hbm>> -> memref<256xi32, #tpu.memory_space<hbm>>
        tpu.wait_dma2 semaphore(%run_scoped3A_32 : memref<!tpu.dma_semaphore, #tpu.memory_space<semaphore_mem>>) src(%dma_wait3A_42 : memref<256xi32, #tpu.memory_space<hbm>>) dst(%arg8 : memref<256xi32, #tpu.memory_space<vmem>>)
        tpu.yield
      }) : () -> ()
      %run_scoped3A_31 = arith.constant 1 : i32
      "tpu.region"() ({
        %run_scoped3A_32 = tpu.sem_alloc : memref<!tpu.dma_semaphore, #tpu.memory_space<semaphore_mem>>
        %dma_start3A = arith.constant 0 : i32
        %dma_start3A_33 = tpu.memref_slice %arg3[%add3A, %add3A_30, %run_scoped3A_31, %dma_start3A] : memref<32x40x2x256xi32, #tpu.memory_space<hbm>> -> memref<1x1x1x256xi32, #tpu.memory_space<hbm>>
        %dma_start3A_34 = tpu.memref_squeeze %dma_start3A_33 : memref<1x1x1x256xi32, #tpu.memory_space<hbm>> -> memref<256xi32, #tpu.memory_space<hbm>>
        %dma_start3A_35 = arith.constant 0 : i32
        %dma_start3A_36 = tpu.memref_slice %arg3[%add3A, %add3A_30, %run_scoped3A_31, %dma_start3A_35] : memref<32x40x2x256xi32, #tpu.memory_space<hbm>> -> memref<1x1x1x256xi32, #tpu.memory_space<hbm>>
        %dma_start3A_37 = tpu.memref_squeeze %dma_start3A_36 : memref<1x1x1x256xi32, #tpu.memory_space<hbm>> -> memref<256xi32, #tpu.memory_space<hbm>>
        tpu.enqueue_dma source(%dma_start3A_37 : memref<256xi32, #tpu.memory_space<hbm>>) target(%arg9 : memref<256xi32, #tpu.memory_space<vmem>>) target_semaphore(%run_scoped3A_32 : memref<!tpu.dma_semaphore, #tpu.memory_space<semaphore_mem>>)
        %dma_wait3A = arith.constant 0 : i32
        %dma_wait3A_38 = tpu.memref_slice %arg3[%add3A, %add3A_30, %run_scoped3A_31, %dma_wait3A] : memref<32x40x2x256xi32, #tpu.memory_space<hbm>> -> memref<1x1x1x256xi32, #tpu.memory_space<hbm>>
        %dma_wait3A_39 = tpu.memref_squeeze %dma_wait3A_38 : memref<1x1x1x256xi32, #tpu.memory_space<hbm>> -> memref<256xi32, #tpu.memory_space<hbm>>
        %dma_wait3A_40 = arith.constant 0 : i32
        %dma_wait3A_41 = tpu.memref_slice %arg3[%add3A, %add3A_30, %run_scoped3A_31, %dma_wait3A_40] : memref<32x40x2x256xi32, #tpu.memory_space<hbm>> -> memref<1x1x1x256xi32, #tpu.memory_space<hbm>>
        %dma_wait3A_42 = tpu.memref_squeeze %dma_wait3A_41 : memref<1x1x1x256xi32, #tpu.memory_space<hbm>> -> memref<256xi32, #tpu.memory_space<hbm>>
        tpu.wait_dma2 semaphore(%run_scoped3A_32 : memref<!tpu.dma_semaphore, #tpu.memory_space<semaphore_mem>>) src(%dma_wait3A_42 : memref<256xi32, #tpu.memory_space<hbm>>) dst(%arg9 : memref<256xi32, #tpu.memory_space<vmem>>)
        tpu.yield
      }) : () -> ()
      "tpu.region"() ({
        %run_scoped3A_32 = tpu.sem_alloc : memref<!tpu.dma_semaphore, #tpu.memory_space<semaphore_mem>>
        %dma_start3A = arith.constant 0 : i32
        %dma_start3A_33 = arith.constant 0 : i32
        %dma_start3A_34 = tpu.memref_slice %arg2[%dma_start3A, %dma_start3A_33] : memref<10240x128xf32, #tpu.memory_space<hbm>> -> memref<10240x128xf32, #tpu.memory_space<hbm>>
        tpu.enqueue_indirect_dma source(%dma_start3A_34 : memref<10240x128xf32, #tpu.memory_space<hbm>>) target(%arg7 : memref<256x128xf32, #tpu.memory_space<vmem>>) offsets(%arg8 : memref<256xi32, #tpu.memory_space<vmem>>) semaphore(%run_scoped3A_32 : memref<!tpu.dma_semaphore, #tpu.memory_space<semaphore_mem>>)
        %dma_wait3A = arith.constant 0 : i32
        %dma_wait3A_35 = arith.constant 0 : i32
        %dma_wait3A_36 = tpu.memref_slice %arg2[%dma_wait3A, %dma_wait3A_35] : memref<10240x128xf32, #tpu.memory_space<hbm>> -> memref<10240x128xf32, #tpu.memory_space<hbm>>
        tpu.wait_indirect_dma semaphore(%run_scoped3A_32 : memref<!tpu.dma_semaphore, #tpu.memory_space<semaphore_mem>>) src(%dma_wait3A_36 : memref<10240x128xf32, #tpu.memory_space<hbm>>) dst(%arg7 : memref<256x128xf32, #tpu.memory_space<vmem>>)
        tpu.yield
      }) : () -> ()
      "tpu.region"() ({
        %run_scoped3A_32 = tpu.sem_alloc : memref<!tpu.dma_semaphore, #tpu.memory_space<semaphore_mem>>
        %dma_start3A = arith.constant 0 : i32
        %dma_start3A_33 = arith.constant 0 : i32
        %dma_start3A_34 = tpu.memref_slice %arg6[%dma_start3A, %dma_start3A_33] : memref<10240x128xf32, #tpu.memory_space<vmem_shared>> -> memref<10240x128xf32, #tpu.memory_space<vmem_shared>>
        tpu.enqueue_indirect_dma source(%arg7 : memref<256x128xf32, #tpu.memory_space<vmem>>) target(%dma_start3A_34 : memref<10240x128xf32, #tpu.memory_space<vmem_shared>>) offsets(%arg9 : memref<256xi32, #tpu.memory_space<vmem>>) semaphore(%run_scoped3A_32 : memref<!tpu.dma_semaphore, #tpu.memory_space<semaphore_mem>>) {add = true}
        %dma_wait3A = arith.constant 0 : i32
        %dma_wait3A_35 = arith.constant 0 : i32
        %dma_wait3A_36 = tpu.memref_slice %arg6[%dma_wait3A, %dma_wait3A_35] : memref<10240x128xf32, #tpu.memory_space<vmem_shared>> -> memref<10240x128xf32, #tpu.memory_space<vmem_shared>>
        tpu.wait_indirect_dma semaphore(%run_scoped3A_32 : memref<!tpu.dma_semaphore, #tpu.memory_space<semaphore_mem>>) src(%arg7 : memref<256x128xf32, #tpu.memory_space<vmem>>) dst(%dma_wait3A_36 : memref<10240x128xf32, #tpu.memory_space<vmem_shared>>)
        tpu.yield
      }) : () -> ()
    }
    %scan3A_12 = arith.constant 40 : i32
    %barrier3A_13 = arith.constant 0 : index
    tpu.barrier barrier_id(%barrier3A_13)
    %add3A_14 = arith.constant 0 : i32
    %add3A_15 = arith.addi %mul3A_2, %add3A_14 : i32
    "tpu.region"() ({
      %run_scoped3A = tpu.sem_alloc : memref<!tpu.dma_semaphore, #tpu.memory_space<semaphore_mem>>
      %dma_start3A = arith.constant 0 : i32
      %dma_start3A_26 = arith.constant 0 : i32
      %dma_start3A_27 = tpu.memref_slice %arg7[%dma_start3A, %dma_start3A_26] : memref<256x128xf32, #tpu.memory_space<vmem>> -> memref<256x128xf32, #tpu.memory_space<vmem>>
      %dma_start3A_28 = arith.constant 0 : i32
      %dma_start3A_29 = tpu.memref_slice %arg6[%add3A_15, %dma_start3A_28] : memref<10240x128xf32, #tpu.memory_space<vmem_shared>> -> memref<256x128xf32, #tpu.memory_space<vmem_shared>>
      %dma_start3A_30 = arith.constant 0 : i32
      %dma_start3A_31 = arith.constant 0 : i32
      %dma_start3A_32 = tpu.memref_slice %arg7[%dma_start3A_30, %dma_start3A_31] : memref<256x128xf32, #tpu.memory_space<vmem>> -> memref<256x128xf32, #tpu.memory_space<vmem>>
      %dma_start3A_33 = arith.constant 0 : i32
      %dma_start3A_34 = tpu.memref_slice %arg6[%add3A_15, %dma_start3A_33] : memref<10240x128xf32, #tpu.memory_space<vmem_shared>> -> memref<256x128xf32, #tpu.memory_space<vmem_shared>>
      tpu.enqueue_dma source(%dma_start3A_34 : memref<256x128xf32, #tpu.memory_space<vmem_shared>>) target(%dma_start3A_32 : memref<256x128xf32, #tpu.memory_space<vmem>>) target_semaphore(%run_scoped3A : memref<!tpu.dma_semaphore, #tpu.memory_space<semaphore_mem>>)
      %dma_wait3A = arith.constant 0 : i32
      %dma_wait3A_35 = arith.constant 0 : i32
      %dma_wait3A_36 = tpu.memref_slice %arg7[%dma_wait3A, %dma_wait3A_35] : memref<256x128xf32, #tpu.memory_space<vmem>> -> memref<256x128xf32, #tpu.memory_space<vmem>>
      %dma_wait3A_37 = arith.constant 0 : i32
      %dma_wait3A_38 = tpu.memref_slice %arg6[%add3A_15, %dma_wait3A_37] : memref<10240x128xf32, #tpu.memory_space<vmem_shared>> -> memref<256x128xf32, #tpu.memory_space<vmem_shared>>
      %dma_wait3A_39 = arith.constant 0 : i32
      %dma_wait3A_40 = arith.constant 0 : i32
      %dma_wait3A_41 = tpu.memref_slice %arg7[%dma_wait3A_39, %dma_wait3A_40] : memref<256x128xf32, #tpu.memory_space<vmem>> -> memref<256x128xf32, #tpu.memory_space<vmem>>
      %dma_wait3A_42 = arith.constant 0 : i32
      %dma_wait3A_43 = tpu.memref_slice %arg6[%add3A_15, %dma_wait3A_42] : memref<10240x128xf32, #tpu.memory_space<vmem_shared>> -> memref<256x128xf32, #tpu.memory_space<vmem_shared>>
      tpu.wait_dma2 semaphore(%run_scoped3A : memref<!tpu.dma_semaphore, #tpu.memory_space<semaphore_mem>>) src(%dma_wait3A_43 : memref<256x128xf32, #tpu.memory_space<vmem_shared>>) dst(%dma_wait3A_41 : memref<256x128xf32, #tpu.memory_space<vmem>>)
      tpu.yield
    }) : () -> ()
    %add3A_16 = arith.constant 0 : i32
    %add3A_17 = arith.addi %mul3A_2, %add3A_16 : i32
    "tpu.region"() ({
      %run_scoped3A = tpu.sem_alloc : memref<!tpu.dma_semaphore, #tpu.memory_space<semaphore_mem>>
      %dma_start3A = arith.constant 0 : i32
      %dma_start3A_26 = arith.constant 0 : i32
      %dma_start3A_27 = tpu.memref_slice %arg7[%dma_start3A, %dma_start3A_26] : memref<256x128xf32, #tpu.memory_space<vmem>> -> memref<256x128xf32, #tpu.memory_space<vmem>>
      %dma_start3A_28 = arith.constant 0 : i32
      %dma_start3A_29 = tpu.memref_slice %arg5[%arg0, %add3A_17, %dma_start3A_28] : memref<2x10240x128xf32, #tpu.memory_space<hbm>> -> memref<1x256x128xf32, #tpu.memory_space<hbm>>
      %dma_start3A_30 = tpu.memref_squeeze %dma_start3A_29 : memref<1x256x128xf32, #tpu.memory_space<hbm>> -> memref<256x128xf32, #tpu.memory_space<hbm>>
      %dma_start3A_31 = arith.constant 0 : i32
      %dma_start3A_32 = tpu.memref_slice %arg5[%arg0, %add3A_17, %dma_start3A_31] : memref<2x10240x128xf32, #tpu.memory_space<hbm>> -> memref<1x256x128xf32, #tpu.memory_space<hbm>>
      %dma_start3A_33 = tpu.memref_squeeze %dma_start3A_32 : memref<1x256x128xf32, #tpu.memory_space<hbm>> -> memref<256x128xf32, #tpu.memory_space<hbm>>
      %dma_start3A_34 = arith.constant 0 : i32
      %dma_start3A_35 = arith.constant 0 : i32
      %dma_start3A_36 = tpu.memref_slice %arg7[%dma_start3A_34, %dma_start3A_35] : memref<256x128xf32, #tpu.memory_space<vmem>> -> memref<256x128xf32, #tpu.memory_space<vmem>>
      tpu.enqueue_dma source(%dma_start3A_36 : memref<256x128xf32, #tpu.memory_space<vmem>>) target(%dma_start3A_33 : memref<256x128xf32, #tpu.memory_space<hbm>>) target_semaphore(%run_scoped3A : memref<!tpu.dma_semaphore, #tpu.memory_space<semaphore_mem>>)
      %dma_wait3A = arith.constant 0 : i32
      %dma_wait3A_37 = arith.constant 0 : i32
      %dma_wait3A_38 = tpu.memref_slice %arg7[%dma_wait3A, %dma_wait3A_37] : memref<256x128xf32, #tpu.memory_space<vmem>> -> memref<256x128xf32, #tpu.memory_space<vmem>>
      %dma_wait3A_39 = arith.constant 0 : i32
      %dma_wait3A_40 = tpu.memref_slice %arg5[%arg0, %add3A_17, %dma_wait3A_39] : memref<2x10240x128xf32, #tpu.memory_space<hbm>> -> memref<1x256x128xf32, #tpu.memory_space<hbm>>
      %dma_wait3A_41 = tpu.memref_squeeze %dma_wait3A_40 : memref<1x256x128xf32, #tpu.memory_space<hbm>> -> memref<256x128xf32, #tpu.memory_space<hbm>>
      %dma_wait3A_42 = arith.constant 0 : i32
      %dma_wait3A_43 = tpu.memref_slice %arg5[%arg0, %add3A_17, %dma_wait3A_42] : memref<2x10240x128xf32, #tpu.memory_space<hbm>> -> memref<1x256x128xf32, #tpu.memory_space<hbm>>
      %dma_wait3A_44 = tpu.memref_squeeze %dma_wait3A_43 : memref<1x256x128xf32, #tpu.memory_space<hbm>> -> memref<256x128xf32, #tpu.memory_space<hbm>>
      %dma_wait3A_45 = arith.constant 0 : i32
      %dma_wait3A_46 = arith.constant 0 : i32
      %dma_wait3A_47 = tpu.memref_slice %arg7[%dma_wait3A_45, %dma_wait3A_46] : memref<256x128xf32, #tpu.memory_space<vmem>> -> memref<256x128xf32, #tpu.memory_space<vmem>>
      tpu.wait_dma2 semaphore(%run_scoped3A : memref<!tpu.dma_semaphore, #tpu.memory_space<semaphore_mem>>) src(%dma_wait3A_47 : memref<256x128xf32, #tpu.memory_space<vmem>>) dst(%dma_wait3A_44 : memref<256x128xf32, #tpu.memory_space<hbm>>)
      tpu.yield
    }) : () -> ()
    %add3A_18 = arith.constant 256 : i32
    %add3A_19 = arith.addi %mul3A_2, %add3A_18 : i32
    "tpu.region"() ({
      %run_scoped3A = tpu.sem_alloc : memref<!tpu.dma_semaphore, #tpu.memory_space<semaphore_mem>>
      %dma_start3A = arith.constant 0 : i32
      %dma_start3A_26 = arith.constant 0 : i32
      %dma_start3A_27 = tpu.memref_slice %arg7[%dma_start3A, %dma_start3A_26] : memref<256x128xf32, #tpu.memory_space<vmem>> -> memref<256x128xf32, #tpu.memory_space<vmem>>
      %dma_start3A_28 = arith.constant 0 : i32
      %dma_start3A_29 = tpu.memref_slice %arg6[%add3A_19, %dma_start3A_28] : memref<10240x128xf32, #tpu.memory_space<vmem_shared>> -> memref<256x128xf32, #tpu.memory_space<vmem_shared>>
      %dma_start3A_30 = arith.constant 0 : i32
      %dma_start3A_31 = arith.constant 0 : i32
      %dma_start3A_32 = tpu.memref_slice %arg7[%dma_start3A_30, %dma_start3A_31] : memref<256x128xf32, #tpu.memory_space<vmem>> -> memref<256x128xf32, #tpu.memory_space<vmem>>
      %dma_start3A_33 = arith.constant 0 : i32
      %dma_start3A_34 = tpu.memref_slice %arg6[%add3A_19, %dma_start3A_33] : memref<10240x128xf32, #tpu.memory_space<vmem_shared>> -> memref<256x128xf32, #tpu.memory_space<vmem_shared>>
      tpu.enqueue_dma source(%dma_start3A_34 : memref<256x128xf32, #tpu.memory_space<vmem_shared>>) target(%dma_start3A_32 : memref<256x128xf32, #tpu.memory_space<vmem>>) target_semaphore(%run_scoped3A : memref<!tpu.dma_semaphore, #tpu.memory_space<semaphore_mem>>)
      %dma_wait3A = arith.constant 0 : i32
      %dma_wait3A_35 = arith.constant 0 : i32
      %dma_wait3A_36 = tpu.memref_slice %arg7[%dma_wait3A, %dma_wait3A_35] : memref<256x128xf32, #tpu.memory_space<vmem>> -> memref<256x128xf32, #tpu.memory_space<vmem>>
      %dma_wait3A_37 = arith.constant 0 : i32
      %dma_wait3A_38 = tpu.memref_slice %arg6[%add3A_19, %dma_wait3A_37] : memref<10240x128xf32, #tpu.memory_space<vmem_shared>> -> memref<256x128xf32, #tpu.memory_space<vmem_shared>>
      %dma_wait3A_39 = arith.constant 0 : i32
      %dma_wait3A_40 = arith.constant 0 : i32
      %dma_wait3A_41 = tpu.memref_slice %arg7[%dma_wait3A_39, %dma_wait3A_40] : memref<256x128xf32, #tpu.memory_space<vmem>> -> memref<256x128xf32, #tpu.memory_space<vmem>>
      %dma_wait3A_42 = arith.constant 0 : i32
      %dma_wait3A_43 = tpu.memref_slice %arg6[%add3A_19, %dma_wait3A_42] : memref<10240x128xf32, #tpu.memory_space<vmem_shared>> -> memref<256x128xf32, #tpu.memory_space<vmem_shared>>
      tpu.wait_dma2 semaphore(%run_scoped3A : memref<!tpu.dma_semaphore, #tpu.memory_space<semaphore_mem>>) src(%dma_wait3A_43 : memref<256x128xf32, #tpu.memory_space<vmem_shared>>) dst(%dma_wait3A_41 : memref<256x128xf32, #tpu.memory_space<vmem>>)
      tpu.yield
    }) : () -> ()
    %add3A_20 = arith.constant 256 : i32
    %add3A_21 = arith.addi %mul3A_2, %add3A_20 : i32
    "tpu.region"() ({
      %run_scoped3A = tpu.sem_alloc : memref<!tpu.dma_semaphore, #tpu.memory_space<semaphore_mem>>
      %dma_start3A = arith.constant 0 : i32
      %dma_start3A_26 = arith.constant 0 : i32
      %dma_start3A_27 = tpu.memref_slice %arg7[%dma_start3A, %dma_start3A_26] : memref<256x128xf32, #tpu.memory_space<vmem>> -> memref<256x128xf32, #tpu.memory_space<vmem>>
      %dma_start3A_28 = arith.constant 0 : i32
      %dma_start3A_29 = tpu.memref_slice %arg5[%arg0, %add3A_21, %dma_start3A_28] : memref<2x10240x128xf32, #tpu.memory_space<hbm>> -> memref<1x256x128xf32, #tpu.memory_space<hbm>>
      %dma_start3A_30 = tpu.memref_squeeze %dma_start3A_29 : memref<1x256x128xf32, #tpu.memory_space<hbm>> -> memref<256x128xf32, #tpu.memory_space<hbm>>
      %dma_start3A_31 = arith.constant 0 : i32
      %dma_start3A_32 = tpu.memref_slice %arg5[%arg0, %add3A_21, %dma_start3A_31] : memref<2x10240x128xf32, #tpu.memory_space<hbm>> -> memref<1x256x128xf32, #tpu.memory_space<hbm>>
      %dma_start3A_33 = tpu.memref_squeeze %dma_start3A_32 : memref<1x256x128xf32, #tpu.memory_space<hbm>> -> memref<256x128xf32, #tpu.memory_space<hbm>>
      %dma_start3A_34 = arith.constant 0 : i32
      %dma_start3A_35 = arith.constant 0 : i32
      %dma_start3A_36 = tpu.memref_slice %arg7[%dma_start3A_34, %dma_start3A_35] : memref<256x128xf32, #tpu.memory_space<vmem>> -> memref<256x128xf32, #tpu.memory_space<vmem>>
      tpu.enqueue_dma source(%dma_start3A_36 : memref<256x128xf32, #tpu.memory_space<vmem>>) target(%dma_start3A_33 : memref<256x128xf32, #tpu.memory_space<hbm>>) target_semaphore(%run_scoped3A : memref<!tpu.dma_semaphore, #tpu.memory_space<semaphore_mem>>)
      %dma_wait3A = arith.constant 0 : i32
      %dma_wait3A_37 = arith.constant 0 : i32
      %dma_wait3A_38 = tpu.memref_slice %arg7[%dma_wait3A, %dma_wait3A_37] : memref<256x128xf32, #tpu.memory_space<vmem>> -> memref<256x128xf32, #tpu.memory_space<vmem>>
      %dma_wait3A_39 = arith.constant 0 : i32
      %dma_wait3A_40 = tpu.memref_slice %arg5[%arg0, %add3A_21, %dma_wait3A_39] : memref<2x10240x128xf32, #tpu.memory_space<hbm>> -> memref<1x256x128xf32, #tpu.memory_space<hbm>>
      %dma_wait3A_41 = tpu.memref_squeeze %dma_wait3A_40 : memref<1x256x128xf32, #tpu.memory_space<hbm>> -> memref<256x128xf32, #tpu.memory_space<hbm>>
      %dma_wait3A_42 = arith.constant 0 : i32
      %dma_wait3A_43 = tpu.memref_slice %arg5[%arg0, %add3A_21, %dma_wait3A_42] : memref<2x10240x128xf32, #tpu.memory_space<hbm>> -> memref<1x256x128xf32, #tpu.memory_space<hbm>>
      %dma_wait3A_44 = tpu.memref_squeeze %dma_wait3A_43 : memref<1x256x128xf32, #tpu.memory_space<hbm>> -> memref<256x128xf32, #tpu.memory_space<hbm>>
      %dma_wait3A_45 = arith.constant 0 : i32
      %dma_wait3A_46 = arith.constant 0 : i32
      %dma_wait3A_47 = tpu.memref_slice %arg7[%dma_wait3A_45, %dma_wait3A_46] : memref<256x128xf32, #tpu.memory_space<vmem>> -> memref<256x128xf32, #tpu.memory_space<vmem>>
      tpu.wait_dma2 semaphore(%run_scoped3A : memref<!tpu.dma_semaphore, #tpu.memory_space<semaphore_mem>>) src(%dma_wait3A_47 : memref<256x128xf32, #tpu.memory_space<vmem>>) dst(%dma_wait3A_44 : memref<256x128xf32, #tpu.memory_space<hbm>>)
      tpu.yield
    }) : () -> ()
    %add3A_22 = arith.constant 512 : i32
    %add3A_23 = arith.addi %mul3A_2, %add3A_22 : i32
    "tpu.region"() ({
      %run_scoped3A = tpu.sem_alloc : memref<!tpu.dma_semaphore, #tpu.memory_space<semaphore_mem>>
      %dma_start3A = arith.constant 0 : i32
      %dma_start3A_26 = arith.constant 0 : i32
      %dma_start3A_27 = tpu.memref_slice %arg7[%dma_start3A, %dma_start3A_26] : memref<256x128xf32, #tpu.memory_space<vmem>> -> memref<128x128xf32, #tpu.memory_space<vmem>>
      %dma_start3A_28 = arith.constant 0 : i32
      %dma_start3A_29 = tpu.memref_slice %arg6[%add3A_23, %dma_start3A_28] : memref<10240x128xf32, #tpu.memory_space<vmem_shared>> -> memref<128x128xf32, #tpu.memory_space<vmem_shared>>
      %dma_start3A_30 = arith.constant 0 : i32
      %dma_start3A_31 = arith.constant 0 : i32
      %dma_start3A_32 = tpu.memref_slice %arg7[%dma_start3A_30, %dma_start3A_31] : memref<256x128xf32, #tpu.memory_space<vmem>> -> memref<128x128xf32, #tpu.memory_space<vmem>>
      %dma_start3A_33 = arith.constant 0 : i32
      %dma_start3A_34 = tpu.memref_slice %arg6[%add3A_23, %dma_start3A_33] : memref<10240x128xf32, #tpu.memory_space<vmem_shared>> -> memref<128x128xf32, #tpu.memory_space<vmem_shared>>
      tpu.enqueue_dma source(%dma_start3A_34 : memref<128x128xf32, #tpu.memory_space<vmem_shared>>) target(%dma_start3A_32 : memref<128x128xf32, #tpu.memory_space<vmem>>) target_semaphore(%run_scoped3A : memref<!tpu.dma_semaphore, #tpu.memory_space<semaphore_mem>>)
      %dma_wait3A = arith.constant 0 : i32
      %dma_wait3A_35 = arith.constant 0 : i32
      %dma_wait3A_36 = tpu.memref_slice %arg7[%dma_wait3A, %dma_wait3A_35] : memref<256x128xf32, #tpu.memory_space<vmem>> -> memref<128x128xf32, #tpu.memory_space<vmem>>
      %dma_wait3A_37 = arith.constant 0 : i32
      %dma_wait3A_38 = tpu.memref_slice %arg6[%add3A_23, %dma_wait3A_37] : memref<10240x128xf32, #tpu.memory_space<vmem_shared>> -> memref<128x128xf32, #tpu.memory_space<vmem_shared>>
      %dma_wait3A_39 = arith.constant 0 : i32
      %dma_wait3A_40 = arith.constant 0 : i32
      %dma_wait3A_41 = tpu.memref_slice %arg7[%dma_wait3A_39, %dma_wait3A_40] : memref<256x128xf32, #tpu.memory_space<vmem>> -> memref<128x128xf32, #tpu.memory_space<vmem>>
      %dma_wait3A_42 = arith.constant 0 : i32
      %dma_wait3A_43 = tpu.memref_slice %arg6[%add3A_23, %dma_wait3A_42] : memref<10240x128xf32, #tpu.memory_space<vmem_shared>> -> memref<128x128xf32, #tpu.memory_space<vmem_shared>>
      tpu.wait_dma2 semaphore(%run_scoped3A : memref<!tpu.dma_semaphore, #tpu.memory_space<semaphore_mem>>) src(%dma_wait3A_43 : memref<128x128xf32, #tpu.memory_space<vmem_shared>>) dst(%dma_wait3A_41 : memref<128x128xf32, #tpu.memory_space<vmem>>)
      tpu.yield
    }) : () -> ()
    %add3A_24 = arith.constant 512 : i32
    %add3A_25 = arith.addi %mul3A_2, %add3A_24 : i32
    "tpu.region"() ({
      %run_scoped3A = tpu.sem_alloc : memref<!tpu.dma_semaphore, #tpu.memory_space<semaphore_mem>>
      %dma_start3A = arith.constant 0 : i32
      %dma_start3A_26 = arith.constant 0 : i32
      %dma_start3A_27 = tpu.memref_slice %arg7[%dma_start3A, %dma_start3A_26] : memref<256x128xf32, #tpu.memory_space<vmem>> -> memref<128x128xf32, #tpu.memory_space<vmem>>
      %dma_start3A_28 = arith.constant 0 : i32
      %dma_start3A_29 = tpu.memref_slice %arg5[%arg0, %add3A_25, %dma_start3A_28] : memref<2x10240x128xf32, #tpu.memory_space<hbm>> -> memref<1x128x128xf32, #tpu.memory_space<hbm>>
      %dma_start3A_30 = tpu.memref_squeeze %dma_start3A_29 : memref<1x128x128xf32, #tpu.memory_space<hbm>> -> memref<128x128xf32, #tpu.memory_space<hbm>>
      %dma_start3A_31 = arith.constant 0 : i32
      %dma_start3A_32 = tpu.memref_slice %arg5[%arg0, %add3A_25, %dma_start3A_31] : memref<2x10240x128xf32, #tpu.memory_space<hbm>> -> memref<1x128x128xf32, #tpu.memory_space<hbm>>
      %dma_start3A_33 = tpu.memref_squeeze %dma_start3A_32 : memref<1x128x128xf32, #tpu.memory_space<hbm>> -> memref<128x128xf32, #tpu.memory_space<hbm>>
      %dma_start3A_34 = arith.constant 0 : i32
      %dma_start3A_35 = arith.constant 0 : i32
      %dma_start3A_36 = tpu.memref_slice %arg7[%dma_start3A_34, %dma_start3A_35] : memref<256x128xf32, #tpu.memory_space<vmem>> -> memref<128x128xf32, #tpu.memory_space<vmem>>
      tpu.enqueue_dma source(%dma_start3A_36 : memref<128x128xf32, #tpu.memory_space<vmem>>) target(%dma_start3A_33 : memref<128x128xf32, #tpu.memory_space<hbm>>) target_semaphore(%run_scoped3A : memref<!tpu.dma_semaphore, #tpu.memory_space<semaphore_mem>>)
      %dma_wait3A = arith.constant 0 : i32
      %dma_wait3A_37 = arith.constant 0 : i32
      %dma_wait3A_38 = tpu.memref_slice %arg7[%dma_wait3A, %dma_wait3A_37] : memref<256x128xf32, #tpu.memory_space<vmem>> -> memref<128x128xf32, #tpu.memory_space<vmem>>
      %dma_wait3A_39 = arith.constant 0 : i32
      %dma_wait3A_40 = tpu.memref_slice %arg5[%arg0, %add3A_25, %dma_wait3A_39] : memref<2x10240x128xf32, #tpu.memory_space<hbm>> -> memref<1x128x128xf32, #tpu.memory_space<hbm>>
      %dma_wait3A_41 = tpu.memref_squeeze %dma_wait3A_40 : memref<1x128x128xf32, #tpu.memory_space<hbm>> -> memref<128x128xf32, #tpu.memory_space<hbm>>
      %dma_wait3A_42 = arith.constant 0 : i32
      %dma_wait3A_43 = tpu.memref_slice %arg5[%arg0, %add3A_25, %dma_wait3A_42] : memref<2x10240x128xf32, #tpu.memory_space<hbm>> -> memref<1x128x128xf32, #tpu.memory_space<hbm>>
      %dma_wait3A_44 = tpu.memref_squeeze %dma_wait3A_43 : memref<1x128x128xf32, #tpu.memory_space<hbm>> -> memref<128x128xf32, #tpu.memory_space<hbm>>
      %dma_wait3A_45 = arith.constant 0 : i32
      %dma_wait3A_46 = arith.constant 0 : i32
      %dma_wait3A_47 = tpu.memref_slice %arg7[%dma_wait3A_45, %dma_wait3A_46] : memref<256x128xf32, #tpu.memory_space<vmem>> -> memref<128x128xf32, #tpu.memory_space<vmem>>
      tpu.wait_dma2 semaphore(%run_scoped3A : memref<!tpu.dma_semaphore, #tpu.memory_space<semaphore_mem>>) src(%dma_wait3A_47 : memref<128x128xf32, #tpu.memory_space<vmem>>) dst(%dma_wait3A_44 : memref<128x128xf32, #tpu.memory_space<hbm>>)
      tpu.yield
    }) : () -> ()
    return
  }
}

module attributes {stable_mosaic.version = 14 : i64} {
  func.func @_tc_prep(%arg0: i32, %arg1: memref<32x256xf32, #tpu.memory_space<vmem>>, %arg2: memref<256x128xf32, #tpu.memory_space<vmem>>, %arg3: memref<128x128xf32, #tpu.memory_space<vmem>>, %arg4: memref<256x128xf32, #tpu.memory_space<vmem>>, %arg5: memref<256x1xf32, #tpu.memory_space<vmem>>) attributes {dimension_semantics = [#tpu.dimension_semantics<arbitrary>], iteration_bounds = array<i64: 40>, scalar_prefetch = 0 : i64, scratch_operands = 0 : i64, tpu.core_type = #tpu.core_type<tc>, window_params = [{transform_indices = @transform_0, window_bounds = array<i64: 32, 256>}, {transform_indices = @transform_1, window_bounds = array<i64: 256, 128>}, {pipeline_mode = #tpu.pipeline_mode<synchronous>, transform_indices = @transform_2, window_bounds = array<i64: 128, 128>}, {transform_indices = @transform_3, window_bounds = array<i64: 256, 128>}, {transform_indices = @transform_4, window_bounds = array<i64: 256, 1>}]} {
    %get3A = arith.constant 0 : index
    %get3A_0 = arith.constant 0 : index
    %get3A_1 = vector.load %arg1[%get3A, %get3A_0] : memref<32x256xf32, #tpu.memory_space<vmem>>, vector<32x256xf32>
    %reduce_sum3A = arith.constant dense<0.000000e+00> : vector<256xf32>
    %reduce_sum3A_2 = vector.multi_reduction <add>, %get3A_1, %reduce_sum3A [0] : vector<32x256xf32> to vector<256xf32>
    %broadcast_in_dim3A = vector.shape_cast %reduce_sum3A_2 : vector<256xf32> to vector<256x1xf32>
    %add3A = arith.constant 1.000000e+00 : f32
    %add3A_3 = vector.broadcast %add3A : f32 to vector<256x1xf32>
    %add3A_4 = arith.addf %broadcast_in_dim3A, %add3A_3 : vector<256x1xf32>
    %rsqrt3A = math.rsqrt %add3A_4 : vector<256x1xf32>
    %get3A_5 = arith.constant 0 : index
    %get3A_6 = arith.constant 0 : index
    %get3A_7 = vector.load %arg2[%get3A_5, %get3A_6] : memref<256x128xf32, #tpu.memory_space<vmem>>, vector<256x128xf32>
    %get3A_8 = arith.constant 0 : index
    %get3A_9 = arith.constant 0 : index
    %get3A_10 = vector.load %arg3[%get3A_8, %get3A_9] : memref<128x128xf32, #tpu.memory_space<vmem>>, vector<128x128xf32>
    %dot_general3A = arith.constant dense<0.000000e+00> : vector<256x128xf32>
    %dot_general3A_11 = tpu.matmul %get3A_7, %get3A_10, %dot_general3A {dimension_numbers = #tpu.dot_dimension_numbers<[1], [0], [0], [1], [0, 0, 1, 1], [], []>, transpose_lhs_hint = false} : vector<256x128xf32>, vector<128x128xf32>, vector<256x128xf32> -> vector<256x128xf32>
    %mul3A = vector.broadcast %rsqrt3A : vector<256x1xf32> to vector<256x128xf32>
    %mul3A_12 = arith.mulf %dot_general3A_11, %mul3A : vector<256x128xf32>
    %swap3A = arith.constant 0 : index
    %swap3A_13 = arith.constant 0 : index
    %swap3A_14 = vector.load %arg4[%swap3A, %swap3A_13] : memref<256x128xf32, #tpu.memory_space<vmem>>, vector<256x128xf32>
    tpu.vector_store %arg4[%swap3A, %swap3A_13], %mul3A_12 {strides = array<i32>} : memref<256x128xf32, #tpu.memory_space<vmem>>, vector<256x128xf32>,
    %swap3A_15 = arith.constant 0 : index
    %swap3A_16 = arith.constant 0 : index
    %swap3A_17 = vector.load %arg5[%swap3A_15, %swap3A_16] : memref<256x1xf32, #tpu.memory_space<vmem>>, vector<256x1xf32>
    tpu.vector_store %arg5[%swap3A_15, %swap3A_16], %rsqrt3A {strides = array<i32>} : memref<256x1xf32, #tpu.memory_space<vmem>>, vector<256x1xf32>,
    return
  }
  func.func @transform_0(%arg0: i32) -> (i32, i32) {
    %c0_i32 = arith.constant 0 : i32
    %c0_i32_0 = arith.constant 0 : i32
    return %c0_i32, %arg0 : i32, i32
  }
  func.func @transform_1(%arg0: i32) -> (i32, i32) {
    %c0_i32 = arith.constant 0 : i32
    %c0_i32_0 = arith.constant 0 : i32
    return %arg0, %c0_i32 : i32, i32
  }
  func.func @transform_2(%arg0: i32) -> (i32, i32) {
    %c0_i32 = arith.constant 0 : i32
    %c0_i32_0 = arith.constant 0 : i32
    %c0_i32_1 = arith.constant 0 : i32
    return %c0_i32, %c0_i32_0 : i32, i32
  }
  func.func @transform_3(%arg0: i32) -> (i32, i32) {
    %c0_i32 = arith.constant 0 : i32
    %c0_i32_0 = arith.constant 0 : i32
    return %arg0, %c0_i32 : i32, i32
  }
  func.func @transform_4(%arg0: i32) -> (i32, i32) {
    %c0_i32 = arith.constant 0 : i32
    %c0_i32_0 = arith.constant 0 : i32
    return %arg0, %c0_i32 : i32, i32
  }
}

module attributes {stable_mosaic.version = 14 : i64} {
  func.func @_tc_mid(%arg0: i32, %arg1: memref<256x128xf32, #tpu.memory_space<vmem>>, %arg2: memref<256x128xf32, #tpu.memory_space<vmem>>, %arg3: memref<256x128xf32, #tpu.memory_space<vmem>>, %arg4: memref<256x1xf32, #tpu.memory_space<vmem>>, %arg5: memref<1x128xf32, #tpu.memory_space<vmem>>, %arg6: memref<128x128xf32, #tpu.memory_space<vmem>>, %arg7: memref<256x128xf32, #tpu.memory_space<vmem>>) attributes {dimension_semantics = [#tpu.dimension_semantics<arbitrary>], iteration_bounds = array<i64: 40>, scalar_prefetch = 0 : i64, scratch_operands = 0 : i64, tpu.core_type = #tpu.core_type<tc>, window_params = [{transform_indices = @transform_0, window_bounds = array<i64: 256, 128>}, {transform_indices = @transform_1, window_bounds = array<i64: 256, 128>}, {transform_indices = @transform_2, window_bounds = array<i64: 256, 128>}, {transform_indices = @transform_3, window_bounds = array<i64: 256, 1>}, {pipeline_mode = #tpu.pipeline_mode<synchronous>, transform_indices = @transform_4, window_bounds = array<i64: 1, 128>}, {pipeline_mode = #tpu.pipeline_mode<synchronous>, transform_indices = @transform_5, window_bounds = array<i64: 128, 128>}, {transform_indices = @transform_6, window_bounds = array<i64: 256, 128>}]} {
    %get3A = arith.constant 0 : index
    %get3A_0 = arith.constant 0 : index
    %get3A_1 = vector.load %arg4[%get3A, %get3A_0] : memref<256x1xf32, #tpu.memory_space<vmem>>, vector<256x1xf32>
    %get3A_2 = arith.constant 0 : index
    %get3A_3 = arith.constant 0 : index
    %get3A_4 = vector.load %arg1[%get3A_2, %get3A_3] : memref<256x128xf32, #tpu.memory_space<vmem>>, vector<256x128xf32>
    %get3A_5 = arith.constant 0 : index
    %get3A_6 = arith.constant 0 : index
    %get3A_7 = vector.load %arg2[%get3A_5, %get3A_6] : memref<256x128xf32, #tpu.memory_space<vmem>>, vector<256x128xf32>
    %add3A = arith.addf %get3A_4, %get3A_7 : vector<256x128xf32>
    %get3A_8 = arith.constant 0 : index
    %get3A_9 = arith.constant 0 : index
    %get3A_10 = vector.load %arg3[%get3A_8, %get3A_9] : memref<256x128xf32, #tpu.memory_space<vmem>>, vector<256x128xf32>
    %add3A_11 = arith.addf %add3A, %get3A_10 : vector<256x128xf32>
    %mul3A = vector.broadcast %get3A_1 : vector<256x1xf32> to vector<256x128xf32>
    %mul3A_12 = arith.mulf %mul3A, %add3A_11 : vector<256x128xf32>
    %get3A_13 = arith.constant 0 : index
    %get3A_14 = arith.constant 0 : index
    %get3A_15 = vector.load %arg5[%get3A_13, %get3A_14] : memref<1x128xf32, #tpu.memory_space<vmem>>, vector<1x128xf32>
    %add3A_16 = vector.broadcast %get3A_15 : vector<1x128xf32> to vector<256x128xf32>
    %add3A_17 = arith.addf %mul3A_12, %add3A_16 : vector<256x128xf32>
    %gt3A = arith.constant 0.000000e+00 : f32
    %gt3A_18 = vector.broadcast %gt3A : f32 to vector<256x128xf32>
    %gt3A_19 = arith.cmpf ogt, %add3A_17, %gt3A_18 : vector<256x128xf32>
    %min3A = arith.constant 0.000000e+00 : f32
    %min3A_20 = vector.broadcast %min3A : f32 to vector<256x128xf32>
    %min3A_21 = arith.minimumf %add3A_17, %min3A_20 : vector<256x128xf32>
    %exp3A = math.exp %min3A_21 : vector<256x128xf32>
    %sub3A = arith.constant 1.000000e+00 : f32
    %sub3A_22 = vector.broadcast %sub3A : f32 to vector<256x128xf32>
    %sub3A_23 = arith.subf %exp3A, %sub3A_22 : vector<256x128xf32>
    %select_n3A = arith.select %gt3A_19, %add3A_17, %sub3A_23 : vector<256x128xi1>, vector<256x128xf32>
    %get3A_24 = arith.constant 0 : index
    %get3A_25 = arith.constant 0 : index
    %get3A_26 = vector.load %arg6[%get3A_24, %get3A_25] : memref<128x128xf32, #tpu.memory_space<vmem>>, vector<128x128xf32>
    %dot_general3A = arith.constant dense<0.000000e+00> : vector<256x128xf32>
    %dot_general3A_27 = tpu.matmul %select_n3A, %get3A_26, %dot_general3A {dimension_numbers = #tpu.dot_dimension_numbers<[1], [0], [0], [1], [0, 0, 1, 1], [], []>, transpose_lhs_hint = false} : vector<256x128xf32>, vector<128x128xf32>, vector<256x128xf32> -> vector<256x128xf32>
    %mul3A_28 = vector.broadcast %get3A_1 : vector<256x1xf32> to vector<256x128xf32>
    %mul3A_29 = arith.mulf %dot_general3A_27, %mul3A_28 : vector<256x128xf32>
    %swap3A = arith.constant 0 : index
    %swap3A_30 = arith.constant 0 : index
    %swap3A_31 = vector.load %arg7[%swap3A, %swap3A_30] : memref<256x128xf32, #tpu.memory_space<vmem>>, vector<256x128xf32>
    tpu.vector_store %arg7[%swap3A, %swap3A_30], %mul3A_29 {strides = array<i32>} : memref<256x128xf32, #tpu.memory_space<vmem>>, vector<256x128xf32>,
    return
  }
  func.func @transform_0(%arg0: i32) -> (i32, i32) {
    %c0_i32 = arith.constant 0 : i32
    %c0_i32_0 = arith.constant 0 : i32
    return %arg0, %c0_i32 : i32, i32
  }
  func.func @transform_1(%arg0: i32) -> (i32, i32) {
    %c0_i32 = arith.constant 0 : i32
    %c0_i32_0 = arith.constant 0 : i32
    return %arg0, %c0_i32 : i32, i32
  }
  func.func @transform_2(%arg0: i32) -> (i32, i32) {
    %c0_i32 = arith.constant 0 : i32
    %c0_i32_0 = arith.constant 0 : i32
    return %arg0, %c0_i32 : i32, i32
  }
  func.func @transform_3(%arg0: i32) -> (i32, i32) {
    %c0_i32 = arith.constant 0 : i32
    %c0_i32_0 = arith.constant 0 : i32
    return %arg0, %c0_i32 : i32, i32
  }
  func.func @transform_4(%arg0: i32) -> (i32, i32) {
    %c0_i32 = arith.constant 0 : i32
    %c0_i32_0 = arith.constant 0 : i32
    %c0_i32_1 = arith.constant 0 : i32
    return %c0_i32, %c0_i32_0 : i32, i32
  }
  func.func @transform_5(%arg0: i32) -> (i32, i32) {
    %c0_i32 = arith.constant 0 : i32
    %c0_i32_0 = arith.constant 0 : i32
    %c0_i32_1 = arith.constant 0 : i32
    return %c0_i32, %c0_i32_0 : i32, i32
  }
  func.func @transform_6(%arg0: i32) -> (i32, i32) {
    %c0_i32 = arith.constant 0 : i32
    %c0_i32_0 = arith.constant 0 : i32
    return %arg0, %c0_i32 : i32, i32
  }
}

module attributes {stable_mosaic.version = 14 : i64} {
  func.func @_tc_final(%arg0: i32, %arg1: memref<256x128xf32, #tpu.memory_space<vmem>>, %arg2: memref<256x128xf32, #tpu.memory_space<vmem>>, %arg3: memref<256x128xf32, #tpu.memory_space<vmem>>, %arg4: memref<256x1xf32, #tpu.memory_space<vmem>>, %arg5: memref<1x128xf32, #tpu.memory_space<vmem>>, %arg6: memref<128x16xf32, #tpu.memory_space<vmem>>, %arg7: memref<1x16xf32, #tpu.memory_space<vmem>>, %arg8: memref<256x16xf32, #tpu.memory_space<vmem>>) attributes {dimension_semantics = [#tpu.dimension_semantics<arbitrary>], iteration_bounds = array<i64: 40>, scalar_prefetch = 0 : i64, scratch_operands = 0 : i64, tpu.core_type = #tpu.core_type<tc>, window_params = [{transform_indices = @transform_0, window_bounds = array<i64: 256, 128>}, {transform_indices = @transform_1, window_bounds = array<i64: 256, 128>}, {transform_indices = @transform_2, window_bounds = array<i64: 256, 128>}, {transform_indices = @transform_3, window_bounds = array<i64: 256, 1>}, {pipeline_mode = #tpu.pipeline_mode<synchronous>, transform_indices = @transform_4, window_bounds = array<i64: 1, 128>}, {pipeline_mode = #tpu.pipeline_mode<synchronous>, transform_indices = @transform_5, window_bounds = array<i64: 128, 16>}, {pipeline_mode = #tpu.pipeline_mode<synchronous>, transform_indices = @transform_6, window_bounds = array<i64: 1, 16>}, {transform_indices = @transform_7, window_bounds = array<i64: 256, 16>}]} {
    %get3A = arith.constant 0 : index
    %get3A_0 = arith.constant 0 : index
    %get3A_1 = vector.load %arg4[%get3A, %get3A_0] : memref<256x1xf32, #tpu.memory_space<vmem>>, vector<256x1xf32>
    %get3A_2 = arith.constant 0 : index
    %get3A_3 = arith.constant 0 : index
    %get3A_4 = vector.load %arg1[%get3A_2, %get3A_3] : memref<256x128xf32, #tpu.memory_space<vmem>>, vector<256x128xf32>
    %get3A_5 = arith.constant 0 : index
    %get3A_6 = arith.constant 0 : index
    %get3A_7 = vector.load %arg2[%get3A_5, %get3A_6] : memref<256x128xf32, #tpu.memory_space<vmem>>, vector<256x128xf32>
    %add3A = arith.addf %get3A_4, %get3A_7 : vector<256x128xf32>
    %get3A_8 = arith.constant 0 : index
    %get3A_9 = arith.constant 0 : index
    %get3A_10 = vector.load %arg3[%get3A_8, %get3A_9] : memref<256x128xf32, #tpu.memory_space<vmem>>, vector<256x128xf32>
    %add3A_11 = arith.addf %add3A, %get3A_10 : vector<256x128xf32>
    %mul3A = vector.broadcast %get3A_1 : vector<256x1xf32> to vector<256x128xf32>
    %mul3A_12 = arith.mulf %mul3A, %add3A_11 : vector<256x128xf32>
    %get3A_13 = arith.constant 0 : index
    %get3A_14 = arith.constant 0 : index
    %get3A_15 = vector.load %arg5[%get3A_13, %get3A_14] : memref<1x128xf32, #tpu.memory_space<vmem>>, vector<1x128xf32>
    %add3A_16 = vector.broadcast %get3A_15 : vector<1x128xf32> to vector<256x128xf32>
    %add3A_17 = arith.addf %mul3A_12, %add3A_16 : vector<256x128xf32>
    %gt3A = arith.constant 0.000000e+00 : f32
    %gt3A_18 = vector.broadcast %gt3A : f32 to vector<256x128xf32>
    %gt3A_19 = arith.cmpf ogt, %add3A_17, %gt3A_18 : vector<256x128xf32>
    %min3A = arith.constant 0.000000e+00 : f32
    %min3A_20 = vector.broadcast %min3A : f32 to vector<256x128xf32>
    %min3A_21 = arith.minimumf %add3A_17, %min3A_20 : vector<256x128xf32>
    %exp3A = math.exp %min3A_21 : vector<256x128xf32>
    %sub3A = arith.constant 1.000000e+00 : f32
    %sub3A_22 = vector.broadcast %sub3A : f32 to vector<256x128xf32>
    %sub3A_23 = arith.subf %exp3A, %sub3A_22 : vector<256x128xf32>
    %select_n3A = arith.select %gt3A_19, %add3A_17, %sub3A_23 : vector<256x128xi1>, vector<256x128xf32>
    %get3A_24 = arith.constant 0 : index
    %get3A_25 = arith.constant 0 : index
    %get3A_26 = vector.load %arg6[%get3A_24, %get3A_25] : memref<128x16xf32, #tpu.memory_space<vmem>>, vector<128x16xf32>
    %dot_general3A = arith.constant dense<0.000000e+00> : vector<256x16xf32>
    %dot_general3A_27 = tpu.matmul %select_n3A, %get3A_26, %dot_general3A {dimension_numbers = #tpu.dot_dimension_numbers<[1], [0], [0], [1], [0, 0, 1, 1], [], []>, transpose_lhs_hint = false} : vector<256x128xf32>, vector<128x16xf32>, vector<256x16xf32> -> vector<256x16xf32>
    %get3A_28 = arith.constant 0 : index
    %get3A_29 = arith.constant 0 : index
    %get3A_30 = vector.load %arg7[%get3A_28, %get3A_29] : memref<1x16xf32, #tpu.memory_space<vmem>>, vector<1x16xf32>
    %add3A_31 = vector.broadcast %get3A_30 : vector<1x16xf32> to vector<256x16xf32>
    %add3A_32 = arith.addf %dot_general3A_27, %add3A_31 : vector<256x16xf32>
    %reduce_max3A = arith.constant dense<0xFF800000> : vector<256xf32>
    %reduce_max3A_33 = vector.multi_reduction <maximumf>, %add3A_32, %reduce_max3A [1] : vector<256x16xf32> to vector<256xf32>
    %broadcast_in_dim3A = vector.shape_cast %reduce_max3A_33 : vector<256xf32> to vector<256x1xf32>
    %sub3A_34 = vector.broadcast %broadcast_in_dim3A : vector<256x1xf32> to vector<256x16xf32>
    %sub3A_35 = arith.subf %add3A_32, %sub3A_34 : vector<256x16xf32>
    %exp3A_36 = math.exp %sub3A_35 : vector<256x16xf32>
    %reduce_sum3A = arith.constant dense<0.000000e+00> : vector<256xf32>
    %reduce_sum3A_37 = vector.multi_reduction <add>, %exp3A_36, %reduce_sum3A [1] : vector<256x16xf32> to vector<256xf32>
    %broadcast_in_dim3A_38 = vector.shape_cast %reduce_sum3A_37 : vector<256xf32> to vector<256x1xf32>
    %log3A = math.log %broadcast_in_dim3A_38 : vector<256x1xf32>
    %add3A_39 = arith.addf %broadcast_in_dim3A, %log3A : vector<256x1xf32>
    %sub3A_40 = vector.broadcast %add3A_39 : vector<256x1xf32> to vector<256x16xf32>
    %sub3A_41 = arith.subf %add3A_32, %sub3A_40 : vector<256x16xf32>
    %swap3A = arith.constant 0 : index
    %swap3A_42 = arith.constant 0 : index
    %swap3A_43 = vector.load %arg8[%swap3A, %swap3A_42] : memref<256x16xf32, #tpu.memory_space<vmem>>, vector<256x16xf32>
    tpu.vector_store %arg8[%swap3A, %swap3A_42], %sub3A_41 {strides = array<i32>} : memref<256x16xf32, #tpu.memory_space<vmem>>, vector<256x16xf32>,
    return
  }
  func.func @transform_0(%arg0: i32) -> (i32, i32) {
    %c0_i32 = arith.constant 0 : i32
    %c0_i32_0 = arith.constant 0 : i32
    return %arg0, %c0_i32 : i32, i32
  }
  func.func @transform_1(%arg0: i32) -> (i32, i32) {
    %c0_i32 = arith.constant 0 : i32
    %c0_i32_0 = arith.constant 0 : i32
    return %arg0, %c0_i32 : i32, i32
  }
  func.func @transform_2(%arg0: i32) -> (i32, i32) {
    %c0_i32 = arith.constant 0 : i32
    %c0_i32_0 = arith.constant 0 : i32
    return %arg0, %c0_i32 : i32, i32
  }
  func.func @transform_3(%arg0: i32) -> (i32, i32) {
    %c0_i32 = arith.constant 0 : i32
    %c0_i32_0 = arith.constant 0 : i32
    return %arg0, %c0_i32 : i32, i32
  }
  func.func @transform_4(%arg0: i32) -> (i32, i32) {
    %c0_i32 = arith.constant 0 : i32
    %c0_i32_0 = arith.constant 0 : i32
    %c0_i32_1 = arith.constant 0 : i32
    return %c0_i32, %c0_i32_0 : i32, i32
  }
  func.func @transform_5(%arg0: i32) -> (i32, i32) {
    %c0_i32 = arith.constant 0 : i32
    %c0_i32_0 = arith.constant 0 : i32
    %c0_i32_1 = arith.constant 0 : i32
    return %c0_i32, %c0_i32_0 : i32, i32
  }
  func.func @transform_6(%arg0: i32) -> (i32, i32) {
    %c0_i32 = arith.constant 0 : i32
    %c0_i32_0 = arith.constant 0 : i32
    %c0_i32_1 = arith.constant 0 : i32
    return %c0_i32, %c0_i32_0 : i32, i32
  }
  func.func @transform_7(%arg0: i32) -> (i32, i32) {
    %c0_i32 = arith.constant 0 : i32
    %c0_i32_0 = arith.constant 0 : i32
    return %arg0, %c0_i32 : i32, i32
  }
}

</mosaic_0001>

<sc_bundles>
// kernel: kernel.10.cloned.1.call-start
scs
__scs_entry_jumppad:
0x0: {  	(pc) =	sbr.rel $0x88, $3  }
0x1: {  	(tag) =	ssettag $0x0;
	lr =	simm.s32 $0x1  }
0x2: {  	[smem:$0x3F97] =	sst lr;
	_ =	strace $0xD0000000  }
0x3: {  	_ = 	snop  }
0x4: {  	_ = 	snop  }
0x5: {  	_ = 	snop  }
0x6: {  	_ = 	snop  }
0x7: {  	_ = 	snop  }
__scs_overlays_trampoline_lowered:
0x8: {  	[smem:$0x3FA6] =	sst s0  }
0x9: {  	[smem:$0x3FA7] =	sst s1  }
0xa: {  	[smem:$0x3FA8] =	sst s2  }
0xb: {  	[smem:$0x3FA9] =	sst s3  }
0xc: {  	[smem:$0x3FAA] =	sst s4  }
0xd: {  	[smem:$0x3FAB] =	sst s5  }
0xe: {  	[smem:$0x3FAC] =	sst s6  }
0xf: {  	[smem:$0x3FAD] =	sst s7  }
0x10: {  	[smem:$0x3FAE] =	sst s8  }
0x11: {  	[smem:$0x3FAF] =	sst s9;
	s0 =	simm.s32 @!p0 $0x0  }
0x12: {  	s1 =	sld [smem:$0x3F95];
	s0 =	simm.s32 @p0 $0x1  }
0x13: {  	[smem:$0x3FB0] =	sst s0;
	s0 =	simm.s32 @!p1 $0x0  }
0x14: {  	s2 =	sld [smem:$0x3F94];
	s0 =	simm.s32 @p1 $0x1  }
0x15: {  	[smem:$0x3FB1] =	sst s0;
	s0 =	simm.s32 @!p2 $0x0  }
0x16: {  	s3 =	sld [smem:$0x3FDB];
	s0 =	simm.s32 @p2 $0x1  }
0x17: {  	s4 =	simm.s32 $0x1BF5;
	[smem:$0x3FB3] =	sst s0  }
0x18: {  	s0 =	sld [smem:$0x3F96];
	_ =	swait.ge [sflag:s4], $0x0  }
0x19: {  	s7 =	sld [smem:$0x3F97]  }
0x1a: {  	s8 =	sadd.s32 $0xFFFFE003, lr  }
0x1b: {  	s9 =	sadd.s32 $0xFFFFFEF7, lr;
	s5 =	simm.s32 $0xFFFFFFFF;
	p2 =	slt.u32 s8, $0xFFFFF086  }
0x1c: {  	p1 =	slt.u32 s9, $0xF7A;
	s5 =	simm.s32 @!p2 $0x0  }
0x1d: {  	s5 =	simm.s32 @p1 $0x1;
	p0 =	seq.s32 s7, s2  }
0x1e: {  	s7 =	smul.u32 @!p0 $0xF7A, s2;
	p2 =	seq.s32 @!p0 s5, $0x0  }
0x1f: {  	s9 =	smul.u32 $0xF7A, s1;
	s8 =	simm.s32 @!p0 $0x1BF5;
	p2 =	por !p2, p0  }
0x20: {  	[sflag:s8] =	ssyncset.s32 @!p0 $0xFFFFF086;
	s6 =	sadd.s32 @!p0 s3, s7;
	s7 =	simm.s32 @!p0 $0x108  }
0x21: {  	s3 =	sadd.s32 s3, s9;
	s6 =	sadd.s32 @!p0 $0x88, s6;
	s7 =	simm.s32 @p2 $0x1082  }
0x22: {  	[simem:s7], [sflag:s8] =	dma.local @!p0 [hbm:s6], $0xF7A  }
0x23: {  	s9 =	sor.u32 $0xD0000000, s2;
	s6 =	simm.s32 $0x108;
	_ =	swait.ge @!p0 [sflag:s8], $0x0  }
0x24: {  	s3 =	sadd.s32 $0x88, s3;
	s6 =	simm.s32 @!p1 $0x1082;
	[sflag:s4] =	ssyncset.s32 $0xFFFFF086  }
0x25: {  	[simem:s6], [sflag:s4] =	dma.local [hbm:s3], $0xF7A  }
0x26: {  	[smem:$0x3F97] =	sst s1;
	(tag) =	ssettag s2;
	_ =	strace s9  }
0x27: {  	s1 =	sld [smem:$0x3FA7]  }
0x28: {  	s2 =	sld [smem:$0x3FA8]  }
0x29: {  	s4 =	sld [smem:$0x3FAA]  }
0x2a: {  	p0 =	seq.s32 s5, $0x0;
	s5 =	sld [smem:$0x3FAB]  }
0x2b: {  	s6 =	sld [smem:$0x3FAC]  }
0x2c: {  	s7 =	sld [smem:$0x3FAD]  }
0x2d: {  	s3 =	simm.s32 $0x108;
	s8 =	sld [smem:$0x3FAE]  }
0x2e: {  	s3 =	simm.s32 @!p0 $0x1082;
	s9 =	sld [smem:$0x3FAF]  }
0x2f: {  	lr =	sadd.s32 s0, s3;
	s0 =	sld [smem:$0x3FA6]  }
0x30: {  	s3 =	sld [smem:$0x3FA9]  }
0x31: {  	[smem:$0x3FB2] =	sst s10  }
0x32: {  	s10 =	sld [smem:$0x3FB0];
	_ =	sdelay $0x3  }
0x33: {  	p0 =	seq.s32 s10, $0x1;
	s10 =	sld [smem:$0x3FB2];
	_ =	sdelay $0x3  }
0x34: {  	[smem:$0x3FB2] =	sst s10  }
0x35: {  	s10 =	sld [smem:$0x3FB1];
	_ =	sdelay $0x3  }
0x36: {  	p1 =	seq.s32 s10, $0x1;
	s10 =	sld [smem:$0x3FB2];
	_ =	sdelay $0x3  }
0x37: {  	[smem:$0x3FB2] =	sst s10  }
0x38: {  	s10 =	sld [smem:$0x3FB3]  }
0x39: {  	_ = 	snop;
	(pc) =	sbr.ind lr, $3  }
0x3a: {  	_ = 	snop  }
0x3b: {  	_ = 	snop  }
0x3c: {  	p2 =	seq.s32 s10, $0x1;
	s10 =	sld [smem:$0x3FB2]  }
0x3d: {  	_ =	shalt  }
0x3e: {  	_ =	shalt  }
0x3f: {  	_ =	shalt  }
0x40: {  	_ =	shalt  }
0x41: {  	_ =	shalt  }
0x42: {  	_ =	shalt  }
0x43: {  	_ =	shalt  }
0x44: {  	_ =	shalt  }
0x45: {  	_ =	shalt  }
0x46: {  	_ =	shalt  }
0x47: {  	_ =	shalt  }
0x48: {  	_ =	shalt  }
0x49: {  	_ =	shalt  }
0x4a: {  	_ =	shalt  }
0x4b: {  	_ =	shalt  }
0x4c: {  	_ =	shalt  }
0x4d: {  	_ =	shalt  }
0x4e: {  	_ =	shalt  }
0x4f: {  	_ =	shalt  }
0x50: {  	_ =	shalt  }
0x51: {  	_ =	shalt  }
0x52: {  	_ =	shalt  }
0x53: {  	_ =	shalt  }
0x54: {  	_ =	shalt  }
0x55: {  	_ =	shalt  }
0x56: {  	_ =	shalt  }
0x57: {  	_ =	shalt  }
0x58: {  	_ =	shalt  }
0x59: {  	_ =	shalt  }
0x5a: {  	_ =	shalt  }
0x5b: {  	_ =	shalt  }
0x5c: {  	_ =	shalt  }
0x5d: {  	_ =	shalt  }
0x5e: {  	_ =	shalt  }
0x5f: {  	_ =	shalt  }
0x60: {  	_ =	shalt  }
0x61: {  	_ =	shalt  }
0x62: {  	_ =	shalt  }
0x63: {  	_ =	shalt  }
0x64: {  	_ =	shalt  }
0x65: {  	_ =	shalt  }
0x66: {  	_ =	shalt  }
0x67: {  	_ =	shalt  }
0x68: {  	_ =	shalt  }
0x69: {  	_ =	shalt  }
0x6a: {  	_ =	shalt  }
0x6b: {  	_ =	shalt  }
0x6c: {  	_ =	shalt  }
0x6d: {  	_ =	shalt  }
0x6e: {  	_ =	shalt  }
0x6f: {  	_ =	shalt  }
0x70: {  	_ =	shalt  }
0x71: {  	_ =	shalt  }
0x72: {  	_ =	shalt  }
0x73: {  	_ =	shalt  }
0x74: {  	_ =	shalt  }
0x75: {  	_ =	shalt  }
0x76: {  	_ =	shalt  }
0x77: {  	_ =	shalt  }
0x78: {  	_ =	shalt  }
0x79: {  	_ =	shalt  }
0x7a: {  	_ =	shalt  }
0x7b: {  	_ =	shalt  }
0x7c: {  	_ =	shalt  }
0x7d: {  	_ =	shalt  }
0x7e: {  	_ =	shalt  }
0x7f: {  	_ =	shalt  }
0x80: {  	_ =	shalt  }
0x81: {  	_ =	shalt  }
0x82: {  	_ =	shalt  }
0x83: {  	_ =	shalt  }
0x84: {  	_ =	shalt  }
0x85: {  	_ =	shalt  }
0x86: {  	_ =	shalt  }
0x87: {  	_ =	shalt  }
.Lfunc_end0:
.L_simem_size_0:
called_computation_lowered:
.L_overlay_start_0:
0x88: {  	s2 =	sld [smem:$0x3FD9]  }
0x89: {  	s3 =	sld [smem:$0x3FFE];
	_ =	sdelay $0x1  }
0x8a: {  	s1 =	srdreg.scid  }
0x8b: {  	s0 =	sand.u32 $0x1, s1  }
0x8c: {  	s16 =	sshll.u32 s0, $0xA;
	s2 =	sadd.s32 s3, s2  }
0x8d: {  	s2 =	sadd.s32 s2, s16  }
0x8e: {  	[smem:$0x3FBE] =	sst s2  }
0x8f: {  	_ = 	snop  }
0x90: {  	(tm) =	ssettm $0x1  }
0x91: {  	s17 =	sld [smem:$0x3FFB];
	_ =	sdelay $0x3  }
0x92: {  	_ =	strace s17  }
0x93: {  	s2 =	sld [smem:$0x3FFC];
	_ =	sdelay $0x3  }
0x94: {  	_ =	strace s2  }
0x95: {  	s2 =	sld [smem:$0x3FFD];
	_ =	sdelay $0x3  }
0x96: {  	_ =	strace s2  }
0x97: {  	_ =	strace $0x8FFFFFFF  }
0x98: {  	s18 =	sld [smem:$0x3FDB];
	_ =	sdelay $0x1  }
0x99: {  	s19 =	simm.s32 $_scs_section_size  }
0x9a: {  	s4 =	simm.s32 $_size__tile_overlayer_lowered;
	s5 =	simm.s32 $_tile_overlayer_lowered  }
0x9b: {  	s22 =	simm.s32 $0x1BFF;
	s21 =	sshll.u32 s5, $0x1;
	s2 =	sadd.s32 s19, s18  }
0x9c: {  	s6 =	simm.s32 $0x0;
	s20 =	sshll.u32 s4, $0x1;
	s4 =	sadd.s32 s21, s2  }
0x9d: {  	[timem:s6], [sflag:s22] =	dma.local [hbm:s4], s20  }
0x9e: {  	_ =	swait.ge [sflag:s22], s20  }
0x9f: {  	s3 =	ssub.s32 $0x0, s20;
	[sflag:s22] =	ssyncset.done $0x0  }
0xa0: {  	[sflag:s22] =	ssyncadd.s32 s3;
	_ =	sdelay $0x1  }
0xa1: {  	s23 =	simm.s32 $0x1B8B  }
0xa2: {  	_ =	swait.ge [sflag:s23], $0x1  }
0xa3: {  	[sflag:s23] =	ssyncset.done $0x0  }
0xa4: {  	s25 =	simm.s32 $0x1B8E;
	s24 =	sld [smem:$0x3FFE];
	[sflag:s23] =	ssyncadd.s32 $0xFFFFFFFF  }
0xa5: {  	s26 =	simm.s32 $execute0_lowered;
	[smem:$0x3FD2] =	sst s25  }
0xa6: {  	s4 =	sshll.u32 s26, $0x1;
	_ =	strace $0x80000046;
	[dreg:$0x1] =	wrdreg $0xFFFFFFFF  }
0xa7: {  	s28 =	simm.s32 $_size_execute0_lowered;
	s2 =	sadd.s32 s2, s4;
	[dreg:$0x0] =	wrdreg $0x0  }
0xa8: {  	s4 =	sshll.u32 s28, $0x1;
	[dreg:$0x2] =	wrdreg s2  }
0xa9: {  	[dreg:$0x3] =	wrdreg s4  }
0xaa: {  	[dreg:$0x4] =	wrdreg $0xC0  }
0xab: {  	_ =	task [dreg:s6], $0x5FFFF  }
0xac: {  	[dreg:$0x1] =	wrdreg $0xFFFFFFFF  }
0xad: {  	[dreg:$0x0] =	wrdreg $0x60  }
0xae: {  	[dreg:$0x2] =	wrdreg s24  }
0xaf: {  	[dreg:$0x3] =	wrdreg $0x9  }
0xb0: {  	_ =	task.clear_ibuf [dreg:s6], $0x4FFFF;
	_ =	strace $0x90000046  }
0xb1: {  	s29 =	simm.s32 $0x9;
	_ =	strace $0x80000048  }
0xb2: {  	_ =	swait.ge [sflag:s29], $0x1  }
0xb3: {  	[sflag:s29] =	ssyncadd.s32 $0xFFFFFFFF  }
0xb4: {  	_ =	strace $0x90000048  }
0xb5: {  	_ =	sfence  }
0xb6: {  	s30 =	sld [smem:$0x0];
	_ =	sdelay $0x2  }
0xb7: {  	s31 =	sshll.u32 s1, $0xD;
	s1 =	sshrl.u32 s1, $0x2  }
0xb8: {  	s3 =	sand.u32 $0x4000, s31;
	s1 =	sadd.s32 s1, s30  }
0xb9: {  	s0 =	sor.u32 s3, s0;
	s1 =	sshll.u32 s1, $0x11  }
0xba: {  	s0 =	sor.u32 s1, s0  }
0xbb: {  	s0 =	sadd.s32 $0x8F2B, s0  }
0xbc: {  	[sflag:s0] =	ssyncadd.remote.s32 $0x1  }
0xbd: {  	_ =	sfence.sel $0xFFFF  }
0xbe: {  	[dreg:$0x0] =	wrdreg $0xFFFFFFFF;
	(pc) =	sbr.abs _section_cstart, $3  }
0xbf: {  	[dreg:$0x1] =	wrdreg $0xFFFFFFFF  }
0xc0: {  	_ =	task.clear_ibuf [dreg:s6], $0x2FFFF;
	_ =	strace $0x9FFFFFFF  }
0xc1: {  	(tm) =	ssettm $0x7FFFFFFF  }
tec
execute0_lowered:
.L_overlay_start_1:
0x0: {  	(tag) =	ssettag $0x1  }
0x1: {  	s0 =	srdreg.scid  }
0x2: {  	s5 =	rddreg [dreg:$0x0];
	s3 =	sand.u32 $0x1, s0  }
0x3: {  	s2 =	simm.s32 $0x0;
	s0 =	stileid.u32;
	s1 =	sshll.u32 s3, $0x4  }
0x4: {  	s8 =	simm.s32 $0x80;
	s9 =	simm.s32 $0x400;
	s4 =	sor.u32 s0, s1  }
0x5: {  	s10 =	simm.s32 $0x0;
	[smem:$0x7FF] =	sst s2;
	s1 =	sshrl.u32 s4, $0x3  }
0x6: {  	s7 =	sshll.u32 s0, $0x7;
	s3 =	ssub.s32 $0x2, s3;
	s6 =	smul.u32 $0x14000, s1  }
0x7: {  	s7 =	sand.u32 $0x380, s7;
	s31 =	sshrl.u32 s3, $0x1;
	s4 =	smul.u32 $0xA00, s4  }
0x8: {  	s1 =	rddreg [dreg:$0x1];
	_ =	strace $0x80000047;
	s6 =	sor.u32 s7, s6  }
0x9: {  	s4 =	sadd.s32 s4, s5;
	s7 =	simm.s32 $0x1;
	s6 =	sshrl.u32 s6, $0x3  }
0xa: {  	s5 =	sadd.s32 s6, s5;
	s6 =	ssub.s32 s3, s31;
	s3 =	sadd.s32 $0x4A00, s4  }
0xb: {  	v0 =	vimm.f32 $0.0e+00;
	v1 =	vimm.f32 $1.000000000e+00;
	s4 =	sadd.s32 $0x18A00, s5;
	s5 =	smax.u32 s6, $0x1;
	s6 =	simm.s32 $0x2800  }
.LBB2_1:
0xc: {  	s11 =	simm.s32 $0x40;
	s12 =	simm.s32 $0x0  }
.LBB2_2:
0xd: {  	p0 =	sne.s32 s11, $0x9FC0;
	[tilespmem:s12+$0x0] =	vst v0;
	s12 =	smov.u32 s11;
	s11 =	sadd.s32 $0x40, s11  }
.Ltmp0:
0xe: {  	(pc) =	sbr.rel @p0 .LBB2_2-.Ltmp0, $2  }
0xf: {  	_ =	sdelay $0x2  }
0x10: {  	s12 =	sshra.s32 s12, $0x2  }
0x11: {  	[tilespmem:s12+$0x0] =	vst v0;
	s11 =	simm.s32 $0x0  }
0x12: {  	[tilespmem:s6], [sflag:$0x1] =	stream.linear.gather [hbm4b:s3+s11], $0x5000, $0x38;
	[tilespmem:$0x7800] =	vst v63  }
0x13: {  	_ =	swait.ge [sflag:s7], $0x5000  }
0x14: {  	[sflag:s7] =	ssyncset.done $0x0  }
0x15: {  	[sflag:s7] =	ssyncadd.s32 $0xFFFFB000  }
.LBB2_4:
0x16: {  	s12 =	sshra.s32 s11, $0x2  }
0x17: {  	v2 =	vld [tilespmem:s12+$0x2880];
	_ =	sdelay $0x7  }
0x18: {  	[tilespmem:v2+s2+$0x0] =	vst.idx.add.f32.msk $0xffff, v1  }
0x19: {  	v2 =	vld [tilespmem:s12+$0x2890];
	_ =	sdelay $0x7  }
0x1a: {  	[tilespmem:v2+s2+$0x0] =	vst.idx.add.f32.msk $0xffff, v1  }
0x1b: {  	v2 =	vld [tilespmem:s12+$0x28A0];
	_ =	sdelay $0x7  }
0x1c: {  	[tilespmem:v2+s2+$0x0] =	vst.idx.add.f32.msk $0xffff, v1  }
0x1d: {  	v2 =	vld [tilespmem:s12+$0x28B0];
	_ =	sdelay $0x7  }
0x1e: {  	[tilespmem:v2+s2+$0x0] =	vst.idx.add.f32.msk $0xffff, v1  }
0x1f: {  	v2 =	vld [tilespmem:s12+$0x28C0];
	_ =	sdelay $0x7  }
0x20: {  	[tilespmem:v2+s2+$0x0] =	vst.idx.add.f32.msk $0xffff, v1  }
0x21: {  	v2 =	vld [tilespmem:s12+$0x28D0];
	_ =	sdelay $0x7  }
0x22: {  	[tilespmem:v2+s2+$0x0] =	vst.idx.add.f32.msk $0xffff, v1  }
0x23: {  	v2 =	vld [tilespmem:s12+$0x28E0];
	_ =	sdelay $0x7  }
0x24: {  	[tilespmem:v2+s2+$0x0] =	vst.idx.add.f32.msk $0xffff, v1  }
0x25: {  	v2 =	vld [tilespmem:s12+$0x28F0];
	_ =	sdelay $0x7  }
0x26: {  	[tilespmem:v2+s2+$0x0] =	vst.idx.add.f32.msk $0xffff, v1  }
0x27: {  	v2 =	vld [tilespmem:s12+$0x2980];
	_ =	sdelay $0x7  }
0x28: {  	[tilespmem:v2+s2+$0x0] =	vst.idx.add.f32.msk $0xffff, v1  }
0x29: {  	v2 =	vld [tilespmem:s12+$0x2990];
	_ =	sdelay $0x7  }
0x2a: {  	[tilespmem:v2+s2+$0x0] =	vst.idx.add.f32.msk $0xffff, v1  }
0x2b: {  	v2 =	vld [tilespmem:s12+$0x29A0];
	_ =	sdelay $0x7  }
0x2c: {  	[tilespmem:v2+s2+$0x0] =	vst.idx.add.f32.msk $0xffff, v1  }
0x2d: {  	v2 =	vld [tilespmem:s12+$0x29B0];
	_ =	sdelay $0x7  }
0x2e: {  	[tilespmem:v2+s2+$0x0] =	vst.idx.add.f32.msk $0xffff, v1  }
0x2f: {  	v2 =	vld [tilespmem:s12+$0x29C0];
	_ =	sdelay $0x7  }
0x30: {  	[tilespmem:v2+s2+$0x0] =	vst.idx.add.f32.msk $0xffff, v1  }
0x31: {  	v2 =	vld [tilespmem:s12+$0x29D0];
	_ =	sdelay $0x7  }
0x32: {  	[tilespmem:v2+s2+$0x0] =	vst.idx.add.f32.msk $0xffff, v1  }
0x33: {  	v2 =	vld [tilespmem:s12+$0x29E0];
	_ =	sdelay $0x7  }
0x34: {  	[tilespmem:v2+s2+$0x0] =	vst.idx.add.f32.msk $0xffff, v1  }
0x35: {  	v2 =	vld [tilespmem:s12+$0x29F0];
	_ =	sdelay $0x2  }
0x36: {  	p0 =	sne.s32 s11, $0x13800  }
.Ltmp1:
0x37: {  	_ = 	snop;
	(pc) =	sbr.rel @p0 .LBB2_4-.Ltmp1, $2  }
0x38: {  	_ =	sdelay $0x2  }
0x39: {  	s11 =	sadd.s32 $0x800, s11;
	[tilespmem:v2+s2+$0x0] =	vst.idx.add.f32.msk $0xffff, v1  }
0x3a: {  	s10 =	sadd.s32 $0x1, s10  }
0x3b: {  	p0 =	sne.s32 s10, s5  }
.Ltmp2:
0x3c: {  	_ = 	snop;
	(pc) =	sbr.rel @p0 .LBB2_1-.Ltmp2, $4  }
0x3d: {  	[hbm4b:s4+s8] =	stream.strided.scatter [tilespmem:s2], [sflag:$0x1], $0x2800, s9, s8, $0x38;
	[tilespmem:$0x7800] =	vst v63  }
0x3e: {  	_ =	swait.ge [sflag:s7], $0x2800  }
0x3f: {  	[sflag:s7] =	ssyncset.done $0x0  }
0x40: {  	[sflag:s7] =	ssyncadd.s32 $0xFFFFD800  }
0x41: {  	_ =	sfence.sel $0x180000  }
0x42: {  	[bflag:$0x0] =	sbarrier.arrive $0xFFFF  }
0x43: {  	p0 =	sne.s32 s0, $0x0;
	_ =	strace $0x90000047  }
0x44: {  	s0 =	sadd.s32 @!p0 $0x100000, s1;
	[bflag:$0x2] =	sbarrier.arrive $0xFFFF  }
0x45: {  	[sflag:s0] =	ssyncadd.tile.s32 @!p0 $0x1;
	_ =	shalt  }
.Lfunc_end2:
_tile_overlayer_lowered:
.L_overlay_start_2:
0x46: {  	(tag) =	ssettag $0x2  }
0x47: {  	s0 =	rddreg [dreg:$0x0];
	s2 =	stileid.u32  }
0x48: {  	s1 =	rddreg [dreg:$0x1];
	p0 =	sne.s32 s2, $0x0  }
0x49: {  	s3 =	rddreg [dreg:$0x2];
	[bflag:$0x3] =	sbarrier.arrive $0xFFFF;
	s2 =	simm.s32 @!p0 $0x1C01  }
0x4a: {  	[timem:s3], [sflag:s2] =	dma.local @!p0 [hbm:s0], s1  }
0x4b: {  	s0 =	simm.s32 @!p0 $0x1  }
0x4c: {  	_ =	swait.ge @!p0 [sflag:s0], s1  }
0x4d: {  	s1 =	ssub.s32 @!p0 $0x0, s1;
	[sflag:s0] =	ssyncset.done @!p0 $0x0  }
0x4e: {  	[sflag:s0] =	ssyncadd.s32 @!p0 s1  }
0x4f: {  	[bflag:$0x3] =	sbarrier.arrive $0xFFFF  }
0x50: {  	_ =	shalt  }

// kernel: kernel.13.cloned.1.call-start
scs
__scs_entry_jumppad:
0x0: {  	(pc) =	sbr.rel $0x88, $3  }
0x1: {  	(tag) =	ssettag $0x0;
	lr =	simm.s32 $0x1  }
0x2: {  	[smem:$0x3F97] =	sst lr;
	_ =	strace $0xD0000000  }
0x3: {  	_ = 	snop  }
0x4: {  	_ = 	snop  }
0x5: {  	_ = 	snop  }
0x6: {  	_ = 	snop  }
0x7: {  	_ = 	snop  }
__scs_overlays_trampoline_lowered:
0x8: {  	[smem:$0x3FA6] =	sst s0  }
0x9: {  	[smem:$0x3FA7] =	sst s1  }
0xa: {  	[smem:$0x3FA8] =	sst s2  }
0xb: {  	[smem:$0x3FA9] =	sst s3  }
0xc: {  	[smem:$0x3FAA] =	sst s4  }
0xd: {  	[smem:$0x3FAB] =	sst s5  }
0xe: {  	[smem:$0x3FAC] =	sst s6  }
0xf: {  	[smem:$0x3FAD] =	sst s7  }
0x10: {  	[smem:$0x3FAE] =	sst s8  }
0x11: {  	[smem:$0x3FAF] =	sst s9;
	s0 =	simm.s32 @!p0 $0x0  }
0x12: {  	s1 =	sld [smem:$0x3F95];
	s0 =	simm.s32 @p0 $0x1  }
0x13: {  	[smem:$0x3FB0] =	sst s0;
	s0 =	simm.s32 @!p1 $0x0  }
0x14: {  	s2 =	sld [smem:$0x3F94];
	s0 =	simm.s32 @p1 $0x1  }
0x15: {  	[smem:$0x3FB1] =	sst s0;
	s0 =	simm.s32 @!p2 $0x0  }
0x16: {  	s3 =	sld [smem:$0x3FDB];
	s0 =	simm.s32 @p2 $0x1  }
0x17: {  	s4 =	simm.s32 $0x1BF5;
	[smem:$0x3FB3] =	sst s0  }
0x18: {  	s0 =	sld [smem:$0x3F96];
	_ =	swait.ge [sflag:s4], $0x0  }
0x19: {  	s7 =	sld [smem:$0x3F97]  }
0x1a: {  	s8 =	sadd.s32 $0xFFFFE003, lr  }
0x1b: {  	s9 =	sadd.s32 $0xFFFFFEF7, lr;
	s5 =	simm.s32 $0xFFFFFFFF;
	p2 =	slt.u32 s8, $0xFFFFF086  }
0x1c: {  	p1 =	slt.u32 s9, $0xF7A;
	s5 =	simm.s32 @!p2 $0x0  }
0x1d: {  	s5 =	simm.s32 @p1 $0x1;
	p0 =	seq.s32 s7, s2  }
0x1e: {  	s7 =	smul.u32 @!p0 $0xF7A, s2;
	p2 =	seq.s32 @!p0 s5, $0x0  }
0x1f: {  	s9 =	smul.u32 $0xF7A, s1;
	s8 =	simm.s32 @!p0 $0x1BF5;
	p2 =	por !p2, p0  }
0x20: {  	[sflag:s8] =	ssyncset.s32 @!p0 $0xFFFFF086;
	s6 =	sadd.s32 @!p0 s3, s7;
	s7 =	simm.s32 @!p0 $0x108  }
0x21: {  	s3 =	sadd.s32 s3, s9;
	s6 =	sadd.s32 @!p0 $0x88, s6;
	s7 =	simm.s32 @p2 $0x1082  }
0x22: {  	[simem:s7], [sflag:s8] =	dma.local @!p0 [hbm:s6], $0xF7A  }
0x23: {  	s9 =	sor.u32 $0xD0000000, s2;
	s6 =	simm.s32 $0x108;
	_ =	swait.ge @!p0 [sflag:s8], $0x0  }
0x24: {  	s3 =	sadd.s32 $0x88, s3;
	s6 =	simm.s32 @!p1 $0x1082;
	[sflag:s4] =	ssyncset.s32 $0xFFFFF086  }
0x25: {  	[simem:s6], [sflag:s4] =	dma.local [hbm:s3], $0xF7A  }
0x26: {  	[smem:$0x3F97] =	sst s1;
	(tag) =	ssettag s2;
	_ =	strace s9  }
0x27: {  	s1 =	sld [smem:$0x3FA7]  }
0x28: {  	s2 =	sld [smem:$0x3FA8]  }
0x29: {  	s4 =	sld [smem:$0x3FAA]  }
0x2a: {  	p0 =	seq.s32 s5, $0x0;
	s5 =	sld [smem:$0x3FAB]  }
0x2b: {  	s6 =	sld [smem:$0x3FAC]  }
0x2c: {  	s7 =	sld [smem:$0x3FAD]  }
0x2d: {  	s3 =	simm.s32 $0x108;
	s8 =	sld [smem:$0x3FAE]  }
0x2e: {  	s3 =	simm.s32 @!p0 $0x1082;
	s9 =	sld [smem:$0x3FAF]  }
0x2f: {  	lr =	sadd.s32 s0, s3;
	s0 =	sld [smem:$0x3FA6]  }
0x30: {  	s3 =	sld [smem:$0x3FA9]  }
0x31: {  	[smem:$0x3FB2] =	sst s10  }
0x32: {  	s10 =	sld [smem:$0x3FB0];
	_ =	sdelay $0x3  }
0x33: {  	p0 =	seq.s32 s10, $0x1;
	s10 =	sld [smem:$0x3FB2];
	_ =	sdelay $0x3  }
0x34: {  	[smem:$0x3FB2] =	sst s10  }
0x35: {  	s10 =	sld [smem:$0x3FB1];
	_ =	sdelay $0x3  }
0x36: {  	p1 =	seq.s32 s10, $0x1;
	s10 =	sld [smem:$0x3FB2];
	_ =	sdelay $0x3  }
0x37: {  	[smem:$0x3FB2] =	sst s10  }
0x38: {  	s10 =	sld [smem:$0x3FB3]  }
0x39: {  	_ = 	snop;
	(pc) =	sbr.ind lr, $3  }
0x3a: {  	_ = 	snop  }
0x3b: {  	_ = 	snop  }
0x3c: {  	p2 =	seq.s32 s10, $0x1;
	s10 =	sld [smem:$0x3FB2]  }
0x3d: {  	_ =	shalt  }
0x3e: {  	_ =	shalt  }
0x3f: {  	_ =	shalt  }
0x40: {  	_ =	shalt  }
0x41: {  	_ =	shalt  }
0x42: {  	_ =	shalt  }
0x43: {  	_ =	shalt  }
0x44: {  	_ =	shalt  }
0x45: {  	_ =	shalt  }
0x46: {  	_ =	shalt  }
0x47: {  	_ =	shalt  }
0x48: {  	_ =	shalt  }
0x49: {  	_ =	shalt  }
0x4a: {  	_ =	shalt  }
0x4b: {  	_ =	shalt  }
0x4c: {  	_ =	shalt  }
0x4d: {  	_ =	shalt  }
0x4e: {  	_ =	shalt  }
0x4f: {  	_ =	shalt  }
0x50: {  	_ =	shalt  }
0x51: {  	_ =	shalt  }
0x52: {  	_ =	shalt  }
0x53: {  	_ =	shalt  }
0x54: {  	_ =	shalt  }
0x55: {  	_ =	shalt  }
0x56: {  	_ =	shalt  }
0x57: {  	_ =	shalt  }
0x58: {  	_ =	shalt  }
0x59: {  	_ =	shalt  }
0x5a: {  	_ =	shalt  }
0x5b: {  	_ =	shalt  }
0x5c: {  	_ =	shalt  }
0x5d: {  	_ =	shalt  }
0x5e: {  	_ =	shalt  }
0x5f: {  	_ =	shalt  }
0x60: {  	_ =	shalt  }
0x61: {  	_ =	shalt  }
0x62: {  	_ =	shalt  }
0x63: {  	_ =	shalt  }
0x64: {  	_ =	shalt  }
0x65: {  	_ =	shalt  }
0x66: {  	_ =	shalt  }
0x67: {  	_ =	shalt  }
0x68: {  	_ =	shalt  }
0x69: {  	_ =	shalt  }
0x6a: {  	_ =	shalt  }
0x6b: {  	_ =	shalt  }
0x6c: {  	_ =	shalt  }
0x6d: {  	_ =	shalt  }
0x6e: {  	_ =	shalt  }
0x6f: {  	_ =	shalt  }
0x70: {  	_ =	shalt  }
0x71: {  	_ =	shalt  }
0x72: {  	_ =	shalt  }
0x73: {  	_ =	shalt  }
0x74: {  	_ =	shalt  }
0x75: {  	_ =	shalt  }
0x76: {  	_ =	shalt  }
0x77: {  	_ =	shalt  }
0x78: {  	_ =	shalt  }
0x79: {  	_ =	shalt  }
0x7a: {  	_ =	shalt  }
0x7b: {  	_ =	shalt  }
0x7c: {  	_ =	shalt  }
0x7d: {  	_ =	shalt  }
0x7e: {  	_ =	shalt  }
0x7f: {  	_ =	shalt  }
0x80: {  	_ =	shalt  }
0x81: {  	_ =	shalt  }
0x82: {  	_ =	shalt  }
0x83: {  	_ =	shalt  }
0x84: {  	_ =	shalt  }
0x85: {  	_ =	shalt  }
0x86: {  	_ =	shalt  }
0x87: {  	_ =	shalt  }
.Lfunc_end0:
.L_simem_size_0:
called_computation.1_lowered:
.L_overlay_start_0:
0x88: {  	s2 =	sld [smem:$0x3FD9]  }
0x89: {  	s3 =	sld [smem:$0x3FFE];
	_ =	sdelay $0x1  }
0x8a: {  	s1 =	srdreg.scid  }
0x8b: {  	s0 =	sand.u32 $0x1, s1  }
0x8c: {  	s17 =	sshll.u32 s0, $0xA;
	s2 =	sadd.s32 s3, s2  }
0x8d: {  	s2 =	sadd.s32 s2, s17  }
0x8e: {  	[smem:$0x3FBE] =	sst s2  }
0x8f: {  	_ = 	snop  }
0x90: {  	s2 =	sld [smem:$0x3FD0];
	(tm) =	ssettm $0x1  }
0x91: {  	s18 =	sld [smem:$0x3FFB];
	_ =	sdelay $0x3  }
0x92: {  	_ =	strace s18  }
0x93: {  	s3 =	sld [smem:$0x3FFC];
	_ =	sdelay $0x3  }
0x94: {  	_ =	strace s3  }
0x95: {  	s3 =	sld [smem:$0x3FFD];
	_ =	sdelay $0x3  }
0x96: {  	_ =	strace s3  }
0x97: {  	_ =	strace $0x8FFFFFFF  }
0x98: {  	s19 =	sld [smem:$0x3FDB];
	_ =	sdelay $0x1  }
0x99: {  	s4 =	simm.s32 $_scs_section_size  }
0x9a: {  	s5 =	simm.s32 $_size__tile_overlayer_lowered;
	s6 =	simm.s32 $_tile_overlayer_lowered  }
0x9b: {  	s22 =	simm.s32 $0x1BFF;
	s21 =	sshll.u32 s6, $0x1;
	s3 =	sadd.s32 s4, s19  }
0x9c: {  	s7 =	simm.s32 $0x0;
	s20 =	sshll.u32 s5, $0x1;
	s5 =	sadd.s32 s21, s3  }
0x9d: {  	[timem:s7], [sflag:s22] =	dma.local [hbm:s5], s20  }
0x9e: {  	_ =	swait.ge [sflag:s22], s20  }
0x9f: {  	s4 =	ssub.s32 $0x0, s20;
	[sflag:s22] =	ssyncset.done $0x0  }
0xa0: {  	[sflag:s22] =	ssyncadd.s32 s4;
	_ =	sdelay $0x1  }
0xa1: {  	s23 =	simm.s32 $0x1B8B  }
0xa2: {  	_ =	swait.ge [sflag:s23], $0x1  }
0xa3: {  	[sflag:s23] =	ssyncset.done $0x0  }
0xa4: {  	s25 =	simm.s32 $0x1B8E;
	s24 =	sld [smem:$0x3FFE];
	[sflag:s23] =	ssyncadd.s32 $0xFFFFFFFF  }
0xa5: {  	s26 =	simm.s32 $execute0_lowered;
	[smem:$0x3FD2] =	sst s25  }
0xa6: {  	s5 =	sshll.u32 s26, $0x1;
	_ =	strace $0x80000049;
	[dreg:$0x1] =	wrdreg $0xFFFFFFFF  }
0xa7: {  	s28 =	simm.s32 $_size_execute0_lowered;
	s3 =	sadd.s32 s3, s5;
	[dreg:$0x0] =	wrdreg $0x0  }
0xa8: {  	s5 =	sshll.u32 s28, $0x1;
	[dreg:$0x2] =	wrdreg s3  }
0xa9: {  	[dreg:$0x3] =	wrdreg s5  }
0xaa: {  	[dreg:$0x4] =	wrdreg $0xC0  }
0xab: {  	_ =	task [dreg:s7], $0x5FFFF  }
0xac: {  	[dreg:$0x1] =	wrdreg $0xFFFFFFFF  }
0xad: {  	[dreg:$0x0] =	wrdreg $0x60  }
0xae: {  	[dreg:$0x2] =	wrdreg s24  }
0xaf: {  	[dreg:$0x3] =	wrdreg s2  }
0xb0: {  	[dreg:$0x4] =	wrdreg $0x0  }
0xb1: {  	[dreg:$0x5] =	wrdreg $0x9  }
0xb2: {  	_ =	task.clear_ibuf [dreg:s7], $0x6FFFF;
	_ =	strace $0x90000049  }
0xb3: {  	s29 =	simm.s32 $0x9;
	_ =	strace $0x8000004B  }
0xb4: {  	_ =	swait.ge [sflag:s29], $0x1  }
0xb5: {  	[sflag:s29] =	ssyncadd.s32 $0xFFFFFFFF  }
0xb6: {  	_ =	strace $0x9000004B  }
0xb7: {  	_ =	sfence  }
0xb8: {  	s30 =	sld [smem:$0x0];
	_ =	sdelay $0x2  }
0xb9: {  	s31 =	sshll.u32 s1, $0xD;
	s1 =	sshrl.u32 s1, $0x2  }
0xba: {  	s3 =	sand.u32 $0x4000, s31;
	s1 =	sadd.s32 s1, s30  }
0xbb: {  	s0 =	sor.u32 s3, s0;
	s1 =	sshll.u32 s1, $0x11  }
0xbc: {  	s0 =	sor.u32 s1, s0  }
0xbd: {  	s0 =	sadd.s32 $0x8F2B, s0  }
0xbe: {  	[sflag:s0] =	ssyncadd.remote.s32 $0x1  }
0xbf: {  	_ =	sfence.sel $0xFFFF  }
0xc0: {  	[dreg:$0x0] =	wrdreg $0xFFFFFFFF;
	(pc) =	sbr.abs _section_cstart, $3  }
0xc1: {  	[dreg:$0x1] =	wrdreg $0xFFFFFFFF  }
0xc2: {  	_ =	task.clear_ibuf [dreg:s7], $0x2FFFF;
	_ =	strace $0x9FFFFFFF  }
0xc3: {  	(tm) =	ssettm $0x7FFFFFFF  }
tec
execute0_lowered:
.L_overlay_start_1:
0x0: {  	(tag) =	ssettag $0x1  }
0x1: {  	s6 =	rddreg [dreg:$0x0]  }
0x2: {  	s2 =	rddreg [dreg:$0x1];
	s0 =	srdreg.scid  }
0x3: {  	s3 =	rddreg [dreg:$0x2];
	s1 =	stileid.u32  }
0x4: {  	s4 =	simm.s32 $0x0;
	s17 =	simm.s32 $0x100;
	s18 =	simm.s32 $0x1C000  }
0x5: {  	s19 =	simm.s32 $0x1C100;
	s20 =	simm.s32 $0x0;
	s9 =	smul.u32 $0x5000, s1  }
0x6: {  	s7 =	sand.u32 $0x1, s0;
	s0 =	rddreg [dreg:$0x3];
	s10 =	smul.u32 $0x50000, s1  }
0x7: {  	[smem:$0x7FF] =	sst s4;
	s5 =	sadd.s32 $0x18A00, s6;
	s11 =	smul.u32 $0x14000, s1  }
0x8: {  	s12 =	sadd.s32 $0x68A00, s6;
	s8 =	smul.u32 $0x50000, s7;
	s25 =	ssub.s32 $0x2, s7  }
0x9: {  	_ =	strace $0x8000004A;
	s15 =	smul.u32 $0x140000, s7;
	s26 =	sshrl.u32 s25, $0x1  }
0xa: {  	s28 =	sshrl.u32 s10, $0x2;
	s29 =	sadd.s32 $0x8000, s11;
	s30 =	sadd.s32 $0x10000, s11  }
0xb: {  	s8 =	sadd.s32 s9, s8;
	s14 =	ssub.s32 s25, s26;
	s7 =	sadd.s32 s29, s3  }
0xc: {  	s11 =	sadd.s32 s11, s15;
	s9 =	sadd.s32 s15, s29;
	s10 =	sadd.s32 s15, s30  }
0xd: {  	s15 =	simm.s32 $0x1;
	s8 =	sshrl.u32 s8, $0x3;
	s11 =	sshrl.u32 s11, $0x3  }
0xe: {  	s31 =	sshrl.u32 s9, $0x3;
	s16 =	sshrl.u32 s10, $0x3;
	s13 =	sadd.s32 s8, s6  }
0xf: {  	s6 =	sadd.s32 s28, s3;
	s8 =	sadd.s32 s30, s3;
	s9 =	sadd.s32 s12, s11  }
0x10: {  	s10 =	sadd.s32 s12, s31;
	s11 =	sadd.s32 s12, s16;
	s12 =	smax.u32 s14, $0x1  }
0x11: {  	s14 =	simm.s32 $0x14000;
	s16 =	simm.s32 $0x80;
	s13 =	sadd.s32 $0x4A00, s13  }
.LBB2_1:
0x12: {  	[tilespmem:s14], [sflag:$0x1] =	stream.linear.gather [hbm4b:s2+s4], $0x8000, $0x38;
	[tilespmem:$0x1C200] =	vst v63  }
0x13: {  	_ =	swait.ge [sflag:s15], $0x8000  }
0x14: {  	[sflag:s15] =	ssyncset.done $0x0  }
0x15: {  	[sflag:s15] =	ssyncadd.s32 $0xFFFF8000  }
0x16: {  	[spmem:s6] =	stream.linear.scatter [tilespmem:s14], [sflag:$0x1], $0x8000, $0x38;
	[tilespmem:$0x1C200] =	vst v63  }
0x17: {  	_ =	swait.ge [sflag:s15], $0x8000  }
0x18: {  	[sflag:s15] =	ssyncset.done $0x0  }
0x19: {  	[sflag:s15] =	ssyncadd.s32 $0xFFFF8000  }
0x1a: {  	[spmem:s7] =	stream.linear.scatter [tilespmem:s14], [sflag:$0x1], $0x8000, $0x38;
	[tilespmem:$0x1C200] =	vst v63  }
0x1b: {  	_ =	swait.ge [sflag:s15], $0x8000  }
0x1c: {  	[sflag:s15] =	ssyncset.done $0x0  }
0x1d: {  	[sflag:s15] =	ssyncadd.s32 $0xFFFF8000  }
0x1e: {  	[spmem:s8] =	stream.linear.scatter [tilespmem:s14], [sflag:$0x1], $0x4000, $0x38;
	[tilespmem:$0x1C200] =	vst v63  }
0x1f: {  	_ =	swait.ge [sflag:s15], $0x4000  }
0x20: {  	[sflag:s15] =	ssyncset.done $0x0  }
0x21: {  	[sflag:s15] =	ssyncadd.s32 $0xFFFFC000  }
0x22: {  	s21 =	sadd.s32 $0x0, s13;
	[bflag:$0x0] =	sbarrier.arrive $0xFFFF  }
0x23: {  	[tilespmem:s18], [sflag:$0x1] =	stream.strided.gather [hbm4b:s21+s16], $0x100, s17, s16, $0x38;
	[tilespmem:$0x1C200] =	vst v63  }
0x24: {  	_ =	swait.ge [sflag:s15], $0x100  }
0x25: {  	[sflag:s15] =	ssyncset.done $0x0  }
0x26: {  	s21 =	sadd.s32 $0x10, s21;
	[sflag:s15] =	ssyncadd.s32 $0xFFFFFF00  }
0x27: {  	[tilespmem:s19], [sflag:$0x1] =	stream.strided.gather [hbm4b:s21+s16], $0x100, s17, s16, $0x38;
	[tilespmem:$0x1C200] =	vst v63  }
0x28: {  	_ =	swait.ge [sflag:s15], $0x100  }
0x29: {  	[sflag:s15] =	ssyncset.done $0x0  }
0x2a: {  	[sflag:s15] =	ssyncadd.s32 $0xFFFFFF00  }
0x2b: {  	[tilespmem:s14], [sflag:$0x1] =	stream.indirect.gather [hbm4b:s5+s17], $0x80, s18, s17, $0xb8;
	[tilespmem:$0x1C200] =	vst v63  }
0x2c: {  	_ =	swait.ge [sflag:s15], $0x8000  }
0x2d: {  	[sflag:s15] =	ssyncset.done $0x0  }
0x2e: {  	[sflag:s15] =	ssyncadd.s32 $0xFFFF8000  }
0x2f: {  	[spmem:s3] =	stream.indirect.scatter.add.f32 [tilespmem:s14], [sflag:$0x1], $0x80, s19, s17, $0xb8;
	[tilespmem:$0x1C200] =	vst v63  }
0x30: {  	_ =	swait.ge [sflag:s15], $0x8000  }
0x31: {  	s22 =	simm.s32 $0x80;
	s21 =	simm.s32 $0x40;
	[sflag:s15] =	ssyncset.done $0x0  }
.LBB2_2:
0x32: {  	s23 =	sadd.s32 s21, s13  }
0x33: {  	[sflag:s15] =	ssyncadd.s32 $0xFFFF8000;
	s21 =	smov.u32 s22;
	s24 =	sadd.s32 $0x40, s22  }
0x34: {  	[tilespmem:s18], [sflag:$0x1] =	stream.strided.gather [hbm4b:s23+s16], $0x100, s17, s16, $0x38;
	[tilespmem:$0x1C200] =	vst v63  }
0x35: {  	p0 =	sne.s32 s22, $0x9C0;
	_ =	swait.ge [sflag:s15], $0x100  }
0x36: {  	[sflag:s15] =	ssyncset.done $0x0  }
0x37: {  	s22 =	sadd.s32 $0x10, s23;
	[sflag:s15] =	ssyncadd.s32 $0xFFFFFF00  }
0x38: {  	[tilespmem:s19], [sflag:$0x1] =	stream.strided.gather [hbm4b:s22+s16], $0x100, s17, s16, $0x38;
	[tilespmem:$0x1C200] =	vst v63  }
0x39: {  	_ =	swait.ge [sflag:s15], $0x100  }
0x3a: {  	[sflag:s15] =	ssyncset.done $0x0  }
0x3b: {  	[sflag:s15] =	ssyncadd.s32 $0xFFFFFF00  }
0x3c: {  	[tilespmem:s14], [sflag:$0x1] =	stream.indirect.gather [hbm4b:s5+s17], $0x80, s18, s17, $0xb8;
	[tilespmem:$0x1C200] =	vst v63  }
0x3d: {  	_ =	swait.ge [sflag:s15], $0x8000  }
.Ltmp0:
0x3e: {  	[sflag:s15] =	ssyncset.done $0x0;
	(pc) =	sbr.rel @p0 .LBB2_2-.Ltmp0, $4  }
0x3f: {  	[sflag:s15] =	ssyncadd.s32 $0xFFFF8000  }
0x40: {  	[spmem:s3] =	stream.indirect.scatter.add.f32 [tilespmem:s14], [sflag:$0x1], $0x80, s19, s17, $0xb8;
	[tilespmem:$0x1C200] =	vst v63  }
0x41: {  	_ =	swait.ge [sflag:s15], $0x8000  }
0x42: {  	s22 =	smov.u32 s24;
	[sflag:s15] =	ssyncset.done $0x0  }
0x43: {  	s21 =	sadd.s32 s21, s13;
	[sflag:s15] =	ssyncadd.s32 $0xFFFF8000  }
0x44: {  	[tilespmem:s18], [sflag:$0x1] =	stream.strided.gather [hbm4b:s21+s16], $0x100, s17, s16, $0x38;
	[tilespmem:$0x1C200] =	vst v63  }
0x45: {  	_ =	swait.ge [sflag:s15], $0x100  }
0x46: {  	[sflag:s15] =	ssyncset.done $0x0  }
0x47: {  	s21 =	sadd.s32 $0x10, s21;
	[sflag:s15] =	ssyncadd.s32 $0xFFFFFF00  }
0x48: {  	[tilespmem:s19], [sflag:$0x1] =	stream.strided.gather [hbm4b:s21+s16], $0x100, s17, s16, $0x38;
	[tilespmem:$0x1C200] =	vst v63  }
0x49: {  	_ =	swait.ge [sflag:s15], $0x100  }
0x4a: {  	[sflag:s15] =	ssyncset.done $0x0  }
0x4b: {  	[sflag:s15] =	ssyncadd.s32 $0xFFFFFF00  }
0x4c: {  	[tilespmem:s14], [sflag:$0x1] =	stream.indirect.gather [hbm4b:s5+s17], $0x80, s18, s17, $0xb8;
	[tilespmem:$0x1C200] =	vst v63  }
0x4d: {  	_ =	swait.ge [sflag:s15], $0x8000  }
0x4e: {  	[sflag:s15] =	ssyncset.done $0x0  }
0x4f: {  	[sflag:s15] =	ssyncadd.s32 $0xFFFF8000  }
0x50: {  	[spmem:s3] =	stream.indirect.scatter.add.f32 [tilespmem:s14], [sflag:$0x1], $0x80, s19, s17, $0xb8;
	[tilespmem:$0x1C200] =	vst v63  }
0x51: {  	_ =	swait.ge [sflag:s15], $0x8000  }
0x52: {  	[sflag:s15] =	ssyncset.done $0x0  }
0x53: {  	[sflag:s15] =	ssyncadd.s32 $0xFFFF8000  }
0x54: {  	[bflag:$0x0] =	sbarrier.arrive $0xFFFF  }
0x55: {  	[tilespmem:s14], [sflag:$0x1] =	stream.linear.gather [spmem:s6], $0x8000, $0x38;
	[tilespmem:$0x1C200] =	vst v63  }
0x56: {  	_ =	swait.ge [sflag:s15], $0x8000  }
0x57: {  	[sflag:s15] =	ssyncset.done $0x0  }
0x58: {  	[sflag:s15] =	ssyncadd.s32 $0xFFFF8000  }
0x59: {  	[hbm4b:s9+s4] =	stream.linear.scatter [tilespmem:s14], [sflag:$0x1], $0x8000, $0x38;
	[tilespmem:$0x1C200] =	vst v63  }
0x5a: {  	_ =	swait.ge [sflag:s15], $0x8000  }
0x5b: {  	[sflag:s15] =	ssyncset.done $0x0  }
0x5c: {  	[sflag:s15] =	ssyncadd.s32 $0xFFFF8000  }
0x5d: {  	[tilespmem:s14], [sflag:$0x1] =	stream.linear.gather [spmem:s7], $0x8000, $0x38;
	[tilespmem:$0x1C200] =	vst v63  }
0x5e: {  	_ =	swait.ge [sflag:s15], $0x8000  }
0x5f: {  	[sflag:s15] =	ssyncset.done $0x0  }
0x60: {  	[sflag:s15] =	ssyncadd.s32 $0xFFFF8000  }
0x61: {  	[hbm4b:s10+s4] =	stream.linear.scatter [tilespmem:s14], [sflag:$0x1], $0x8000, $0x38;
	[tilespmem:$0x1C200] =	vst v63  }
0x62: {  	_ =	swait.ge [sflag:s15], $0x8000  }
0x63: {  	[sflag:s15] =	ssyncset.done $0x0  }
0x64: {  	[sflag:s15] =	ssyncadd.s32 $0xFFFF8000  }
0x65: {  	[tilespmem:s14], [sflag:$0x1] =	stream.linear.gather [spmem:s8], $0x4000, $0x38;
	[tilespmem:$0x1C200] =	vst v63  }
0x66: {  	s20 =	sadd.s32 $0x1, s20;
	_ =	swait.ge [sflag:s15], $0x4000  }
0x67: {  	p0 =	sne.s32 s20, s12;
	[sflag:s15] =	ssyncset.done $0x0  }
.Ltmp1:
0x68: {  	[sflag:s15] =	ssyncadd.s32 $0xFFFFC000;
	(pc) =	sbr.rel @p0 .LBB2_1-.Ltmp1, $4  }
0x69: {  	[hbm4b:s11+s4] =	stream.linear.scatter [tilespmem:s14], [sflag:$0x1], $0x4000, $0x38;
	[tilespmem:$0x1C200] =	vst v63  }
0x6a: {  	_ =	swait.ge [sflag:s15], $0x4000  }
0x6b: {  	[sflag:s15] =	ssyncset.done $0x0  }
0x6c: {  	[sflag:s15] =	ssyncadd.s32 $0xFFFFC000  }
0x6d: {  	_ =	sfence.sel $0x180000  }
0x6e: {  	[bflag:$0x0] =	sbarrier.arrive $0xFFFF  }
0x6f: {  	p0 =	sne.s32 s1, $0x0;
	_ =	strace $0x9000004A  }
0x70: {  	s0 =	sadd.s32 @!p0 $0x100000, s0;
	[bflag:$0x2] =	sbarrier.arrive $0xFFFF  }
0x71: {  	[sflag:s0] =	ssyncadd.tile.s32 @!p0 $0x1;
	_ =	shalt  }
.Lfunc_end2:
_tile_overlayer_lowered:
.L_overlay_start_2:
0x72: {  	(tag) =	ssettag $0x2  }
0x73: {  	s0 =	rddreg [dreg:$0x0];
	s2 =	stileid.u32  }
0x74: {  	s1 =	rddreg [dreg:$0x1];
	p0 =	sne.s32 s2, $0x0  }
0x75: {  	s3 =	rddreg [dreg:$0x2];
	[bflag:$0x3] =	sbarrier.arrive $0xFFFF;
	s2 =	simm.s32 @!p0 $0x1C01  }
0x76: {  	[timem:s3], [sflag:s2] =	dma.local @!p0 [hbm:s0], s1  }
0x77: {  	s0 =	simm.s32 @!p0 $0x1  }
0x78: {  	_ =	swait.ge @!p0 [sflag:s0], s1  }
0x79: {  	s1 =	ssub.s32 @!p0 $0x0, s1;
	[sflag:s0] =	ssyncset.done @!p0 $0x0  }
0x7a: {  	[sflag:s0] =	ssyncadd.s32 @!p0 s1  }
0x7b: {  	[bflag:$0x3] =	sbarrier.arrive $0xFFFF  }
0x7c: {  	_ =	shalt  }

// kernel: kernel.16.cloned.1.call-start
scs
__scs_entry_jumppad:
0x0: {  	(pc) =	sbr.rel $0x88, $3  }
0x1: {  	(tag) =	ssettag $0x0;
	lr =	simm.s32 $0x1  }
0x2: {  	[smem:$0x3F97] =	sst lr;
	_ =	strace $0xD0000000  }
0x3: {  	_ = 	snop  }
0x4: {  	_ = 	snop  }
0x5: {  	_ = 	snop  }
0x6: {  	_ = 	snop  }
0x7: {  	_ = 	snop  }
__scs_overlays_trampoline_lowered:
0x8: {  	[smem:$0x3FA6] =	sst s0  }
0x9: {  	[smem:$0x3FA7] =	sst s1  }
0xa: {  	[smem:$0x3FA8] =	sst s2  }
0xb: {  	[smem:$0x3FA9] =	sst s3  }
0xc: {  	[smem:$0x3FAA] =	sst s4  }
0xd: {  	[smem:$0x3FAB] =	sst s5  }
0xe: {  	[smem:$0x3FAC] =	sst s6  }
0xf: {  	[smem:$0x3FAD] =	sst s7  }
0x10: {  	[smem:$0x3FAE] =	sst s8  }
0x11: {  	[smem:$0x3FAF] =	sst s9;
	s0 =	simm.s32 @!p0 $0x0  }
0x12: {  	s1 =	sld [smem:$0x3F95];
	s0 =	simm.s32 @p0 $0x1  }
0x13: {  	[smem:$0x3FB0] =	sst s0;
	s0 =	simm.s32 @!p1 $0x0  }
0x14: {  	s2 =	sld [smem:$0x3F94];
	s0 =	simm.s32 @p1 $0x1  }
0x15: {  	[smem:$0x3FB1] =	sst s0;
	s0 =	simm.s32 @!p2 $0x0  }
0x16: {  	s3 =	sld [smem:$0x3FDB];
	s0 =	simm.s32 @p2 $0x1  }
0x17: {  	s4 =	simm.s32 $0x1BF5;
	[smem:$0x3FB3] =	sst s0  }
0x18: {  	s0 =	sld [smem:$0x3F96];
	_ =	swait.ge [sflag:s4], $0x0  }
0x19: {  	s7 =	sld [smem:$0x3F97]  }
0x1a: {  	s8 =	sadd.s32 $0xFFFFE003, lr  }
0x1b: {  	s9 =	sadd.s32 $0xFFFFFEF7, lr;
	s5 =	simm.s32 $0xFFFFFFFF;
	p2 =	slt.u32 s8, $0xFFFFF086  }
0x1c: {  	p1 =	slt.u32 s9, $0xF7A;
	s5 =	simm.s32 @!p2 $0x0  }
0x1d: {  	s5 =	simm.s32 @p1 $0x1;
	p0 =	seq.s32 s7, s2  }
0x1e: {  	s7 =	smul.u32 @!p0 $0xF7A, s2;
	p2 =	seq.s32 @!p0 s5, $0x0  }
0x1f: {  	s9 =	smul.u32 $0xF7A, s1;
	s8 =	simm.s32 @!p0 $0x1BF5;
	p2 =	por !p2, p0  }
0x20: {  	[sflag:s8] =	ssyncset.s32 @!p0 $0xFFFFF086;
	s6 =	sadd.s32 @!p0 s3, s7;
	s7 =	simm.s32 @!p0 $0x108  }
0x21: {  	s3 =	sadd.s32 s3, s9;
	s6 =	sadd.s32 @!p0 $0x88, s6;
	s7 =	simm.s32 @p2 $0x1082  }
0x22: {  	[simem:s7], [sflag:s8] =	dma.local @!p0 [hbm:s6], $0xF7A  }
0x23: {  	s9 =	sor.u32 $0xD0000000, s2;
	s6 =	simm.s32 $0x108;
	_ =	swait.ge @!p0 [sflag:s8], $0x0  }
0x24: {  	s3 =	sadd.s32 $0x88, s3;
	s6 =	simm.s32 @!p1 $0x1082;
	[sflag:s4] =	ssyncset.s32 $0xFFFFF086  }
0x25: {  	[simem:s6], [sflag:s4] =	dma.local [hbm:s3], $0xF7A  }
0x26: {  	[smem:$0x3F97] =	sst s1;
	(tag) =	ssettag s2;
	_ =	strace s9  }
0x27: {  	s1 =	sld [smem:$0x3FA7]  }
0x28: {  	s2 =	sld [smem:$0x3FA8]  }
0x29: {  	s4 =	sld [smem:$0x3FAA]  }
0x2a: {  	p0 =	seq.s32 s5, $0x0;
	s5 =	sld [smem:$0x3FAB]  }
0x2b: {  	s6 =	sld [smem:$0x3FAC]  }
0x2c: {  	s7 =	sld [smem:$0x3FAD]  }
0x2d: {  	s3 =	simm.s32 $0x108;
	s8 =	sld [smem:$0x3FAE]  }
0x2e: {  	s3 =	simm.s32 @!p0 $0x1082;
	s9 =	sld [smem:$0x3FAF]  }
0x2f: {  	lr =	sadd.s32 s0, s3;
	s0 =	sld [smem:$0x3FA6]  }
0x30: {  	s3 =	sld [smem:$0x3FA9]  }
0x31: {  	[smem:$0x3FB2] =	sst s10  }
0x32: {  	s10 =	sld [smem:$0x3FB0];
	_ =	sdelay $0x3  }
0x33: {  	p0 =	seq.s32 s10, $0x1;
	s10 =	sld [smem:$0x3FB2];
	_ =	sdelay $0x3  }
0x34: {  	[smem:$0x3FB2] =	sst s10  }
0x35: {  	s10 =	sld [smem:$0x3FB1];
	_ =	sdelay $0x3  }
0x36: {  	p1 =	seq.s32 s10, $0x1;
	s10 =	sld [smem:$0x3FB2];
	_ =	sdelay $0x3  }
0x37: {  	[smem:$0x3FB2] =	sst s10  }
0x38: {  	s10 =	sld [smem:$0x3FB3]  }
0x39: {  	_ = 	snop;
	(pc) =	sbr.ind lr, $3  }
0x3a: {  	_ = 	snop  }
0x3b: {  	_ = 	snop  }
0x3c: {  	p2 =	seq.s32 s10, $0x1;
	s10 =	sld [smem:$0x3FB2]  }
0x3d: {  	_ =	shalt  }
0x3e: {  	_ =	shalt  }
0x3f: {  	_ =	shalt  }
0x40: {  	_ =	shalt  }
0x41: {  	_ =	shalt  }
0x42: {  	_ =	shalt  }
0x43: {  	_ =	shalt  }
0x44: {  	_ =	shalt  }
0x45: {  	_ =	shalt  }
0x46: {  	_ =	shalt  }
0x47: {  	_ =	shalt  }
0x48: {  	_ =	shalt  }
0x49: {  	_ =	shalt  }
0x4a: {  	_ =	shalt  }
0x4b: {  	_ =	shalt  }
0x4c: {  	_ =	shalt  }
0x4d: {  	_ =	shalt  }
0x4e: {  	_ =	shalt  }
0x4f: {  	_ =	shalt  }
0x50: {  	_ =	shalt  }
0x51: {  	_ =	shalt  }
0x52: {  	_ =	shalt  }
0x53: {  	_ =	shalt  }
0x54: {  	_ =	shalt  }
0x55: {  	_ =	shalt  }
0x56: {  	_ =	shalt  }
0x57: {  	_ =	shalt  }
0x58: {  	_ =	shalt  }
0x59: {  	_ =	shalt  }
0x5a: {  	_ =	shalt  }
0x5b: {  	_ =	shalt  }
0x5c: {  	_ =	shalt  }
0x5d: {  	_ =	shalt  }
0x5e: {  	_ =	shalt  }
0x5f: {  	_ =	shalt  }
0x60: {  	_ =	shalt  }
0x61: {  	_ =	shalt  }
0x62: {  	_ =	shalt  }
0x63: {  	_ =	shalt  }
0x64: {  	_ =	shalt  }
0x65: {  	_ =	shalt  }
0x66: {  	_ =	shalt  }
0x67: {  	_ =	shalt  }
0x68: {  	_ =	shalt  }
0x69: {  	_ =	shalt  }
0x6a: {  	_ =	shalt  }
0x6b: {  	_ =	shalt  }
0x6c: {  	_ =	shalt  }
0x6d: {  	_ =	shalt  }
0x6e: {  	_ =	shalt  }
0x6f: {  	_ =	shalt  }
0x70: {  	_ =	shalt  }
0x71: {  	_ =	shalt  }
0x72: {  	_ =	shalt  }
0x73: {  	_ =	shalt  }
0x74: {  	_ =	shalt  }
0x75: {  	_ =	shalt  }
0x76: {  	_ =	shalt  }
0x77: {  	_ =	shalt  }
0x78: {  	_ =	shalt  }
0x79: {  	_ =	shalt  }
0x7a: {  	_ =	shalt  }
0x7b: {  	_ =	shalt  }
0x7c: {  	_ =	shalt  }
0x7d: {  	_ =	shalt  }
0x7e: {  	_ =	shalt  }
0x7f: {  	_ =	shalt  }
0x80: {  	_ =	shalt  }
0x81: {  	_ =	shalt  }
0x82: {  	_ =	shalt  }
0x83: {  	_ =	shalt  }
0x84: {  	_ =	shalt  }
0x85: {  	_ =	shalt  }
0x86: {  	_ =	shalt  }
0x87: {  	_ =	shalt  }
.Lfunc_end0:
.L_simem_size_0:
called_computation.2_lowered:
.L_overlay_start_0:
0x88: {  	s2 =	sld [smem:$0x3FD9]  }
0x89: {  	s3 =	sld [smem:$0x3FFE];
	_ =	sdelay $0x1  }
0x8a: {  	s1 =	srdreg.scid  }
0x8b: {  	s0 =	sand.u32 $0x1, s1  }
0x8c: {  	s17 =	sshll.u32 s0, $0xA;
	s2 =	sadd.s32 s3, s2  }
0x8d: {  	s2 =	sadd.s32 s2, s17  }
0x8e: {  	[smem:$0x3FBE] =	sst s2  }
0x8f: {  	_ = 	snop  }
0x90: {  	s2 =	sld [smem:$0x3FD0];
	(tm) =	ssettm $0x1  }
0x91: {  	s18 =	sld [smem:$0x3FFB];
	_ =	sdelay $0x3  }
0x92: {  	_ =	strace s18  }
0x93: {  	s3 =	sld [smem:$0x3FFC];
	_ =	sdelay $0x3  }
0x94: {  	_ =	strace s3  }
0x95: {  	s3 =	sld [smem:$0x3FFD];
	_ =	sdelay $0x3  }
0x96: {  	_ =	strace s3  }
0x97: {  	_ =	strace $0x8FFFFFFF  }
0x98: {  	s19 =	sld [smem:$0x3FDB];
	_ =	sdelay $0x1  }
0x99: {  	s4 =	simm.s32 $_scs_section_size  }
0x9a: {  	s5 =	simm.s32 $_size__tile_overlayer_lowered;
	s6 =	simm.s32 $_tile_overlayer_lowered  }
0x9b: {  	s22 =	simm.s32 $0x1BFF;
	s21 =	sshll.u32 s6, $0x1;
	s3 =	sadd.s32 s4, s19  }
0x9c: {  	s7 =	simm.s32 $0x0;
	s20 =	sshll.u32 s5, $0x1;
	s5 =	sadd.s32 s21, s3  }
0x9d: {  	[timem:s7], [sflag:s22] =	dma.local [hbm:s5], s20  }
0x9e: {  	_ =	swait.ge [sflag:s22], s20  }
0x9f: {  	s4 =	ssub.s32 $0x0, s20;
	[sflag:s22] =	ssyncset.done $0x0  }
0xa0: {  	[sflag:s22] =	ssyncadd.s32 s4;
	_ =	sdelay $0x1  }
0xa1: {  	s23 =	simm.s32 $0x1B8B  }
0xa2: {  	_ =	swait.ge [sflag:s23], $0x1  }
0xa3: {  	[sflag:s23] =	ssyncset.done $0x0  }
0xa4: {  	s25 =	simm.s32 $0x1B8E;
	s24 =	sld [smem:$0x3FFE];
	[sflag:s23] =	ssyncadd.s32 $0xFFFFFFFF  }
0xa5: {  	s26 =	simm.s32 $execute0_lowered;
	[smem:$0x3FD2] =	sst s25  }
0xa6: {  	s5 =	sshll.u32 s26, $0x1;
	_ =	strace $0x8000004C;
	[dreg:$0x1] =	wrdreg $0xFFFFFFFF  }
0xa7: {  	s28 =	simm.s32 $_size_execute0_lowered;
	s3 =	sadd.s32 s3, s5;
	[dreg:$0x0] =	wrdreg $0x0  }
0xa8: {  	s5 =	sshll.u32 s28, $0x1;
	[dreg:$0x2] =	wrdreg s3  }
0xa9: {  	[dreg:$0x3] =	wrdreg s5  }
0xaa: {  	[dreg:$0x4] =	wrdreg $0xC0  }
0xab: {  	_ =	task [dreg:s7], $0x5FFFF  }
0xac: {  	[dreg:$0x1] =	wrdreg $0xFFFFFFFF  }
0xad: {  	[dreg:$0x0] =	wrdreg $0x60  }
0xae: {  	[dreg:$0x2] =	wrdreg s24  }
0xaf: {  	[dreg:$0x3] =	wrdreg s2  }
0xb0: {  	[dreg:$0x4] =	wrdreg $0x0  }
0xb1: {  	[dreg:$0x5] =	wrdreg $0x9  }
0xb2: {  	_ =	task.clear_ibuf [dreg:s7], $0x6FFFF;
	_ =	strace $0x9000004C  }
0xb3: {  	s29 =	simm.s32 $0x9;
	_ =	strace $0x8000004E  }
0xb4: {  	_ =	swait.ge [sflag:s29], $0x1  }
0xb5: {  	[sflag:s29] =	ssyncadd.s32 $0xFFFFFFFF  }
0xb6: {  	_ =	strace $0x9000004E  }
0xb7: {  	_ =	sfence  }
0xb8: {  	s30 =	sld [smem:$0x0];
	_ =	sdelay $0x2  }
0xb9: {  	s31 =	sshll.u32 s1, $0xD;
	s1 =	sshrl.u32 s1, $0x2  }
0xba: {  	s3 =	sand.u32 $0x4000, s31;
	s1 =	sadd.s32 s1, s30  }
0xbb: {  	s0 =	sor.u32 s3, s0;
	s1 =	sshll.u32 s1, $0x11  }
0xbc: {  	s0 =	sor.u32 s1, s0  }
0xbd: {  	s0 =	sadd.s32 $0x8F2B, s0  }
0xbe: {  	[sflag:s0] =	ssyncadd.remote.s32 $0x1  }
0xbf: {  	_ =	sfence.sel $0xFFFF  }
0xc0: {  	[dreg:$0x0] =	wrdreg $0xFFFFFFFF;
	(pc) =	sbr.abs _section_cstart, $3  }
0xc1: {  	[dreg:$0x1] =	wrdreg $0xFFFFFFFF  }
0xc2: {  	_ =	task.clear_ibuf [dreg:s7], $0x2FFFF;
	_ =	strace $0x9FFFFFFF  }
0xc3: {  	(tm) =	ssettm $0x7FFFFFFF  }
tec
execute0_lowered:
.L_overlay_start_1:
0x0: {  	(tag) =	ssettag $0x1  }
0x1: {  	s6 =	rddreg [dreg:$0x0]  }
0x2: {  	s2 =	rddreg [dreg:$0x1];
	s0 =	srdreg.scid  }
0x3: {  	s3 =	rddreg [dreg:$0x2];
	s1 =	stileid.u32  }
0x4: {  	s4 =	simm.s32 $0x0;
	s17 =	simm.s32 $0x100;
	s18 =	simm.s32 $0x1C000  }
0x5: {  	s19 =	simm.s32 $0x1C100;
	s20 =	simm.s32 $0x0;
	s9 =	smul.u32 $0x5000, s1  }
0x6: {  	s7 =	sand.u32 $0x1, s0;
	s0 =	rddreg [dreg:$0x3];
	s10 =	smul.u32 $0x50000, s1  }
0x7: {  	[smem:$0x7FF] =	sst s4;
	s5 =	sadd.s32 $0x18A00, s6;
	s11 =	smul.u32 $0x14000, s1  }
0x8: {  	s12 =	sadd.s32 $0x68A00, s6;
	s8 =	smul.u32 $0x50000, s7;
	s25 =	ssub.s32 $0x2, s7  }
0x9: {  	_ =	strace $0x8000004D;
	s15 =	smul.u32 $0x140000, s7;
	s26 =	sshrl.u32 s25, $0x1  }
0xa: {  	s28 =	sshrl.u32 s10, $0x2;
	s29 =	sadd.s32 $0x8000, s11;
	s30 =	sadd.s32 $0x10000, s11  }
0xb: {  	s8 =	sadd.s32 s9, s8;
	s14 =	ssub.s32 s25, s26;
	s7 =	sadd.s32 s29, s3  }
0xc: {  	s11 =	sadd.s32 s11, s15;
	s9 =	sadd.s32 s15, s29;
	s10 =	sadd.s32 s15, s30  }
0xd: {  	s15 =	simm.s32 $0x1;
	s8 =	sshrl.u32 s8, $0x3;
	s11 =	sshrl.u32 s11, $0x3  }
0xe: {  	s31 =	sshrl.u32 s9, $0x3;
	s16 =	sshrl.u32 s10, $0x3;
	s13 =	sadd.s32 s8, s6  }
0xf: {  	s6 =	sadd.s32 s28, s3;
	s8 =	sadd.s32 s30, s3;
	s9 =	sadd.s32 s12, s11  }
0x10: {  	s10 =	sadd.s32 s12, s31;
	s11 =	sadd.s32 s12, s16;
	s12 =	smax.u32 s14, $0x1  }
0x11: {  	s14 =	simm.s32 $0x14000;
	s16 =	simm.s32 $0x80;
	s13 =	sadd.s32 $0x4A00, s13  }
.LBB2_1:
0x12: {  	[tilespmem:s14], [sflag:$0x1] =	stream.linear.gather [hbm4b:s2+s4], $0x8000, $0x38;
	[tilespmem:$0x1C200] =	vst v63  }
0x13: {  	_ =	swait.ge [sflag:s15], $0x8000  }
0x14: {  	[sflag:s15] =	ssyncset.done $0x0  }
0x15: {  	[sflag:s15] =	ssyncadd.s32 $0xFFFF8000  }
0x16: {  	[spmem:s6] =	stream.linear.scatter [tilespmem:s14], [sflag:$0x1], $0x8000, $0x38;
	[tilespmem:$0x1C200] =	vst v63  }
0x17: {  	_ =	swait.ge [sflag:s15], $0x8000  }
0x18: {  	[sflag:s15] =	ssyncset.done $0x0  }
0x19: {  	[sflag:s15] =	ssyncadd.s32 $0xFFFF8000  }
0x1a: {  	[spmem:s7] =	stream.linear.scatter [tilespmem:s14], [sflag:$0x1], $0x8000, $0x38;
	[tilespmem:$0x1C200] =	vst v63  }
0x1b: {  	_ =	swait.ge [sflag:s15], $0x8000  }
0x1c: {  	[sflag:s15] =	ssyncset.done $0x0  }
0x1d: {  	[sflag:s15] =	ssyncadd.s32 $0xFFFF8000  }
0x1e: {  	[spmem:s8] =	stream.linear.scatter [tilespmem:s14], [sflag:$0x1], $0x4000, $0x38;
	[tilespmem:$0x1C200] =	vst v63  }
0x1f: {  	_ =	swait.ge [sflag:s15], $0x4000  }
0x20: {  	[sflag:s15] =	ssyncset.done $0x0  }
0x21: {  	[sflag:s15] =	ssyncadd.s32 $0xFFFFC000  }
0x22: {  	s21 =	sadd.s32 $0x0, s13;
	[bflag:$0x0] =	sbarrier.arrive $0xFFFF  }
0x23: {  	[tilespmem:s18], [sflag:$0x1] =	stream.strided.gather [hbm4b:s21+s16], $0x100, s17, s16, $0x38;
	[tilespmem:$0x1C200] =	vst v63  }
0x24: {  	_ =	swait.ge [sflag:s15], $0x100  }
0x25: {  	[sflag:s15] =	ssyncset.done $0x0  }
0x26: {  	s21 =	sadd.s32 $0x10, s21;
	[sflag:s15] =	ssyncadd.s32 $0xFFFFFF00  }
0x27: {  	[tilespmem:s19], [sflag:$0x1] =	stream.strided.gather [hbm4b:s21+s16], $0x100, s17, s16, $0x38;
	[tilespmem:$0x1C200] =	vst v63  }
0x28: {  	_ =	swait.ge [sflag:s15], $0x100  }
0x29: {  	[sflag:s15] =	ssyncset.done $0x0  }
0x2a: {  	[sflag:s15] =	ssyncadd.s32 $0xFFFFFF00  }
0x2b: {  	[tilespmem:s14], [sflag:$0x1] =	stream.indirect.gather [hbm4b:s5+s17], $0x80, s18, s17, $0xb8;
	[tilespmem:$0x1C200] =	vst v63  }
0x2c: {  	_ =	swait.ge [sflag:s15], $0x8000  }
0x2d: {  	[sflag:s15] =	ssyncset.done $0x0  }
0x2e: {  	[sflag:s15] =	ssyncadd.s32 $0xFFFF8000  }
0x2f: {  	[spmem:s3] =	stream.indirect.scatter.add.f32 [tilespmem:s14], [sflag:$0x1], $0x80, s19, s17, $0xb8;
	[tilespmem:$0x1C200] =	vst v63  }
0x30: {  	_ =	swait.ge [sflag:s15], $0x8000  }
0x31: {  	s22 =	simm.s32 $0x80;
	s21 =	simm.s32 $0x40;
	[sflag:s15] =	ssyncset.done $0x0  }
.LBB2_2:
0x32: {  	s23 =	sadd.s32 s21, s13  }
0x33: {  	[sflag:s15] =	ssyncadd.s32 $0xFFFF8000;
	s21 =	smov.u32 s22;
	s24 =	sadd.s32 $0x40, s22  }
0x34: {  	[tilespmem:s18], [sflag:$0x1] =	stream.strided.gather [hbm4b:s23+s16], $0x100, s17, s16, $0x38;
	[tilespmem:$0x1C200] =	vst v63  }
0x35: {  	p0 =	sne.s32 s22, $0x9C0;
	_ =	swait.ge [sflag:s15], $0x100  }
0x36: {  	[sflag:s15] =	ssyncset.done $0x0  }
0x37: {  	s22 =	sadd.s32 $0x10, s23;
	[sflag:s15] =	ssyncadd.s32 $0xFFFFFF00  }
0x38: {  	[tilespmem:s19], [sflag:$0x1] =	stream.strided.gather [hbm4b:s22+s16], $0x100, s17, s16, $0x38;
	[tilespmem:$0x1C200] =	vst v63  }
0x39: {  	_ =	swait.ge [sflag:s15], $0x100  }
0x3a: {  	[sflag:s15] =	ssyncset.done $0x0  }
0x3b: {  	[sflag:s15] =	ssyncadd.s32 $0xFFFFFF00  }
0x3c: {  	[tilespmem:s14], [sflag:$0x1] =	stream.indirect.gather [hbm4b:s5+s17], $0x80, s18, s17, $0xb8;
	[tilespmem:$0x1C200] =	vst v63  }
0x3d: {  	_ =	swait.ge [sflag:s15], $0x8000  }
.Ltmp0:
0x3e: {  	[sflag:s15] =	ssyncset.done $0x0;
	(pc) =	sbr.rel @p0 .LBB2_2-.Ltmp0, $4  }
0x3f: {  	[sflag:s15] =	ssyncadd.s32 $0xFFFF8000  }
0x40: {  	[spmem:s3] =	stream.indirect.scatter.add.f32 [tilespmem:s14], [sflag:$0x1], $0x80, s19, s17, $0xb8;
	[tilespmem:$0x1C200] =	vst v63  }
0x41: {  	_ =	swait.ge [sflag:s15], $0x8000  }
0x42: {  	s22 =	smov.u32 s24;
	[sflag:s15] =	ssyncset.done $0x0  }
0x43: {  	s21 =	sadd.s32 s21, s13;
	[sflag:s15] =	ssyncadd.s32 $0xFFFF8000  }
0x44: {  	[tilespmem:s18], [sflag:$0x1] =	stream.strided.gather [hbm4b:s21+s16], $0x100, s17, s16, $0x38;
	[tilespmem:$0x1C200] =	vst v63  }
0x45: {  	_ =	swait.ge [sflag:s15], $0x100  }
0x46: {  	[sflag:s15] =	ssyncset.done $0x0  }
0x47: {  	s21 =	sadd.s32 $0x10, s21;
	[sflag:s15] =	ssyncadd.s32 $0xFFFFFF00  }
0x48: {  	[tilespmem:s19], [sflag:$0x1] =	stream.strided.gather [hbm4b:s21+s16], $0x100, s17, s16, $0x38;
	[tilespmem:$0x1C200] =	vst v63  }
0x49: {  	_ =	swait.ge [sflag:s15], $0x100  }
0x4a: {  	[sflag:s15] =	ssyncset.done $0x0  }
0x4b: {  	[sflag:s15] =	ssyncadd.s32 $0xFFFFFF00  }
0x4c: {  	[tilespmem:s14], [sflag:$0x1] =	stream.indirect.gather [hbm4b:s5+s17], $0x80, s18, s17, $0xb8;
	[tilespmem:$0x1C200] =	vst v63  }
0x4d: {  	_ =	swait.ge [sflag:s15], $0x8000  }
0x4e: {  	[sflag:s15] =	ssyncset.done $0x0  }
0x4f: {  	[sflag:s15] =	ssyncadd.s32 $0xFFFF8000  }
0x50: {  	[spmem:s3] =	stream.indirect.scatter.add.f32 [tilespmem:s14], [sflag:$0x1], $0x80, s19, s17, $0xb8;
	[tilespmem:$0x1C200] =	vst v63  }
0x51: {  	_ =	swait.ge [sflag:s15], $0x8000  }
0x52: {  	[sflag:s15] =	ssyncset.done $0x0  }
0x53: {  	[sflag:s15] =	ssyncadd.s32 $0xFFFF8000  }
0x54: {  	[bflag:$0x0] =	sbarrier.arrive $0xFFFF  }
0x55: {  	[tilespmem:s14], [sflag:$0x1] =	stream.linear.gather [spmem:s6], $0x8000, $0x38;
	[tilespmem:$0x1C200] =	vst v63  }
0x56: {  	_ =	swait.ge [sflag:s15], $0x8000  }
0x57: {  	[sflag:s15] =	ssyncset.done $0x0  }
0x58: {  	[sflag:s15] =	ssyncadd.s32 $0xFFFF8000  }
0x59: {  	[hbm4b:s9+s4] =	stream.linear.scatter [tilespmem:s14], [sflag:$0x1], $0x8000, $0x38;
	[tilespmem:$0x1C200] =	vst v63  }
0x5a: {  	_ =	swait.ge [sflag:s15], $0x8000  }
0x5b: {  	[sflag:s15] =	ssyncset.done $0x0  }
0x5c: {  	[sflag:s15] =	ssyncadd.s32 $0xFFFF8000  }
0x5d: {  	[tilespmem:s14], [sflag:$0x1] =	stream.linear.gather [spmem:s7], $0x8000, $0x38;
	[tilespmem:$0x1C200] =	vst v63  }
0x5e: {  	_ =	swait.ge [sflag:s15], $0x8000  }
0x5f: {  	[sflag:s15] =	ssyncset.done $0x0  }
0x60: {  	[sflag:s15] =	ssyncadd.s32 $0xFFFF8000  }
0x61: {  	[hbm4b:s10+s4] =	stream.linear.scatter [tilespmem:s14], [sflag:$0x1], $0x8000, $0x38;
	[tilespmem:$0x1C200] =	vst v63  }
0x62: {  	_ =	swait.ge [sflag:s15], $0x8000  }
0x63: {  	[sflag:s15] =	ssyncset.done $0x0  }
0x64: {  	[sflag:s15] =	ssyncadd.s32 $0xFFFF8000  }
0x65: {  	[tilespmem:s14], [sflag:$0x1] =	stream.linear.gather [spmem:s8], $0x4000, $0x38;
	[tilespmem:$0x1C200] =	vst v63  }
0x66: {  	s20 =	sadd.s32 $0x1, s20;
	_ =	swait.ge [sflag:s15], $0x4000  }
0x67: {  	p0 =	sne.s32 s20, s12;
	[sflag:s15] =	ssyncset.done $0x0  }
.Ltmp1:
0x68: {  	[sflag:s15] =	ssyncadd.s32 $0xFFFFC000;
	(pc) =	sbr.rel @p0 .LBB2_1-.Ltmp1, $4  }
0x69: {  	[hbm4b:s11+s4] =	stream.linear.scatter [tilespmem:s14], [sflag:$0x1], $0x4000, $0x38;
	[tilespmem:$0x1C200] =	vst v63  }
0x6a: {  	_ =	swait.ge [sflag:s15], $0x4000  }
0x6b: {  	[sflag:s15] =	ssyncset.done $0x0  }
0x6c: {  	[sflag:s15] =	ssyncadd.s32 $0xFFFFC000  }
0x6d: {  	_ =	sfence.sel $0x180000  }
0x6e: {  	[bflag:$0x0] =	sbarrier.arrive $0xFFFF  }
0x6f: {  	p0 =	sne.s32 s1, $0x0;
	_ =	strace $0x9000004D  }
0x70: {  	s0 =	sadd.s32 @!p0 $0x100000, s0;
	[bflag:$0x2] =	sbarrier.arrive $0xFFFF  }
0x71: {  	[sflag:s0] =	ssyncadd.tile.s32 @!p0 $0x1;
	_ =	shalt  }
.Lfunc_end2:
_tile_overlayer_lowered:
.L_overlay_start_2:
0x72: {  	(tag) =	ssettag $0x2  }
0x73: {  	s0 =	rddreg [dreg:$0x0];
	s2 =	stileid.u32  }
0x74: {  	s1 =	rddreg [dreg:$0x1];
	p0 =	sne.s32 s2, $0x0  }
0x75: {  	s3 =	rddreg [dreg:$0x2];
	[bflag:$0x3] =	sbarrier.arrive $0xFFFF;
	s2 =	simm.s32 @!p0 $0x1C01  }
0x76: {  	[timem:s3], [sflag:s2] =	dma.local @!p0 [hbm:s0], s1  }
0x77: {  	s0 =	simm.s32 @!p0 $0x1  }
0x78: {  	_ =	swait.ge @!p0 [sflag:s0], s1  }
0x79: {  	s1 =	ssub.s32 @!p0 $0x0, s1;
	[sflag:s0] =	ssyncset.done @!p0 $0x0  }
0x7a: {  	[sflag:s0] =	ssyncadd.s32 @!p0 s1  }
0x7b: {  	[bflag:$0x3] =	sbarrier.arrive $0xFFFF  }
0x7c: {  	_ =	shalt  }

// kernel: kernel.19.cloned.1.call-start
scs
__scs_entry_jumppad:
0x0: {  	(pc) =	sbr.rel $0x88, $3  }
0x1: {  	(tag) =	ssettag $0x0;
	lr =	simm.s32 $0x1  }
0x2: {  	[smem:$0x3F97] =	sst lr;
	_ =	strace $0xD0000000  }
0x3: {  	_ = 	snop  }
0x4: {  	_ = 	snop  }
0x5: {  	_ = 	snop  }
0x6: {  	_ = 	snop  }
0x7: {  	_ = 	snop  }
__scs_overlays_trampoline_lowered:
0x8: {  	[smem:$0x3FA6] =	sst s0  }
0x9: {  	[smem:$0x3FA7] =	sst s1  }
0xa: {  	[smem:$0x3FA8] =	sst s2  }
0xb: {  	[smem:$0x3FA9] =	sst s3  }
0xc: {  	[smem:$0x3FAA] =	sst s4  }
0xd: {  	[smem:$0x3FAB] =	sst s5  }
0xe: {  	[smem:$0x3FAC] =	sst s6  }
0xf: {  	[smem:$0x3FAD] =	sst s7  }
0x10: {  	[smem:$0x3FAE] =	sst s8  }
0x11: {  	[smem:$0x3FAF] =	sst s9;
	s0 =	simm.s32 @!p0 $0x0  }
0x12: {  	s1 =	sld [smem:$0x3F95];
	s0 =	simm.s32 @p0 $0x1  }
0x13: {  	[smem:$0x3FB0] =	sst s0;
	s0 =	simm.s32 @!p1 $0x0  }
0x14: {  	s2 =	sld [smem:$0x3F94];
	s0 =	simm.s32 @p1 $0x1  }
0x15: {  	[smem:$0x3FB1] =	sst s0;
	s0 =	simm.s32 @!p2 $0x0  }
0x16: {  	s3 =	sld [smem:$0x3FDB];
	s0 =	simm.s32 @p2 $0x1  }
0x17: {  	s4 =	simm.s32 $0x1BF5;
	[smem:$0x3FB3] =	sst s0  }
0x18: {  	s0 =	sld [smem:$0x3F96];
	_ =	swait.ge [sflag:s4], $0x0  }
0x19: {  	s7 =	sld [smem:$0x3F97]  }
0x1a: {  	s8 =	sadd.s32 $0xFFFFE003, lr  }
0x1b: {  	s9 =	sadd.s32 $0xFFFFFEF7, lr;
	s5 =	simm.s32 $0xFFFFFFFF;
	p2 =	slt.u32 s8, $0xFFFFF086  }
0x1c: {  	p1 =	slt.u32 s9, $0xF7A;
	s5 =	simm.s32 @!p2 $0x0  }
0x1d: {  	s5 =	simm.s32 @p1 $0x1;
	p0 =	seq.s32 s7, s2  }
0x1e: {  	s7 =	smul.u32 @!p0 $0xF7A, s2;
	p2 =	seq.s32 @!p0 s5, $0x0  }
0x1f: {  	s9 =	smul.u32 $0xF7A, s1;
	s8 =	simm.s32 @!p0 $0x1BF5;
	p2 =	por !p2, p0  }
0x20: {  	[sflag:s8] =	ssyncset.s32 @!p0 $0xFFFFF086;
	s6 =	sadd.s32 @!p0 s3, s7;
	s7 =	simm.s32 @!p0 $0x108  }
0x21: {  	s3 =	sadd.s32 s3, s9;
	s6 =	sadd.s32 @!p0 $0x88, s6;
	s7 =	simm.s32 @p2 $0x1082  }
0x22: {  	[simem:s7], [sflag:s8] =	dma.local @!p0 [hbm:s6], $0xF7A  }
0x23: {  	s9 =	sor.u32 $0xD0000000, s2;
	s6 =	simm.s32 $0x108;
	_ =	swait.ge @!p0 [sflag:s8], $0x0  }
0x24: {  	s3 =	sadd.s32 $0x88, s3;
	s6 =	simm.s32 @!p1 $0x1082;
	[sflag:s4] =	ssyncset.s32 $0xFFFFF086  }
0x25: {  	[simem:s6], [sflag:s4] =	dma.local [hbm:s3], $0xF7A  }
0x26: {  	[smem:$0x3F97] =	sst s1;
	(tag) =	ssettag s2;
	_ =	strace s9  }
0x27: {  	s1 =	sld [smem:$0x3FA7]  }
0x28: {  	s2 =	sld [smem:$0x3FA8]  }
0x29: {  	s4 =	sld [smem:$0x3FAA]  }
0x2a: {  	p0 =	seq.s32 s5, $0x0;
	s5 =	sld [smem:$0x3FAB]  }
0x2b: {  	s6 =	sld [smem:$0x3FAC]  }
0x2c: {  	s7 =	sld [smem:$0x3FAD]  }
0x2d: {  	s3 =	simm.s32 $0x108;
	s8 =	sld [smem:$0x3FAE]  }
0x2e: {  	s3 =	simm.s32 @!p0 $0x1082;
	s9 =	sld [smem:$0x3FAF]  }
0x2f: {  	lr =	sadd.s32 s0, s3;
	s0 =	sld [smem:$0x3FA6]  }
0x30: {  	s3 =	sld [smem:$0x3FA9]  }
0x31: {  	[smem:$0x3FB2] =	sst s10  }
0x32: {  	s10 =	sld [smem:$0x3FB0];
	_ =	sdelay $0x3  }
0x33: {  	p0 =	seq.s32 s10, $0x1;
	s10 =	sld [smem:$0x3FB2];
	_ =	sdelay $0x3  }
0x34: {  	[smem:$0x3FB2] =	sst s10  }
0x35: {  	s10 =	sld [smem:$0x3FB1];
	_ =	sdelay $0x3  }
0x36: {  	p1 =	seq.s32 s10, $0x1;
	s10 =	sld [smem:$0x3FB2];
	_ =	sdelay $0x3  }
0x37: {  	[smem:$0x3FB2] =	sst s10  }
0x38: {  	s10 =	sld [smem:$0x3FB3]  }
0x39: {  	_ = 	snop;
	(pc) =	sbr.ind lr, $3  }
0x3a: {  	_ = 	snop  }
0x3b: {  	_ = 	snop  }
0x3c: {  	p2 =	seq.s32 s10, $0x1;
	s10 =	sld [smem:$0x3FB2]  }
0x3d: {  	_ =	shalt  }
0x3e: {  	_ =	shalt  }
0x3f: {  	_ =	shalt  }
0x40: {  	_ =	shalt  }
0x41: {  	_ =	shalt  }
0x42: {  	_ =	shalt  }
0x43: {  	_ =	shalt  }
0x44: {  	_ =	shalt  }
0x45: {  	_ =	shalt  }
0x46: {  	_ =	shalt  }
0x47: {  	_ =	shalt  }
0x48: {  	_ =	shalt  }
0x49: {  	_ =	shalt  }
0x4a: {  	_ =	shalt  }
0x4b: {  	_ =	shalt  }
0x4c: {  	_ =	shalt  }
0x4d: {  	_ =	shalt  }
0x4e: {  	_ =	shalt  }
0x4f: {  	_ =	shalt  }
0x50: {  	_ =	shalt  }
0x51: {  	_ =	shalt  }
0x52: {  	_ =	shalt  }
0x53: {  	_ =	shalt  }
0x54: {  	_ =	shalt  }
0x55: {  	_ =	shalt  }
0x56: {  	_ =	shalt  }
0x57: {  	_ =	shalt  }
0x58: {  	_ =	shalt  }
0x59: {  	_ =	shalt  }
0x5a: {  	_ =	shalt  }
0x5b: {  	_ =	shalt  }
0x5c: {  	_ =	shalt  }
0x5d: {  	_ =	shalt  }
0x5e: {  	_ =	shalt  }
0x5f: {  	_ =	shalt  }
0x60: {  	_ =	shalt  }
0x61: {  	_ =	shalt  }
0x62: {  	_ =	shalt  }
0x63: {  	_ =	shalt  }
0x64: {  	_ =	shalt  }
0x65: {  	_ =	shalt  }
0x66: {  	_ =	shalt  }
0x67: {  	_ =	shalt  }
0x68: {  	_ =	shalt  }
0x69: {  	_ =	shalt  }
0x6a: {  	_ =	shalt  }
0x6b: {  	_ =	shalt  }
0x6c: {  	_ =	shalt  }
0x6d: {  	_ =	shalt  }
0x6e: {  	_ =	shalt  }
0x6f: {  	_ =	shalt  }
0x70: {  	_ =	shalt  }
0x71: {  	_ =	shalt  }
0x72: {  	_ =	shalt  }
0x73: {  	_ =	shalt  }
0x74: {  	_ =	shalt  }
0x75: {  	_ =	shalt  }
0x76: {  	_ =	shalt  }
0x77: {  	_ =	shalt  }
0x78: {  	_ =	shalt  }
0x79: {  	_ =	shalt  }
0x7a: {  	_ =	shalt  }
0x7b: {  	_ =	shalt  }
0x7c: {  	_ =	shalt  }
0x7d: {  	_ =	shalt  }
0x7e: {  	_ =	shalt  }
0x7f: {  	_ =	shalt  }
0x80: {  	_ =	shalt  }
0x81: {  	_ =	shalt  }
0x82: {  	_ =	shalt  }
0x83: {  	_ =	shalt  }
0x84: {  	_ =	shalt  }
0x85: {  	_ =	shalt  }
0x86: {  	_ =	shalt  }
0x87: {  	_ =	shalt  }
.Lfunc_end0:
.L_simem_size_0:
called_computation.3_lowered:
.L_overlay_start_0:
0x88: {  	s2 =	sld [smem:$0x3FD9]  }
0x89: {  	s3 =	sld [smem:$0x3FFE];
	_ =	sdelay $0x1  }
0x8a: {  	s1 =	srdreg.scid  }
0x8b: {  	s0 =	sand.u32 $0x1, s1  }
0x8c: {  	s17 =	sshll.u32 s0, $0xA;
	s2 =	sadd.s32 s3, s2  }
0x8d: {  	s2 =	sadd.s32 s2, s17  }
0x8e: {  	[smem:$0x3FBE] =	sst s2  }
0x8f: {  	_ = 	snop  }
0x90: {  	s2 =	sld [smem:$0x3FD0];
	(tm) =	ssettm $0x1  }
0x91: {  	s18 =	sld [smem:$0x3FFB];
	_ =	sdelay $0x3  }
0x92: {  	_ =	strace s18  }
0x93: {  	s3 =	sld [smem:$0x3FFC];
	_ =	sdelay $0x3  }
0x94: {  	_ =	strace s3  }
0x95: {  	s3 =	sld [smem:$0x3FFD];
	_ =	sdelay $0x3  }
0x96: {  	_ =	strace s3  }
0x97: {  	_ =	strace $0x8FFFFFFF  }
0x98: {  	s19 =	sld [smem:$0x3FDB];
	_ =	sdelay $0x1  }
0x99: {  	s4 =	simm.s32 $_scs_section_size  }
0x9a: {  	s5 =	simm.s32 $_size__tile_overlayer_lowered;
	s6 =	simm.s32 $_tile_overlayer_lowered  }
0x9b: {  	s22 =	simm.s32 $0x1BFF;
	s21 =	sshll.u32 s6, $0x1;
	s3 =	sadd.s32 s4, s19  }
0x9c: {  	s7 =	simm.s32 $0x0;
	s20 =	sshll.u32 s5, $0x1;
	s5 =	sadd.s32 s21, s3  }
0x9d: {  	[timem:s7], [sflag:s22] =	dma.local [hbm:s5], s20  }
0x9e: {  	_ =	swait.ge [sflag:s22], s20  }
0x9f: {  	s4 =	ssub.s32 $0x0, s20;
	[sflag:s22] =	ssyncset.done $0x0  }
0xa0: {  	[sflag:s22] =	ssyncadd.s32 s4;
	_ =	sdelay $0x1  }
0xa1: {  	s23 =	simm.s32 $0x1B8B  }
0xa2: {  	_ =	swait.ge [sflag:s23], $0x1  }
0xa3: {  	[sflag:s23] =	ssyncset.done $0x0  }
0xa4: {  	s25 =	simm.s32 $0x1B8E;
	s24 =	sld [smem:$0x3FFE];
	[sflag:s23] =	ssyncadd.s32 $0xFFFFFFFF  }
0xa5: {  	s26 =	simm.s32 $execute0_lowered;
	[smem:$0x3FD2] =	sst s25  }
0xa6: {  	s5 =	sshll.u32 s26, $0x1;
	_ =	strace $0x8000004F;
	[dreg:$0x1] =	wrdreg $0xFFFFFFFF  }
0xa7: {  	s28 =	simm.s32 $_size_execute0_lowered;
	s3 =	sadd.s32 s3, s5;
	[dreg:$0x0] =	wrdreg $0x0  }
0xa8: {  	s5 =	sshll.u32 s28, $0x1;
	[dreg:$0x2] =	wrdreg s3  }
0xa9: {  	[dreg:$0x3] =	wrdreg s5  }
0xaa: {  	[dreg:$0x4] =	wrdreg $0xC0  }
0xab: {  	_ =	task [dreg:s7], $0x5FFFF  }
0xac: {  	[dreg:$0x1] =	wrdreg $0xFFFFFFFF  }
0xad: {  	[dreg:$0x0] =	wrdreg $0x60  }
0xae: {  	[dreg:$0x2] =	wrdreg s24  }
0xaf: {  	[dreg:$0x3] =	wrdreg s2  }
0xb0: {  	[dreg:$0x4] =	wrdreg $0x0  }
0xb1: {  	[dreg:$0x5] =	wrdreg $0x9  }
0xb2: {  	_ =	task.clear_ibuf [dreg:s7], $0x6FFFF;
	_ =	strace $0x9000004F  }
0xb3: {  	s29 =	simm.s32 $0x9;
	_ =	strace $0x80000051  }
0xb4: {  	_ =	swait.ge [sflag:s29], $0x1  }
0xb5: {  	[sflag:s29] =	ssyncadd.s32 $0xFFFFFFFF  }
0xb6: {  	_ =	strace $0x90000051  }
0xb7: {  	_ =	sfence  }
0xb8: {  	s30 =	sld [smem:$0x0];
	_ =	sdelay $0x2  }
0xb9: {  	s31 =	sshll.u32 s1, $0xD;
	s1 =	sshrl.u32 s1, $0x2  }
0xba: {  	s3 =	sand.u32 $0x4000, s31;
	s1 =	sadd.s32 s1, s30  }
0xbb: {  	s0 =	sor.u32 s3, s0;
	s1 =	sshll.u32 s1, $0x11  }
0xbc: {  	s0 =	sor.u32 s1, s0  }
0xbd: {  	s0 =	sadd.s32 $0x8F2B, s0  }
0xbe: {  	[sflag:s0] =	ssyncadd.remote.s32 $0x1  }
0xbf: {  	_ =	sfence.sel $0xFFFF  }
0xc0: {  	[dreg:$0x0] =	wrdreg $0xFFFFFFFF;
	(pc) =	sbr.abs _section_cstart, $3  }
0xc1: {  	[dreg:$0x1] =	wrdreg $0xFFFFFFFF  }
0xc2: {  	_ =	task.clear_ibuf [dreg:s7], $0x2FFFF;
	_ =	strace $0x9FFFFFFF  }
0xc3: {  	(tm) =	ssettm $0x7FFFFFFF  }
tec
execute0_lowered:
.L_overlay_start_1:
0x0: {  	(tag) =	ssettag $0x1  }
0x1: {  	s6 =	rddreg [dreg:$0x0]  }
0x2: {  	s2 =	rddreg [dreg:$0x1];
	s0 =	srdreg.scid  }
0x3: {  	s3 =	rddreg [dreg:$0x2];
	s1 =	stileid.u32  }
0x4: {  	s4 =	simm.s32 $0x0;
	s17 =	simm.s32 $0x100;
	s18 =	simm.s32 $0x1C000  }
0x5: {  	s19 =	simm.s32 $0x1C100;
	s20 =	simm.s32 $0x0;
	s9 =	smul.u32 $0x5000, s1  }
0x6: {  	s7 =	sand.u32 $0x1, s0;
	s0 =	rddreg [dreg:$0x3];
	s10 =	smul.u32 $0x50000, s1  }
0x7: {  	[smem:$0x7FF] =	sst s4;
	s5 =	sadd.s32 $0x18A00, s6;
	s11 =	smul.u32 $0x14000, s1  }
0x8: {  	s12 =	sadd.s32 $0x68A00, s6;
	s8 =	smul.u32 $0x50000, s7;
	s25 =	ssub.s32 $0x2, s7  }
0x9: {  	_ =	strace $0x80000050;
	s15 =	smul.u32 $0x140000, s7;
	s26 =	sshrl.u32 s25, $0x1  }
0xa: {  	s28 =	sshrl.u32 s10, $0x2;
	s29 =	sadd.s32 $0x8000, s11;
	s30 =	sadd.s32 $0x10000, s11  }
0xb: {  	s8 =	sadd.s32 s9, s8;
	s14 =	ssub.s32 s25, s26;
	s7 =	sadd.s32 s29, s3  }
0xc: {  	s11 =	sadd.s32 s11, s15;
	s9 =	sadd.s32 s15, s29;
	s10 =	sadd.s32 s15, s30  }
0xd: {  	s15 =	simm.s32 $0x1;
	s8 =	sshrl.u32 s8, $0x3;
	s11 =	sshrl.u32 s11, $0x3  }
0xe: {  	s31 =	sshrl.u32 s9, $0x3;
	s16 =	sshrl.u32 s10, $0x3;
	s13 =	sadd.s32 s8, s6  }
0xf: {  	s6 =	sadd.s32 s28, s3;
	s8 =	sadd.s32 s30, s3;
	s9 =	sadd.s32 s12, s11  }
0x10: {  	s10 =	sadd.s32 s12, s31;
	s11 =	sadd.s32 s12, s16;
	s12 =	smax.u32 s14, $0x1  }
0x11: {  	s14 =	simm.s32 $0x14000;
	s16 =	simm.s32 $0x80;
	s13 =	sadd.s32 $0x4A00, s13  }
.LBB2_1:
0x12: {  	[tilespmem:s14], [sflag:$0x1] =	stream.linear.gather [hbm4b:s2+s4], $0x8000, $0x38;
	[tilespmem:$0x1C200] =	vst v63  }
0x13: {  	_ =	swait.ge [sflag:s15], $0x8000  }
0x14: {  	[sflag:s15] =	ssyncset.done $0x0  }
0x15: {  	[sflag:s15] =	ssyncadd.s32 $0xFFFF8000  }
0x16: {  	[spmem:s6] =	stream.linear.scatter [tilespmem:s14], [sflag:$0x1], $0x8000, $0x38;
	[tilespmem:$0x1C200] =	vst v63  }
0x17: {  	_ =	swait.ge [sflag:s15], $0x8000  }
0x18: {  	[sflag:s15] =	ssyncset.done $0x0  }
0x19: {  	[sflag:s15] =	ssyncadd.s32 $0xFFFF8000  }
0x1a: {  	[spmem:s7] =	stream.linear.scatter [tilespmem:s14], [sflag:$0x1], $0x8000, $0x38;
	[tilespmem:$0x1C200] =	vst v63  }
0x1b: {  	_ =	swait.ge [sflag:s15], $0x8000  }
0x1c: {  	[sflag:s15] =	ssyncset.done $0x0  }
0x1d: {  	[sflag:s15] =	ssyncadd.s32 $0xFFFF8000  }
0x1e: {  	[spmem:s8] =	stream.linear.scatter [tilespmem:s14], [sflag:$0x1], $0x4000, $0x38;
	[tilespmem:$0x1C200] =	vst v63  }
0x1f: {  	_ =	swait.ge [sflag:s15], $0x4000  }
0x20: {  	[sflag:s15] =	ssyncset.done $0x0  }
0x21: {  	[sflag:s15] =	ssyncadd.s32 $0xFFFFC000  }
0x22: {  	s21 =	sadd.s32 $0x0, s13;
	[bflag:$0x0] =	sbarrier.arrive $0xFFFF  }
0x23: {  	[tilespmem:s18], [sflag:$0x1] =	stream.strided.gather [hbm4b:s21+s16], $0x100, s17, s16, $0x38;
	[tilespmem:$0x1C200] =	vst v63  }
0x24: {  	_ =	swait.ge [sflag:s15], $0x100  }
0x25: {  	[sflag:s15] =	ssyncset.done $0x0  }
0x26: {  	s21 =	sadd.s32 $0x10, s21;
	[sflag:s15] =	ssyncadd.s32 $0xFFFFFF00  }
0x27: {  	[tilespmem:s19], [sflag:$0x1] =	stream.strided.gather [hbm4b:s21+s16], $0x100, s17, s16, $0x38;
	[tilespmem:$0x1C200] =	vst v63  }
0x28: {  	_ =	swait.ge [sflag:s15], $0x100  }
0x29: {  	[sflag:s15] =	ssyncset.done $0x0  }
0x2a: {  	[sflag:s15] =	ssyncadd.s32 $0xFFFFFF00  }
0x2b: {  	[tilespmem:s14], [sflag:$0x1] =	stream.indirect.gather [hbm4b:s5+s17], $0x80, s18, s17, $0xb8;
	[tilespmem:$0x1C200] =	vst v63  }
0x2c: {  	_ =	swait.ge [sflag:s15], $0x8000  }
0x2d: {  	[sflag:s15] =	ssyncset.done $0x0  }
0x2e: {  	[sflag:s15] =	ssyncadd.s32 $0xFFFF8000  }
0x2f: {  	[spmem:s3] =	stream.indirect.scatter.add.f32 [tilespmem:s14], [sflag:$0x1], $0x80, s19, s17, $0xb8;
	[tilespmem:$0x1C200] =	vst v63  }
0x30: {  	_ =	swait.ge [sflag:s15], $0x8000  }
0x31: {  	s22 =	simm.s32 $0x80;
	s21 =	simm.s32 $0x40;
	[sflag:s15] =	ssyncset.done $0x0  }
.LBB2_2:
0x32: {  	s23 =	sadd.s32 s21, s13  }
0x33: {  	[sflag:s15] =	ssyncadd.s32 $0xFFFF8000;
	s21 =	smov.u32 s22;
	s24 =	sadd.s32 $0x40, s22  }
0x34: {  	[tilespmem:s18], [sflag:$0x1] =	stream.strided.gather [hbm4b:s23+s16], $0x100, s17, s16, $0x38;
	[tilespmem:$0x1C200] =	vst v63  }
0x35: {  	p0 =	sne.s32 s22, $0x9C0;
	_ =	swait.ge [sflag:s15], $0x100  }
0x36: {  	[sflag:s15] =	ssyncset.done $0x0  }
0x37: {  	s22 =	sadd.s32 $0x10, s23;
	[sflag:s15] =	ssyncadd.s32 $0xFFFFFF00  }
0x38: {  	[tilespmem:s19], [sflag:$0x1] =	stream.strided.gather [hbm4b:s22+s16], $0x100, s17, s16, $0x38;
	[tilespmem:$0x1C200] =	vst v63  }
0x39: {  	_ =	swait.ge [sflag:s15], $0x100  }
0x3a: {  	[sflag:s15] =	ssyncset.done $0x0  }
0x3b: {  	[sflag:s15] =	ssyncadd.s32 $0xFFFFFF00  }
0x3c: {  	[tilespmem:s14], [sflag:$0x1] =	stream.indirect.gather [hbm4b:s5+s17], $0x80, s18, s17, $0xb8;
	[tilespmem:$0x1C200] =	vst v63  }
0x3d: {  	_ =	swait.ge [sflag:s15], $0x8000  }
.Ltmp0:
0x3e: {  	[sflag:s15] =	ssyncset.done $0x0;
	(pc) =	sbr.rel @p0 .LBB2_2-.Ltmp0, $4  }
0x3f: {  	[sflag:s15] =	ssyncadd.s32 $0xFFFF8000  }
0x40: {  	[spmem:s3] =	stream.indirect.scatter.add.f32 [tilespmem:s14], [sflag:$0x1], $0x80, s19, s17, $0xb8;
	[tilespmem:$0x1C200] =	vst v63  }
0x41: {  	_ =	swait.ge [sflag:s15], $0x8000  }
0x42: {  	s22 =	smov.u32 s24;
	[sflag:s15] =	ssyncset.done $0x0  }
0x43: {  	s21 =	sadd.s32 s21, s13;
	[sflag:s15] =	ssyncadd.s32 $0xFFFF8000  }
0x44: {  	[tilespmem:s18], [sflag:$0x1] =	stream.strided.gather [hbm4b:s21+s16], $0x100, s17, s16, $0x38;
	[tilespmem:$0x1C200] =	vst v63  }
0x45: {  	_ =	swait.ge [sflag:s15], $0x100  }
0x46: {  	[sflag:s15] =	ssyncset.done $0x0  }
0x47: {  	s21 =	sadd.s32 $0x10, s21;
	[sflag:s15] =	ssyncadd.s32 $0xFFFFFF00  }
0x48: {  	[tilespmem:s19], [sflag:$0x1] =	stream.strided.gather [hbm4b:s21+s16], $0x100, s17, s16, $0x38;
	[tilespmem:$0x1C200] =	vst v63  }
0x49: {  	_ =	swait.ge [sflag:s15], $0x100  }
0x4a: {  	[sflag:s15] =	ssyncset.done $0x0  }
0x4b: {  	[sflag:s15] =	ssyncadd.s32 $0xFFFFFF00  }
0x4c: {  	[tilespmem:s14], [sflag:$0x1] =	stream.indirect.gather [hbm4b:s5+s17], $0x80, s18, s17, $0xb8;
	[tilespmem:$0x1C200] =	vst v63  }
0x4d: {  	_ =	swait.ge [sflag:s15], $0x8000  }
0x4e: {  	[sflag:s15] =	ssyncset.done $0x0  }
0x4f: {  	[sflag:s15] =	ssyncadd.s32 $0xFFFF8000  }
0x50: {  	[spmem:s3] =	stream.indirect.scatter.add.f32 [tilespmem:s14], [sflag:$0x1], $0x80, s19, s17, $0xb8;
	[tilespmem:$0x1C200] =	vst v63  }
0x51: {  	_ =	swait.ge [sflag:s15], $0x8000  }
0x52: {  	[sflag:s15] =	ssyncset.done $0x0  }
0x53: {  	[sflag:s15] =	ssyncadd.s32 $0xFFFF8000  }
0x54: {  	[bflag:$0x0] =	sbarrier.arrive $0xFFFF  }
0x55: {  	[tilespmem:s14], [sflag:$0x1] =	stream.linear.gather [spmem:s6], $0x8000, $0x38;
	[tilespmem:$0x1C200] =	vst v63  }
0x56: {  	_ =	swait.ge [sflag:s15], $0x8000  }
0x57: {  	[sflag:s15] =	ssyncset.done $0x0  }
0x58: {  	[sflag:s15] =	ssyncadd.s32 $0xFFFF8000  }
0x59: {  	[hbm4b:s9+s4] =	stream.linear.scatter [tilespmem:s14], [sflag:$0x1], $0x8000, $0x38;
	[tilespmem:$0x1C200] =	vst v63  }
0x5a: {  	_ =	swait.ge [sflag:s15], $0x8000  }
0x5b: {  	[sflag:s15] =	ssyncset.done $0x0  }
0x5c: {  	[sflag:s15] =	ssyncadd.s32 $0xFFFF8000  }
0x5d: {  	[tilespmem:s14], [sflag:$0x1] =	stream.linear.gather [spmem:s7], $0x8000, $0x38;
	[tilespmem:$0x1C200] =	vst v63  }
0x5e: {  	_ =	swait.ge [sflag:s15], $0x8000  }
0x5f: {  	[sflag:s15] =	ssyncset.done $0x0  }
0x60: {  	[sflag:s15] =	ssyncadd.s32 $0xFFFF8000  }
0x61: {  	[hbm4b:s10+s4] =	stream.linear.scatter [tilespmem:s14], [sflag:$0x1], $0x8000, $0x38;
	[tilespmem:$0x1C200] =	vst v63  }
0x62: {  	_ =	swait.ge [sflag:s15], $0x8000  }
0x63: {  	[sflag:s15] =	ssyncset.done $0x0  }
0x64: {  	[sflag:s15] =	ssyncadd.s32 $0xFFFF8000  }
0x65: {  	[tilespmem:s14], [sflag:$0x1] =	stream.linear.gather [spmem:s8], $0x4000, $0x38;
	[tilespmem:$0x1C200] =	vst v63  }
0x66: {  	s20 =	sadd.s32 $0x1, s20;
	_ =	swait.ge [sflag:s15], $0x4000  }
0x67: {  	p0 =	sne.s32 s20, s12;
	[sflag:s15] =	ssyncset.done $0x0  }
.Ltmp1:
0x68: {  	[sflag:s15] =	ssyncadd.s32 $0xFFFFC000;
	(pc) =	sbr.rel @p0 .LBB2_1-.Ltmp1, $4  }
0x69: {  	[hbm4b:s11+s4] =	stream.linear.scatter [tilespmem:s14], [sflag:$0x1], $0x4000, $0x38;
	[tilespmem:$0x1C200] =	vst v63  }
0x6a: {  	_ =	swait.ge [sflag:s15], $0x4000  }
0x6b: {  	[sflag:s15] =	ssyncset.done $0x0  }
0x6c: {  	[sflag:s15] =	ssyncadd.s32 $0xFFFFC000  }
0x6d: {  	_ =	sfence.sel $0x180000  }
0x6e: {  	[bflag:$0x0] =	sbarrier.arrive $0xFFFF  }
0x6f: {  	p0 =	sne.s32 s1, $0x0;
	_ =	strace $0x90000050  }
0x70: {  	s0 =	sadd.s32 @!p0 $0x100000, s0;
	[bflag:$0x2] =	sbarrier.arrive $0xFFFF  }
0x71: {  	[sflag:s0] =	ssyncadd.tile.s32 @!p0 $0x1;
	_ =	shalt  }
.Lfunc_end2:
_tile_overlayer_lowered:
.L_overlay_start_2:
0x72: {  	(tag) =	ssettag $0x2  }
0x73: {  	s0 =	rddreg [dreg:$0x0];
	s2 =	stileid.u32  }
0x74: {  	s1 =	rddreg [dreg:$0x1];
	p0 =	sne.s32 s2, $0x0  }
0x75: {  	s3 =	rddreg [dreg:$0x2];
	[bflag:$0x3] =	sbarrier.arrive $0xFFFF;
	s2 =	simm.s32 @!p0 $0x1C01  }
0x76: {  	[timem:s3], [sflag:s2] =	dma.local @!p0 [hbm:s0], s1  }
0x77: {  	s0 =	simm.s32 @!p0 $0x1  }
0x78: {  	_ =	swait.ge @!p0 [sflag:s0], s1  }
0x79: {  	s1 =	ssub.s32 @!p0 $0x0, s1;
	[sflag:s0] =	ssyncset.done @!p0 $0x0  }
0x7a: {  	[sflag:s0] =	ssyncadd.s32 @!p0 s1  }
0x7b: {  	[bflag:$0x3] =	sbarrier.arrive $0xFFFF  }
0x7c: {  	_ =	shalt  }

</sc_bundles>
